<compile_context>
chip_gen: v7x
topology: tpu7x:2x2x1
jax: 0.10.2.dev20260603
libtpu: 0.0.44.dev20260713+nightly
codegen_flags: <defaults>
</compile_context>

<pallas_src>
import jax
import jax.numpy as jnp
from jax import lax
from jax.experimental import pallas as pl
from jax.experimental.pallas import tpu as pltpu
from jax.experimental.pallas import tpu_sc as plsc

D = 128
SCALE = float(D) ** 0.5
NC, NS = 2, 16
NW = NC * NS
XROWS = 4096
SEQ = 50
RPW = XROWS // NW
CROWS = 1
NCHUNK = RPW // CROWS
NBUF = 8
PREF = 5


def _emb_body(x_hbm, table_hbm, out_hbm, idx_v,
              r0, r1, r2, r3, r4, r5, r6, r7,
              g0, g1, g2, g3, g4, g5, g6, g7,
              w0, w1, w2, w3, w4, w5, w6, w7):
    bufs = (r0, r1, r2, r3, r4, r5, r6, r7)
    gsems = (g0, g1, g2, g3, g4, g5, g6, g7)
    wsems = (w0, w1, w2, w3, w4, w5, w6, w7)

    wid = lax.axis_index("s") * NC + lax.axis_index("c")
    xbase = wid * RPW
    pltpu.sync_copy(x_hbm.at[pl.ds(xbase, RPW), :], idx_v)

    def gather(c, b):
        return pltpu.make_async_copy(
            table_hbm.at[idx_v.at[c]], bufs[b], gsems[b])

    def scatter(c, b):
        return pltpu.make_async_copy(
            bufs[b], out_hbm.at[xbase + c], wsems[b])

    for b in range(PREF):
        gather(b, b).start()

    def outer(g, carry):
        for b in range(NBUF):
            c = g * NBUF + b

            bp = (b + PREF) % NBUF

            @pl.when(c + PREF < NCHUNK)
            def _():
                @pl.when(c + PREF - NBUF >= 0)
                def _():
                    scatter(c + PREF - NBUF, bp).wait()
                gather(c + PREF, bp).start()

            gather(c, b).wait()

            def row_body(i, carry2):
                for j in range(D // 16):
                    sl = pl.ds(j * 16, 16)
                    bufs[b][i, sl] = bufs[b][i, sl] * SCALE
                return carry2

            lax.fori_loop(0, SEQ, row_body, 0, unroll=2)
            scatter(c, b).start()
        return carry

    lax.fori_loop(0, NCHUNK // NBUF, outer, 0)

    for b in range(NBUF):
        scatter(NCHUNK - NBUF + b, b).wait()


@jax.jit
def kernel(x, tok_embed_weight):
    idx = x.astype(jnp.int32)
    mesh = plsc.VectorSubcoreMesh(
        core_axis_name="c", subcore_axis_name="s",
        num_cores=NC, num_subcores=NS,
    )
    out = pl.kernel(
        _emb_body,
        out_type=jax.ShapeDtypeStruct((XROWS, SEQ, D), jnp.float32),
        mesh=mesh,
        scratch_types=(
            [pltpu.VMEM((RPW, SEQ), jnp.int32)]
            + [pltpu.VMEM((SEQ, D), jnp.float32) for _ in range(NBUF)]
            + [pltpu.SemaphoreType.DMA for _ in range(2 * NBUF)]
        ),
    )(idx, tok_embed_weight)
    return out

# --- scband reference (transcript-rebuilt; emitter-appended) ---
"""Pipeline reference for scband-gemma3-embedding-86157043958047 (READ-ONLY COPY).

The authoritative reference and input builder live on the scoring server;
editing this copy changes nothing except your own understanding.
"""

import jax, jax.numpy as jnp
import numpy as np

VOCAB = 1000000
EMBED_DIM = 128

def setup_inputs(seed: int = 0) -> dict:
    key = jax.random.key(seed)
    k1, k2 = jax.random.split(key)
    x = jax.random.randint(k1, (4096, 50), 0, VOCAB, dtype=jnp.int64)
    tok_embed_weight = jax.random.normal(k2, (VOCAB, EMBED_DIM), dtype=jnp.float32) * 0.02
    return {"x": x, "tok_embed_weight": tok_embed_weight}

def reference(x, tok_embed_weight):
    # Gemma3Embedding.forward: self.tok_embed(x) * self.embed_dim ** 0.5
    emb = jnp.take(tok_embed_weight, x, axis=0)
    return emb * (EMBED_DIM ** 0.5)

if __name__ == "__main__":
    import jax
    _d = setup_inputs()
    print(jax.jit(kernel)(*tuple(_d.values())))

</pallas_src>

<mosaic_0001>
#map = affine_map<(d0, d1) -> (0, 0)>
#map1 = affine_map<(d0, d1) -> (0, 0, 0)>
module attributes {stable_mosaic.version = 14 : i64} {
  func.func @_emb_body(%arg0: i32, %arg1: i32, %arg2: memref<4096x50xi32, #tpu.memory_space<hbm>>, %arg3: memref<1000000x128xf32, #tpu.memory_space<hbm>>, %arg4: memref<4096x50x128xf32, #tpu.memory_space<hbm>>, %arg5: memref<128x50xi32, #tpu.memory_space<vmem>>, %arg6: memref<50x128xf32, #tpu.memory_space<vmem>>, %arg7: memref<50x128xf32, #tpu.memory_space<vmem>>, %arg8: memref<50x128xf32, #tpu.memory_space<vmem>>, %arg9: memref<50x128xf32, #tpu.memory_space<vmem>>, %arg10: memref<50x128xf32, #tpu.memory_space<vmem>>, %arg11: memref<50x128xf32, #tpu.memory_space<vmem>>, %arg12: memref<50x128xf32, #tpu.memory_space<vmem>>, %arg13: memref<50x128xf32, #tpu.memory_space<vmem>>, %arg14: memref<!tpu.dma_semaphore, #tpu.memory_space<semaphore_mem>>, %arg15: memref<!tpu.dma_semaphore, #tpu.memory_space<semaphore_mem>>, %arg16: memref<!tpu.dma_semaphore, #tpu.memory_space<semaphore_mem>>, %arg17: memref<!tpu.dma_semaphore, #tpu.memory_space<semaphore_mem>>, %arg18: memref<!tpu.dma_semaphore, #tpu.memory_space<semaphore_mem>>, %arg19: memref<!tpu.dma_semaphore, #tpu.memory_space<semaphore_mem>>, %arg20: memref<!tpu.dma_semaphore, #tpu.memory_space<semaphore_mem>>, %arg21: memref<!tpu.dma_semaphore, #tpu.memory_space<semaphore_mem>>, %arg22: memref<!tpu.dma_semaphore, #tpu.memory_space<semaphore_mem>>, %arg23: memref<!tpu.dma_semaphore, #tpu.memory_space<semaphore_mem>>, %arg24: memref<!tpu.dma_semaphore, #tpu.memory_space<semaphore_mem>>, %arg25: memref<!tpu.dma_semaphore, #tpu.memory_space<semaphore_mem>>, %arg26: memref<!tpu.dma_semaphore, #tpu.memory_space<semaphore_mem>>, %arg27: memref<!tpu.dma_semaphore, #tpu.memory_space<semaphore_mem>>, %arg28: memref<!tpu.dma_semaphore, #tpu.memory_space<semaphore_mem>>, %arg29: memref<!tpu.dma_semaphore, #tpu.memory_space<semaphore_mem>>) attributes {dimension_semantics = [#tpu.dimension_semantics<core_parallel>, #tpu.dimension_semantics<subcore_parallel>], iteration_bounds = array<i64: 2, 16>, scalar_prefetch = 0 : i64, scratch_operands = 25 : i64, tpu.core_type = #tpu.core_type<sc_vector_subcore>, window_params = [{transform_indices = #map}, {transform_indices = #map}, {transform_indices = #map1}]} {
    %mul3A = arith.constant 2 : i32
    %mul3A_0 = arith.muli %arg1, %mul3A : i32
    %add3A = arith.addi %mul3A_0, %arg0 : i32
    %mul3A_1 = arith.constant 128 : i32
    %mul3A_2 = arith.muli %add3A, %mul3A_1 : i32
    "tpu.region"() ({
      %run_scoped3A = tpu.sem_alloc : memref<!tpu.dma_semaphore, #tpu.memory_space<semaphore_mem>>
      %dma_start3A_121 = arith.constant 0 : i32
      %dma_start3A_122 = tpu.memref_slice %arg2[%mul3A_2, %dma_start3A_121] : memref<4096x50xi32, #tpu.memory_space<hbm>> -> memref<128x50xi32, #tpu.memory_space<hbm>>
      %dma_start3A_123 = arith.constant 0 : i32
      %dma_start3A_124 = tpu.memref_slice %arg2[%mul3A_2, %dma_start3A_123] : memref<4096x50xi32, #tpu.memory_space<hbm>> -> memref<128x50xi32, #tpu.memory_space<hbm>>
      tpu.enqueue_dma source(%dma_start3A_124 : memref<128x50xi32, #tpu.memory_space<hbm>>) target(%arg5 : memref<128x50xi32, #tpu.memory_space<vmem>>) target_semaphore(%run_scoped3A : memref<!tpu.dma_semaphore, #tpu.memory_space<semaphore_mem>>)
      %dma_wait3A_125 = arith.constant 0 : i32
      %dma_wait3A_126 = tpu.memref_slice %arg2[%mul3A_2, %dma_wait3A_125] : memref<4096x50xi32, #tpu.memory_space<hbm>> -> memref<128x50xi32, #tpu.memory_space<hbm>>
      %dma_wait3A_127 = arith.constant 0 : i32
      %dma_wait3A_128 = tpu.memref_slice %arg2[%mul3A_2, %dma_wait3A_127] : memref<4096x50xi32, #tpu.memory_space<hbm>> -> memref<128x50xi32, #tpu.memory_space<hbm>>
      tpu.wait_dma2 semaphore(%run_scoped3A : memref<!tpu.dma_semaphore, #tpu.memory_space<semaphore_mem>>) src(%dma_wait3A_128 : memref<128x50xi32, #tpu.memory_space<hbm>>) dst(%arg5 : memref<128x50xi32, #tpu.memory_space<vmem>>)
      tpu.yield
    }) : () -> ()
    %dma_start3A = arith.constant 0 : i32
    %dma_start3A_3 = arith.constant 0 : i32
    %dma_start3A_4 = tpu.memref_slice %arg5[%dma_start3A, %dma_start3A_3] : memref<128x50xi32, #tpu.memory_space<vmem>> -> memref<1x50xi32, #tpu.memory_space<vmem>>
    %dma_start3A_5 = tpu.memref_squeeze %dma_start3A_4 : memref<1x50xi32, #tpu.memory_space<vmem>> -> memref<50xi32, #tpu.memory_space<vmem>>
    %dma_start3A_6 = arith.constant 0 : i32
    %dma_start3A_7 = arith.constant 0 : i32
    %dma_start3A_8 = tpu.memref_slice %arg3[%dma_start3A_6, %dma_start3A_7] : memref<1000000x128xf32, #tpu.memory_space<hbm>> -> memref<1000000x128xf32, #tpu.memory_space<hbm>>
    tpu.enqueue_indirect_dma source(%dma_start3A_8 : memref<1000000x128xf32, #tpu.memory_space<hbm>>) target(%arg6 : memref<50x128xf32, #tpu.memory_space<vmem>>) offsets(%dma_start3A_5 : memref<50xi32, #tpu.memory_space<vmem>>) semaphore(%arg14 : memref<!tpu.dma_semaphore, #tpu.memory_space<semaphore_mem>>)
    %dma_start3A_9 = arith.constant 1 : i32
    %dma_start3A_10 = arith.constant 0 : i32
    %dma_start3A_11 = tpu.memref_slice %arg5[%dma_start3A_9, %dma_start3A_10] : memref<128x50xi32, #tpu.memory_space<vmem>> -> memref<1x50xi32, #tpu.memory_space<vmem>>
    %dma_start3A_12 = tpu.memref_squeeze %dma_start3A_11 : memref<1x50xi32, #tpu.memory_space<vmem>> -> memref<50xi32, #tpu.memory_space<vmem>>
    %dma_start3A_13 = arith.constant 0 : i32
    %dma_start3A_14 = arith.constant 0 : i32
    %dma_start3A_15 = tpu.memref_slice %arg3[%dma_start3A_13, %dma_start3A_14] : memref<1000000x128xf32, #tpu.memory_space<hbm>> -> memref<1000000x128xf32, #tpu.memory_space<hbm>>
    tpu.enqueue_indirect_dma source(%dma_start3A_15 : memref<1000000x128xf32, #tpu.memory_space<hbm>>) target(%arg7 : memref<50x128xf32, #tpu.memory_space<vmem>>) offsets(%dma_start3A_12 : memref<50xi32, #tpu.memory_space<vmem>>) semaphore(%arg15 : memref<!tpu.dma_semaphore, #tpu.memory_space<semaphore_mem>>)
    %dma_start3A_16 = arith.constant 2 : i32
    %dma_start3A_17 = arith.constant 0 : i32
    %dma_start3A_18 = tpu.memref_slice %arg5[%dma_start3A_16, %dma_start3A_17] : memref<128x50xi32, #tpu.memory_space<vmem>> -> memref<1x50xi32, #tpu.memory_space<vmem>>
    %dma_start3A_19 = tpu.memref_squeeze %dma_start3A_18 : memref<1x50xi32, #tpu.memory_space<vmem>> -> memref<50xi32, #tpu.memory_space<vmem>>
    %dma_start3A_20 = arith.constant 0 : i32
    %dma_start3A_21 = arith.constant 0 : i32
    %dma_start3A_22 = tpu.memref_slice %arg3[%dma_start3A_20, %dma_start3A_21] : memref<1000000x128xf32, #tpu.memory_space<hbm>> -> memref<1000000x128xf32, #tpu.memory_space<hbm>>
    tpu.enqueue_indirect_dma source(%dma_start3A_22 : memref<1000000x128xf32, #tpu.memory_space<hbm>>) target(%arg8 : memref<50x128xf32, #tpu.memory_space<vmem>>) offsets(%dma_start3A_19 : memref<50xi32, #tpu.memory_space<vmem>>) semaphore(%arg16 : memref<!tpu.dma_semaphore, #tpu.memory_space<semaphore_mem>>)
    %dma_start3A_23 = arith.constant 3 : i32
    %dma_start3A_24 = arith.constant 0 : i32
    %dma_start3A_25 = tpu.memref_slice %arg5[%dma_start3A_23, %dma_start3A_24] : memref<128x50xi32, #tpu.memory_space<vmem>> -> memref<1x50xi32, #tpu.memory_space<vmem>>
    %dma_start3A_26 = tpu.memref_squeeze %dma_start3A_25 : memref<1x50xi32, #tpu.memory_space<vmem>> -> memref<50xi32, #tpu.memory_space<vmem>>
    %dma_start3A_27 = arith.constant 0 : i32
    %dma_start3A_28 = arith.constant 0 : i32
    %dma_start3A_29 = tpu.memref_slice %arg3[%dma_start3A_27, %dma_start3A_28] : memref<1000000x128xf32, #tpu.memory_space<hbm>> -> memref<1000000x128xf32, #tpu.memory_space<hbm>>
    tpu.enqueue_indirect_dma source(%dma_start3A_29 : memref<1000000x128xf32, #tpu.memory_space<hbm>>) target(%arg9 : memref<50x128xf32, #tpu.memory_space<vmem>>) offsets(%dma_start3A_26 : memref<50xi32, #tpu.memory_space<vmem>>) semaphore(%arg17 : memref<!tpu.dma_semaphore, #tpu.memory_space<semaphore_mem>>)
    %dma_start3A_30 = arith.constant 4 : i32
    %dma_start3A_31 = arith.constant 0 : i32
    %dma_start3A_32 = tpu.memref_slice %arg5[%dma_start3A_30, %dma_start3A_31] : memref<128x50xi32, #tpu.memory_space<vmem>> -> memref<1x50xi32, #tpu.memory_space<vmem>>
    %dma_start3A_33 = tpu.memref_squeeze %dma_start3A_32 : memref<1x50xi32, #tpu.memory_space<vmem>> -> memref<50xi32, #tpu.memory_space<vmem>>
    %dma_start3A_34 = arith.constant 0 : i32
    %dma_start3A_35 = arith.constant 0 : i32
    %dma_start3A_36 = tpu.memref_slice %arg3[%dma_start3A_34, %dma_start3A_35] : memref<1000000x128xf32, #tpu.memory_space<hbm>> -> memref<1000000x128xf32, #tpu.memory_space<hbm>>
    tpu.enqueue_indirect_dma source(%dma_start3A_36 : memref<1000000x128xf32, #tpu.memory_space<hbm>>) target(%arg10 : memref<50x128xf32, #tpu.memory_space<vmem>>) offsets(%dma_start3A_33 : memref<50xi32, #tpu.memory_space<vmem>>) semaphore(%arg18 : memref<!tpu.dma_semaphore, #tpu.memory_space<semaphore_mem>>)
    %scan3A = arith.constant 0 : i32
    %scan3A_37 = arith.constant 0 : i32
    %scan3A_38 = arith.constant 16 : i32
    %scan3A_39 = arith.addi %scan3A_37, %scan3A_38 : i32
    %scan3A_40 = arith.constant 1 : i32
    scf.for %scan3A_121 = %scan3A_37 to %scan3A_39 step %scan3A_40  : i32 {
      %mul3A_122 = arith.constant 8 : i32
      %mul3A_123 = arith.muli %scan3A_121, %mul3A_122 : i32
      %add3A_124 = arith.constant 0 : i32
      %add3A_125 = arith.addi %mul3A_123, %add3A_124 : i32
      %add3A_126 = arith.constant 5 : i32
      %add3A_127 = arith.addi %add3A_125, %add3A_126 : i32
      %lt3A = arith.constant 128 : i32
      %lt3A_128 = arith.cmpi slt, %add3A_127, %lt3A : i32
      %convert_element_type3A = arith.extui %lt3A_128 : i1 to i32
      %cond3A = arith.constant 0 : i32
      %cond3A_129 = arith.cmpi ne, %convert_element_type3A, %cond3A : i32
      scf.if %cond3A_129 {
        %add3A_375 = arith.constant 5 : i32
        %add3A_376 = arith.addi %add3A_125, %add3A_375 : i32
        %sub3A = arith.constant 8 : i32
        %sub3A_377 = arith.subi %add3A_376, %sub3A : i32
        %ge3A = arith.constant 0 : i32
        %ge3A_378 = arith.cmpi sge, %sub3A_377, %ge3A : i32
        %convert_element_type3A_379 = arith.extui %ge3A_378 : i1 to i32
        %cond3A_380 = arith.constant 0 : i32
        %cond3A_381 = arith.cmpi ne, %convert_element_type3A_379, %cond3A_380 : i32
        scf.if %cond3A_381 {
          %add3A_390 = arith.constant 5 : i32
          %add3A_391 = arith.addi %add3A_125, %add3A_390 : i32
          %sub3A_392 = arith.constant 8 : i32
          %sub3A_393 = arith.subi %add3A_391, %sub3A_392 : i32
          %add3A_394 = arith.addi %mul3A_2, %sub3A_393 : i32
          %dma_wait3A_395 = arith.constant 0 : i32
          %dma_wait3A_396 = arith.constant 0 : i32
          %dma_wait3A_397 = tpu.memref_slice %arg4[%add3A_394, %dma_wait3A_395, %dma_wait3A_396] : memref<4096x50x128xf32, #tpu.memory_space<hbm>> -> memref<1x50x128xf32, #tpu.memory_space<hbm>>
          %dma_wait3A_398 = tpu.memref_squeeze %dma_wait3A_397 : memref<1x50x128xf32, #tpu.memory_space<hbm>> -> memref<50x128xf32, #tpu.memory_space<hbm>>
          %dma_wait3A_399 = arith.constant 0 : i32
          %dma_wait3A_400 = arith.constant 0 : i32
          %dma_wait3A_401 = tpu.memref_slice %arg4[%add3A_394, %dma_wait3A_399, %dma_wait3A_400] : memref<4096x50x128xf32, #tpu.memory_space<hbm>> -> memref<1x50x128xf32, #tpu.memory_space<hbm>>
          %dma_wait3A_402 = tpu.memref_squeeze %dma_wait3A_401 : memref<1x50x128xf32, #tpu.memory_space<hbm>> -> memref<50x128xf32, #tpu.memory_space<hbm>>
          tpu.wait_dma2 semaphore(%arg27 : memref<!tpu.dma_semaphore, #tpu.memory_space<semaphore_mem>>) src(%arg11 : memref<50x128xf32, #tpu.memory_space<vmem>>) dst(%dma_wait3A_402 : memref<50x128xf32, #tpu.memory_space<hbm>>)
        } else {
        }
        %add3A_382 = arith.constant 5 : i32
        %add3A_383 = arith.addi %add3A_125, %add3A_382 : i32
        %dma_start3A_384 = arith.constant 0 : i32
        %dma_start3A_385 = tpu.memref_slice %arg5[%add3A_383, %dma_start3A_384] : memref<128x50xi32, #tpu.memory_space<vmem>> -> memref<1x50xi32, #tpu.memory_space<vmem>>
        %dma_start3A_386 = tpu.memref_squeeze %dma_start3A_385 : memref<1x50xi32, #tpu.memory_space<vmem>> -> memref<50xi32, #tpu.memory_space<vmem>>
        %dma_start3A_387 = arith.constant 0 : i32
        %dma_start3A_388 = arith.constant 0 : i32
        %dma_start3A_389 = tpu.memref_slice %arg3[%dma_start3A_387, %dma_start3A_388] : memref<1000000x128xf32, #tpu.memory_space<hbm>> -> memref<1000000x128xf32, #tpu.memory_space<hbm>>
        tpu.enqueue_indirect_dma source(%dma_start3A_389 : memref<1000000x128xf32, #tpu.memory_space<hbm>>) target(%arg11 : memref<50x128xf32, #tpu.memory_space<vmem>>) offsets(%dma_start3A_386 : memref<50xi32, #tpu.memory_space<vmem>>) semaphore(%arg19 : memref<!tpu.dma_semaphore, #tpu.memory_space<semaphore_mem>>)
      } else {
      }
      %dma_wait3A_130 = arith.constant 0 : i32
      %dma_wait3A_131 = tpu.memref_slice %arg5[%add3A_125, %dma_wait3A_130] : memref<128x50xi32, #tpu.memory_space<vmem>> -> memref<1x50xi32, #tpu.memory_space<vmem>>
      %dma_wait3A_132 = tpu.memref_squeeze %dma_wait3A_131 : memref<1x50xi32, #tpu.memory_space<vmem>> -> memref<50xi32, #tpu.memory_space<vmem>>
      %dma_wait3A_133 = arith.constant 0 : i32
      %dma_wait3A_134 = arith.constant 0 : i32
      %dma_wait3A_135 = tpu.memref_slice %arg3[%dma_wait3A_133, %dma_wait3A_134] : memref<1000000x128xf32, #tpu.memory_space<hbm>> -> memref<1000000x128xf32, #tpu.memory_space<hbm>>
      tpu.wait_indirect_dma semaphore(%arg14 : memref<!tpu.dma_semaphore, #tpu.memory_space<semaphore_mem>>) src(%dma_wait3A_135 : memref<1000000x128xf32, #tpu.memory_space<hbm>>) dst(%arg6 : memref<50x128xf32, #tpu.memory_space<vmem>>)
      %scan3A_136 = arith.constant 0 : i32
      %scan3A_137 = arith.constant 0 : i32
      %scan3A_138 = arith.constant 50 : i32
      %scan3A_139 = arith.addi %scan3A_137, %scan3A_138 : i32
      %scan3A_140 = arith.constant 2 : i32
      scf.for %scan3A_375 = %scan3A_137 to %scan3A_139 step %scan3A_140  : i32 {
        %get3A = arith.index_cast %scan3A_375 : i32 to index
        %get3A_376 = arith.constant 0 : index
        %get3A_377 = tpu.vector_load %arg6[%get3A, %get3A_376] {strides = array<i32>} : memref<50x128xf32, #tpu.memory_space<vmem>>, vector<1x16xf32>,
        %get3A_378 = vector.shape_cast %get3A_377 : vector<1x16xf32> to vector<16xf32>
        %mul3A_379 = arith.constant 11.3137083 : f32
        %mul3A_380 = vector.broadcast %mul3A_379 : f32 to vector<16xf32>
        %mul3A_381 = arith.mulf %get3A_378, %mul3A_380 : vector<16xf32>
        %swap3A = arith.index_cast %scan3A_375 : i32 to index
        %swap3A_382 = arith.constant 0 : index
        %swap3A_383 = tpu.vector_load %arg6[%swap3A, %swap3A_382] {strides = array<i32>} : memref<50x128xf32, #tpu.memory_space<vmem>>, vector<1x16xf32>,
        %swap3A_384 = vector.shape_cast %swap3A_383 : vector<1x16xf32> to vector<16xf32>
        %swap3A_385 = vector.shape_cast %mul3A_381 : vector<16xf32> to vector<1x16xf32>
        tpu.vector_store %arg6[%swap3A, %swap3A_382], %swap3A_385 {strides = array<i32>} : memref<50x128xf32, #tpu.memory_space<vmem>>, vector<1x16xf32>,
        %get3A_386 = arith.index_cast %scan3A_375 : i32 to index
        %get3A_387 = arith.constant 16 : index
        %get3A_388 = tpu.vector_load %arg6[%get3A_386, %get3A_387] {strides = array<i32>} : memref<50x128xf32, #tpu.memory_space<vmem>>, vector<1x16xf32>,
        %get3A_389 = vector.shape_cast %get3A_388 : vector<1x16xf32> to vector<16xf32>
        %mul3A_390 = arith.constant 11.3137083 : f32
        %mul3A_391 = vector.broadcast %mul3A_390 : f32 to vector<16xf32>
        %mul3A_392 = arith.mulf %get3A_389, %mul3A_391 : vector<16xf32>
        %swap3A_393 = arith.index_cast %scan3A_375 : i32 to index
        %swap3A_394 = arith.constant 16 : index
        %swap3A_395 = tpu.vector_load %arg6[%swap3A_393, %swap3A_394] {strides = array<i32>} : memref<50x128xf32, #tpu.memory_space<vmem>>, vector<1x16xf32>,
        %swap3A_396 = vector.shape_cast %swap3A_395 : vector<1x16xf32> to vector<16xf32>
        %swap3A_397 = vector.shape_cast %mul3A_392 : vector<16xf32> to vector<1x16xf32>
        tpu.vector_store %arg6[%swap3A_393, %swap3A_394], %swap3A_397 {strides = array<i32>} : memref<50x128xf32, #tpu.memory_space<vmem>>, vector<1x16xf32>,
        %get3A_398 = arith.index_cast %scan3A_375 : i32 to index
        %get3A_399 = arith.constant 32 : index
        %get3A_400 = tpu.vector_load %arg6[%get3A_398, %get3A_399] {strides = array<i32>} : memref<50x128xf32, #tpu.memory_space<vmem>>, vector<1x16xf32>,
        %get3A_401 = vector.shape_cast %get3A_400 : vector<1x16xf32> to vector<16xf32>
        %mul3A_402 = arith.constant 11.3137083 : f32
        %mul3A_403 = vector.broadcast %mul3A_402 : f32 to vector<16xf32>
        %mul3A_404 = arith.mulf %get3A_401, %mul3A_403 : vector<16xf32>
        %swap3A_405 = arith.index_cast %scan3A_375 : i32 to index
        %swap3A_406 = arith.constant 32 : index
        %swap3A_407 = tpu.vector_load %arg6[%swap3A_405, %swap3A_406] {strides = array<i32>} : memref<50x128xf32, #tpu.memory_space<vmem>>, vector<1x16xf32>,
        %swap3A_408 = vector.shape_cast %swap3A_407 : vector<1x16xf32> to vector<16xf32>
        %swap3A_409 = vector.shape_cast %mul3A_404 : vector<16xf32> to vector<1x16xf32>
        tpu.vector_store %arg6[%swap3A_405, %swap3A_406], %swap3A_409 {strides = array<i32>} : memref<50x128xf32, #tpu.memory_space<vmem>>, vector<1x16xf32>,
        %get3A_410 = arith.index_cast %scan3A_375 : i32 to index
        %get3A_411 = arith.constant 48 : index
        %get3A_412 = tpu.vector_load %arg6[%get3A_410, %get3A_411] {strides = array<i32>} : memref<50x128xf32, #tpu.memory_space<vmem>>, vector<1x16xf32>,
        %get3A_413 = vector.shape_cast %get3A_412 : vector<1x16xf32> to vector<16xf32>
        %mul3A_414 = arith.constant 11.3137083 : f32
        %mul3A_415 = vector.broadcast %mul3A_414 : f32 to vector<16xf32>
        %mul3A_416 = arith.mulf %get3A_413, %mul3A_415 : vector<16xf32>
        %swap3A_417 = arith.index_cast %scan3A_375 : i32 to index
        %swap3A_418 = arith.constant 48 : index
        %swap3A_419 = tpu.vector_load %arg6[%swap3A_417, %swap3A_418] {strides = array<i32>} : memref<50x128xf32, #tpu.memory_space<vmem>>, vector<1x16xf32>,
        %swap3A_420 = vector.shape_cast %swap3A_419 : vector<1x16xf32> to vector<16xf32>
        %swap3A_421 = vector.shape_cast %mul3A_416 : vector<16xf32> to vector<1x16xf32>
        tpu.vector_store %arg6[%swap3A_417, %swap3A_418], %swap3A_421 {strides = array<i32>} : memref<50x128xf32, #tpu.memory_space<vmem>>, vector<1x16xf32>,
        %get3A_422 = arith.index_cast %scan3A_375 : i32 to index
        %get3A_423 = arith.constant 64 : index
        %get3A_424 = tpu.vector_load %arg6[%get3A_422, %get3A_423] {strides = array<i32>} : memref<50x128xf32, #tpu.memory_space<vmem>>, vector<1x16xf32>,
        %get3A_425 = vector.shape_cast %get3A_424 : vector<1x16xf32> to vector<16xf32>
        %mul3A_426 = arith.constant 11.3137083 : f32
        %mul3A_427 = vector.broadcast %mul3A_426 : f32 to vector<16xf32>
        %mul3A_428 = arith.mulf %get3A_425, %mul3A_427 : vector<16xf32>
        %swap3A_429 = arith.index_cast %scan3A_375 : i32 to index
        %swap3A_430 = arith.constant 64 : index
        %swap3A_431 = tpu.vector_load %arg6[%swap3A_429, %swap3A_430] {strides = array<i32>} : memref<50x128xf32, #tpu.memory_space<vmem>>, vector<1x16xf32>,
        %swap3A_432 = vector.shape_cast %swap3A_431 : vector<1x16xf32> to vector<16xf32>
        %swap3A_433 = vector.shape_cast %mul3A_428 : vector<16xf32> to vector<1x16xf32>
        tpu.vector_store %arg6[%swap3A_429, %swap3A_430], %swap3A_433 {strides = array<i32>} : memref<50x128xf32, #tpu.memory_space<vmem>>, vector<1x16xf32>,
        %get3A_434 = arith.index_cast %scan3A_375 : i32 to index
        %get3A_435 = arith.constant 80 : index
        %get3A_436 = tpu.vector_load %arg6[%get3A_434, %get3A_435] {strides = array<i32>} : memref<50x128xf32, #tpu.memory_space<vmem>>, vector<1x16xf32>,
        %get3A_437 = vector.shape_cast %get3A_436 : vector<1x16xf32> to vector<16xf32>
        %mul3A_438 = arith.constant 11.3137083 : f32
        %mul3A_439 = vector.broadcast %mul3A_438 : f32 to vector<16xf32>
        %mul3A_440 = arith.mulf %get3A_437, %mul3A_439 : vector<16xf32>
        %swap3A_441 = arith.index_cast %scan3A_375 : i32 to index
        %swap3A_442 = arith.constant 80 : index
        %swap3A_443 = tpu.vector_load %arg6[%swap3A_441, %swap3A_442] {strides = array<i32>} : memref<50x128xf32, #tpu.memory_space<vmem>>, vector<1x16xf32>,
        %swap3A_444 = vector.shape_cast %swap3A_443 : vector<1x16xf32> to vector<16xf32>
        %swap3A_445 = vector.shape_cast %mul3A_440 : vector<16xf32> to vector<1x16xf32>
        tpu.vector_store %arg6[%swap3A_441, %swap3A_442], %swap3A_445 {strides = array<i32>} : memref<50x128xf32, #tpu.memory_space<vmem>>, vector<1x16xf32>,
        %get3A_446 = arith.index_cast %scan3A_375 : i32 to index
        %get3A_447 = arith.constant 96 : index
        %get3A_448 = tpu.vector_load %arg6[%get3A_446, %get3A_447] {strides = array<i32>} : memref<50x128xf32, #tpu.memory_space<vmem>>, vector<1x16xf32>,
        %get3A_449 = vector.shape_cast %get3A_448 : vector<1x16xf32> to vector<16xf32>
        %mul3A_450 = arith.constant 11.3137083 : f32
        %mul3A_451 = vector.broadcast %mul3A_450 : f32 to vector<16xf32>
        %mul3A_452 = arith.mulf %get3A_449, %mul3A_451 : vector<16xf32>
        %swap3A_453 = arith.index_cast %scan3A_375 : i32 to index
        %swap3A_454 = arith.constant 96 : index
        %swap3A_455 = tpu.vector_load %arg6[%swap3A_453, %swap3A_454] {strides = array<i32>} : memref<50x128xf32, #tpu.memory_space<vmem>>, vector<1x16xf32>,
        %swap3A_456 = vector.shape_cast %swap3A_455 : vector<1x16xf32> to vector<16xf32>
        %swap3A_457 = vector.shape_cast %mul3A_452 : vector<16xf32> to vector<1x16xf32>
        tpu.vector_store %arg6[%swap3A_453, %swap3A_454], %swap3A_457 {strides = array<i32>} : memref<50x128xf32, #tpu.memory_space<vmem>>, vector<1x16xf32>,
        %get3A_458 = arith.index_cast %scan3A_375 : i32 to index
        %get3A_459 = arith.constant 112 : index
        %get3A_460 = tpu.vector_load %arg6[%get3A_458, %get3A_459] {strides = array<i32>} : memref<50x128xf32, #tpu.memory_space<vmem>>, vector<1x16xf32>,
        %get3A_461 = vector.shape_cast %get3A_460 : vector<1x16xf32> to vector<16xf32>
        %mul3A_462 = arith.constant 11.3137083 : f32
        %mul3A_463 = vector.broadcast %mul3A_462 : f32 to vector<16xf32>
        %mul3A_464 = arith.mulf %get3A_461, %mul3A_463 : vector<16xf32>
        %swap3A_465 = arith.index_cast %scan3A_375 : i32 to index
        %swap3A_466 = arith.constant 112 : index
        %swap3A_467 = tpu.vector_load %arg6[%swap3A_465, %swap3A_466] {strides = array<i32>} : memref<50x128xf32, #tpu.memory_space<vmem>>, vector<1x16xf32>,
        %swap3A_468 = vector.shape_cast %swap3A_467 : vector<1x16xf32> to vector<16xf32>
        %swap3A_469 = vector.shape_cast %mul3A_464 : vector<16xf32> to vector<1x16xf32>
        tpu.vector_store %arg6[%swap3A_465, %swap3A_466], %swap3A_469 {strides = array<i32>} : memref<50x128xf32, #tpu.memory_space<vmem>>, vector<1x16xf32>,
        %scan3A_470 = arith.constant 1 : i32
        %scan3A_471 = arith.addi %scan3A_375, %scan3A_470 : i32
        %get3A_472 = arith.index_cast %scan3A_471 : i32 to index
        %get3A_473 = arith.constant 0 : index
        %get3A_474 = tpu.vector_load %arg6[%get3A_472, %get3A_473] {strides = array<i32>} : memref<50x128xf32, #tpu.memory_space<vmem>>, vector<1x16xf32>,
        %get3A_475 = vector.shape_cast %get3A_474 : vector<1x16xf32> to vector<16xf32>
        %mul3A_476 = arith.constant 11.3137083 : f32
        %mul3A_477 = vector.broadcast %mul3A_476 : f32 to vector<16xf32>
        %mul3A_478 = arith.mulf %get3A_475, %mul3A_477 : vector<16xf32>
        %swap3A_479 = arith.index_cast %scan3A_471 : i32 to index
        %swap3A_480 = arith.constant 0 : index
        %swap3A_481 = tpu.vector_load %arg6[%swap3A_479, %swap3A_480] {strides = array<i32>} : memref<50x128xf32, #tpu.memory_space<vmem>>, vector<1x16xf32>,
        %swap3A_482 = vector.shape_cast %swap3A_481 : vector<1x16xf32> to vector<16xf32>
        %swap3A_483 = vector.shape_cast %mul3A_478 : vector<16xf32> to vector<1x16xf32>
        tpu.vector_store %arg6[%swap3A_479, %swap3A_480], %swap3A_483 {strides = array<i32>} : memref<50x128xf32, #tpu.memory_space<vmem>>, vector<1x16xf32>,
        %get3A_484 = arith.index_cast %scan3A_471 : i32 to index
        %get3A_485 = arith.constant 16 : index
        %get3A_486 = tpu.vector_load %arg6[%get3A_484, %get3A_485] {strides = array<i32>} : memref<50x128xf32, #tpu.memory_space<vmem>>, vector<1x16xf32>,
        %get3A_487 = vector.shape_cast %get3A_486 : vector<1x16xf32> to vector<16xf32>
        %mul3A_488 = arith.constant 11.3137083 : f32
        %mul3A_489 = vector.broadcast %mul3A_488 : f32 to vector<16xf32>
        %mul3A_490 = arith.mulf %get3A_487, %mul3A_489 : vector<16xf32>
        %swap3A_491 = arith.index_cast %scan3A_471 : i32 to index
        %swap3A_492 = arith.constant 16 : index
        %swap3A_493 = tpu.vector_load %arg6[%swap3A_491, %swap3A_492] {strides = array<i32>} : memref<50x128xf32, #tpu.memory_space<vmem>>, vector<1x16xf32>,
        %swap3A_494 = vector.shape_cast %swap3A_493 : vector<1x16xf32> to vector<16xf32>
        %swap3A_495 = vector.shape_cast %mul3A_490 : vector<16xf32> to vector<1x16xf32>
        tpu.vector_store %arg6[%swap3A_491, %swap3A_492], %swap3A_495 {strides = array<i32>} : memref<50x128xf32, #tpu.memory_space<vmem>>, vector<1x16xf32>,
        %get3A_496 = arith.index_cast %scan3A_471 : i32 to index
        %get3A_497 = arith.constant 32 : index
        %get3A_498 = tpu.vector_load %arg6[%get3A_496, %get3A_497] {strides = array<i32>} : memref<50x128xf32, #tpu.memory_space<vmem>>, vector<1x16xf32>,
        %get3A_499 = vector.shape_cast %get3A_498 : vector<1x16xf32> to vector<16xf32>
        %mul3A_500 = arith.constant 11.3137083 : f32
        %mul3A_501 = vector.broadcast %mul3A_500 : f32 to vector<16xf32>
        %mul3A_502 = arith.mulf %get3A_499, %mul3A_501 : vector<16xf32>
        %swap3A_503 = arith.index_cast %scan3A_471 : i32 to index
        %swap3A_504 = arith.constant 32 : index
        %swap3A_505 = tpu.vector_load %arg6[%swap3A_503, %swap3A_504] {strides = array<i32>} : memref<50x128xf32, #tpu.memory_space<vmem>>, vector<1x16xf32>,
        %swap3A_506 = vector.shape_cast %swap3A_505 : vector<1x16xf32> to vector<16xf32>
        %swap3A_507 = vector.shape_cast %mul3A_502 : vector<16xf32> to vector<1x16xf32>
        tpu.vector_store %arg6[%swap3A_503, %swap3A_504], %swap3A_507 {strides = array<i32>} : memref<50x128xf32, #tpu.memory_space<vmem>>, vector<1x16xf32>,
        %get3A_508 = arith.index_cast %scan3A_471 : i32 to index
        %get3A_509 = arith.constant 48 : index
        %get3A_510 = tpu.vector_load %arg6[%get3A_508, %get3A_509] {strides = array<i32>} : memref<50x128xf32, #tpu.memory_space<vmem>>, vector<1x16xf32>,
        %get3A_511 = vector.shape_cast %get3A_510 : vector<1x16xf32> to vector<16xf32>
        %mul3A_512 = arith.constant 11.3137083 : f32
        %mul3A_513 = vector.broadcast %mul3A_512 : f32 to vector<16xf32>
        %mul3A_514 = arith.mulf %get3A_511, %mul3A_513 : vector<16xf32>
        %swap3A_515 = arith.index_cast %scan3A_471 : i32 to index
        %swap3A_516 = arith.constant 48 : index
        %swap3A_517 = tpu.vector_load %arg6[%swap3A_515, %swap3A_516] {strides = array<i32>} : memref<50x128xf32, #tpu.memory_space<vmem>>, vector<1x16xf32>,
        %swap3A_518 = vector.shape_cast %swap3A_517 : vector<1x16xf32> to vector<16xf32>
        %swap3A_519 = vector.shape_cast %mul3A_514 : vector<16xf32> to vector<1x16xf32>
        tpu.vector_store %arg6[%swap3A_515, %swap3A_516], %swap3A_519 {strides = array<i32>} : memref<50x128xf32, #tpu.memory_space<vmem>>, vector<1x16xf32>,
        %get3A_520 = arith.index_cast %scan3A_471 : i32 to index
        %get3A_521 = arith.constant 64 : index
        %get3A_522 = tpu.vector_load %arg6[%get3A_520, %get3A_521] {strides = array<i32>} : memref<50x128xf32, #tpu.memory_space<vmem>>, vector<1x16xf32>,
        %get3A_523 = vector.shape_cast %get3A_522 : vector<1x16xf32> to vector<16xf32>
        %mul3A_524 = arith.constant 11.3137083 : f32
        %mul3A_525 = vector.broadcast %mul3A_524 : f32 to vector<16xf32>
        %mul3A_526 = arith.mulf %get3A_523, %mul3A_525 : vector<16xf32>
        %swap3A_527 = arith.index_cast %scan3A_471 : i32 to index
        %swap3A_528 = arith.constant 64 : index
        %swap3A_529 = tpu.vector_load %arg6[%swap3A_527, %swap3A_528] {strides = array<i32>} : memref<50x128xf32, #tpu.memory_space<vmem>>, vector<1x16xf32>,
        %swap3A_530 = vector.shape_cast %swap3A_529 : vector<1x16xf32> to vector<16xf32>
        %swap3A_531 = vector.shape_cast %mul3A_526 : vector<16xf32> to vector<1x16xf32>
        tpu.vector_store %arg6[%swap3A_527, %swap3A_528], %swap3A_531 {strides = array<i32>} : memref<50x128xf32, #tpu.memory_space<vmem>>, vector<1x16xf32>,
        %get3A_532 = arith.index_cast %scan3A_471 : i32 to index
        %get3A_533 = arith.constant 80 : index
        %get3A_534 = tpu.vector_load %arg6[%get3A_532, %get3A_533] {strides = array<i32>} : memref<50x128xf32, #tpu.memory_space<vmem>>, vector<1x16xf32>,
        %get3A_535 = vector.shape_cast %get3A_534 : vector<1x16xf32> to vector<16xf32>
        %mul3A_536 = arith.constant 11.3137083 : f32
        %mul3A_537 = vector.broadcast %mul3A_536 : f32 to vector<16xf32>
        %mul3A_538 = arith.mulf %get3A_535, %mul3A_537 : vector<16xf32>
        %swap3A_539 = arith.index_cast %scan3A_471 : i32 to index
        %swap3A_540 = arith.constant 80 : index
        %swap3A_541 = tpu.vector_load %arg6[%swap3A_539, %swap3A_540] {strides = array<i32>} : memref<50x128xf32, #tpu.memory_space<vmem>>, vector<1x16xf32>,
        %swap3A_542 = vector.shape_cast %swap3A_541 : vector<1x16xf32> to vector<16xf32>
        %swap3A_543 = vector.shape_cast %mul3A_538 : vector<16xf32> to vector<1x16xf32>
        tpu.vector_store %arg6[%swap3A_539, %swap3A_540], %swap3A_543 {strides = array<i32>} : memref<50x128xf32, #tpu.memory_space<vmem>>, vector<1x16xf32>,
        %get3A_544 = arith.index_cast %scan3A_471 : i32 to index
        %get3A_545 = arith.constant 96 : index
        %get3A_546 = tpu.vector_load %arg6[%get3A_544, %get3A_545] {strides = array<i32>} : memref<50x128xf32, #tpu.memory_space<vmem>>, vector<1x16xf32>,
        %get3A_547 = vector.shape_cast %get3A_546 : vector<1x16xf32> to vector<16xf32>
        %mul3A_548 = arith.constant 11.3137083 : f32
        %mul3A_549 = vector.broadcast %mul3A_548 : f32 to vector<16xf32>
        %mul3A_550 = arith.mulf %get3A_547, %mul3A_549 : vector<16xf32>
        %swap3A_551 = arith.index_cast %scan3A_471 : i32 to index
        %swap3A_552 = arith.constant 96 : index
        %swap3A_553 = tpu.vector_load %arg6[%swap3A_551, %swap3A_552] {strides = array<i32>} : memref<50x128xf32, #tpu.memory_space<vmem>>, vector<1x16xf32>,
        %swap3A_554 = vector.shape_cast %swap3A_553 : vector<1x16xf32> to vector<16xf32>
        %swap3A_555 = vector.shape_cast %mul3A_550 : vector<16xf32> to vector<1x16xf32>
        tpu.vector_store %arg6[%swap3A_551, %swap3A_552], %swap3A_555 {strides = array<i32>} : memref<50x128xf32, #tpu.memory_space<vmem>>, vector<1x16xf32>,
        %get3A_556 = arith.index_cast %scan3A_471 : i32 to index
        %get3A_557 = arith.constant 112 : index
        %get3A_558 = tpu.vector_load %arg6[%get3A_556, %get3A_557] {strides = array<i32>} : memref<50x128xf32, #tpu.memory_space<vmem>>, vector<1x16xf32>,
        %get3A_559 = vector.shape_cast %get3A_558 : vector<1x16xf32> to vector<16xf32>
        %mul3A_560 = arith.constant 11.3137083 : f32
        %mul3A_561 = vector.broadcast %mul3A_560 : f32 to vector<16xf32>
        %mul3A_562 = arith.mulf %get3A_559, %mul3A_561 : vector<16xf32>
        %swap3A_563 = arith.index_cast %scan3A_471 : i32 to index
        %swap3A_564 = arith.constant 112 : index
        %swap3A_565 = tpu.vector_load %arg6[%swap3A_563, %swap3A_564] {strides = array<i32>} : memref<50x128xf32, #tpu.memory_space<vmem>>, vector<1x16xf32>,
        %swap3A_566 = vector.shape_cast %swap3A_565 : vector<1x16xf32> to vector<16xf32>
        %swap3A_567 = vector.shape_cast %mul3A_562 : vector<16xf32> to vector<1x16xf32>
        tpu.vector_store %arg6[%swap3A_563, %swap3A_564], %swap3A_567 {strides = array<i32>} : memref<50x128xf32, #tpu.memory_space<vmem>>, vector<1x16xf32>,
      }
      %scan3A_141 = arith.constant 50 : i32
      %add3A_142 = arith.addi %mul3A_2, %add3A_125 : i32
      %dma_start3A_143 = arith.constant 0 : i32
      %dma_start3A_144 = arith.constant 0 : i32
      %dma_start3A_145 = tpu.memref_slice %arg4[%add3A_142, %dma_start3A_143, %dma_start3A_144] : memref<4096x50x128xf32, #tpu.memory_space<hbm>> -> memref<1x50x128xf32, #tpu.memory_space<hbm>>
      %dma_start3A_146 = tpu.memref_squeeze %dma_start3A_145 : memref<1x50x128xf32, #tpu.memory_space<hbm>> -> memref<50x128xf32, #tpu.memory_space<hbm>>
      %dma_start3A_147 = arith.constant 0 : i32
      %dma_start3A_148 = arith.constant 0 : i32
      %dma_start3A_149 = tpu.memref_slice %arg4[%add3A_142, %dma_start3A_147, %dma_start3A_148] : memref<4096x50x128xf32, #tpu.memory_space<hbm>> -> memref<1x50x128xf32, #tpu.memory_space<hbm>>
      %dma_start3A_150 = tpu.memref_squeeze %dma_start3A_149 : memref<1x50x128xf32, #tpu.memory_space<hbm>> -> memref<50x128xf32, #tpu.memory_space<hbm>>
      tpu.enqueue_dma source(%arg6 : memref<50x128xf32, #tpu.memory_space<vmem>>) target(%dma_start3A_150 : memref<50x128xf32, #tpu.memory_space<hbm>>) target_semaphore(%arg22 : memref<!tpu.dma_semaphore, #tpu.memory_space<semaphore_mem>>)
      %mul3A_151 = arith.constant 8 : i32
      %mul3A_152 = arith.muli %scan3A_121, %mul3A_151 : i32
      %add3A_153 = arith.constant 1 : i32
      %add3A_154 = arith.addi %mul3A_152, %add3A_153 : i32
      %add3A_155 = arith.constant 5 : i32
      %add3A_156 = arith.addi %add3A_154, %add3A_155 : i32
      %lt3A_157 = arith.constant 128 : i32
      %lt3A_158 = arith.cmpi slt, %add3A_156, %lt3A_157 : i32
      %convert_element_type3A_159 = arith.extui %lt3A_158 : i1 to i32
      %cond3A_160 = arith.constant 0 : i32
      %cond3A_161 = arith.cmpi ne, %convert_element_type3A_159, %cond3A_160 : i32
      scf.if %cond3A_161 {
        %add3A_375 = arith.constant 5 : i32
        %add3A_376 = arith.addi %add3A_154, %add3A_375 : i32
        %sub3A = arith.constant 8 : i32
        %sub3A_377 = arith.subi %add3A_376, %sub3A : i32
        %ge3A = arith.constant 0 : i32
        %ge3A_378 = arith.cmpi sge, %sub3A_377, %ge3A : i32
        %convert_element_type3A_379 = arith.extui %ge3A_378 : i1 to i32
        %cond3A_380 = arith.constant 0 : i32
        %cond3A_381 = arith.cmpi ne, %convert_element_type3A_379, %cond3A_380 : i32
        scf.if %cond3A_381 {
          %add3A_390 = arith.constant 5 : i32
          %add3A_391 = arith.addi %add3A_154, %add3A_390 : i32
          %sub3A_392 = arith.constant 8 : i32
          %sub3A_393 = arith.subi %add3A_391, %sub3A_392 : i32
          %add3A_394 = arith.addi %mul3A_2, %sub3A_393 : i32
          %dma_wait3A_395 = arith.constant 0 : i32
          %dma_wait3A_396 = arith.constant 0 : i32
          %dma_wait3A_397 = tpu.memref_slice %arg4[%add3A_394, %dma_wait3A_395, %dma_wait3A_396] : memref<4096x50x128xf32, #tpu.memory_space<hbm>> -> memref<1x50x128xf32, #tpu.memory_space<hbm>>
          %dma_wait3A_398 = tpu.memref_squeeze %dma_wait3A_397 : memref<1x50x128xf32, #tpu.memory_space<hbm>> -> memref<50x128xf32, #tpu.memory_space<hbm>>
          %dma_wait3A_399 = arith.constant 0 : i32
          %dma_wait3A_400 = arith.constant 0 : i32
          %dma_wait3A_401 = tpu.memref_slice %arg4[%add3A_394, %dma_wait3A_399, %dma_wait3A_400] : memref<4096x50x128xf32, #tpu.memory_space<hbm>> -> memref<1x50x128xf32, #tpu.memory_space<hbm>>
          %dma_wait3A_402 = tpu.memref_squeeze %dma_wait3A_401 : memref<1x50x128xf32, #tpu.memory_space<hbm>> -> memref<50x128xf32, #tpu.memory_space<hbm>>
          tpu.wait_dma2 semaphore(%arg28 : memref<!tpu.dma_semaphore, #tpu.memory_space<semaphore_mem>>) src(%arg12 : memref<50x128xf32, #tpu.memory_space<vmem>>) dst(%dma_wait3A_402 : memref<50x128xf32, #tpu.memory_space<hbm>>)
        } else {
        }
        %add3A_382 = arith.constant 5 : i32
        %add3A_383 = arith.addi %add3A_154, %add3A_382 : i32
        %dma_start3A_384 = arith.constant 0 : i32
        %dma_start3A_385 = tpu.memref_slice %arg5[%add3A_383, %dma_start3A_384] : memref<128x50xi32, #tpu.memory_space<vmem>> -> memref<1x50xi32, #tpu.memory_space<vmem>>
        %dma_start3A_386 = tpu.memref_squeeze %dma_start3A_385 : memref<1x50xi32, #tpu.memory_space<vmem>> -> memref<50xi32, #tpu.memory_space<vmem>>
        %dma_start3A_387 = arith.constant 0 : i32
        %dma_start3A_388 = arith.constant 0 : i32
        %dma_start3A_389 = tpu.memref_slice %arg3[%dma_start3A_387, %dma_start3A_388] : memref<1000000x128xf32, #tpu.memory_space<hbm>> -> memref<1000000x128xf32, #tpu.memory_space<hbm>>
        tpu.enqueue_indirect_dma source(%dma_start3A_389 : memref<1000000x128xf32, #tpu.memory_space<hbm>>) target(%arg12 : memref<50x128xf32, #tpu.memory_space<vmem>>) offsets(%dma_start3A_386 : memref<50xi32, #tpu.memory_space<vmem>>) semaphore(%arg20 : memref<!tpu.dma_semaphore, #tpu.memory_space<semaphore_mem>>)
      } else {
      }
      %dma_wait3A_162 = arith.constant 0 : i32
      %dma_wait3A_163 = tpu.memref_slice %arg5[%add3A_154, %dma_wait3A_162] : memref<128x50xi32, #tpu.memory_space<vmem>> -> memref<1x50xi32, #tpu.memory_space<vmem>>
      %dma_wait3A_164 = tpu.memref_squeeze %dma_wait3A_163 : memref<1x50xi32, #tpu.memory_space<vmem>> -> memref<50xi32, #tpu.memory_space<vmem>>
      %dma_wait3A_165 = arith.constant 0 : i32
      %dma_wait3A_166 = arith.constant 0 : i32
      %dma_wait3A_167 = tpu.memref_slice %arg3[%dma_wait3A_165, %dma_wait3A_166] : memref<1000000x128xf32, #tpu.memory_space<hbm>> -> memref<1000000x128xf32, #tpu.memory_space<hbm>>
      tpu.wait_indirect_dma semaphore(%arg15 : memref<!tpu.dma_semaphore, #tpu.memory_space<semaphore_mem>>) src(%dma_wait3A_167 : memref<1000000x128xf32, #tpu.memory_space<hbm>>) dst(%arg7 : memref<50x128xf32, #tpu.memory_space<vmem>>)
      %scan3A_168 = arith.constant 0 : i32
      %scan3A_169 = arith.constant 0 : i32
      %scan3A_170 = arith.constant 50 : i32
      %scan3A_171 = arith.addi %scan3A_169, %scan3A_170 : i32
      %scan3A_172 = arith.constant 2 : i32
      scf.for %scan3A_375 = %scan3A_169 to %scan3A_171 step %scan3A_172  : i32 {
        %get3A = arith.index_cast %scan3A_375 : i32 to index
        %get3A_376 = arith.constant 0 : index
        %get3A_377 = tpu.vector_load %arg7[%get3A, %get3A_376] {strides = array<i32>} : memref<50x128xf32, #tpu.memory_space<vmem>>, vector<1x16xf32>,
        %get3A_378 = vector.shape_cast %get3A_377 : vector<1x16xf32> to vector<16xf32>
        %mul3A_379 = arith.constant 11.3137083 : f32
        %mul3A_380 = vector.broadcast %mul3A_379 : f32 to vector<16xf32>
        %mul3A_381 = arith.mulf %get3A_378, %mul3A_380 : vector<16xf32>
        %swap3A = arith.index_cast %scan3A_375 : i32 to index
        %swap3A_382 = arith.constant 0 : index
        %swap3A_383 = tpu.vector_load %arg7[%swap3A, %swap3A_382] {strides = array<i32>} : memref<50x128xf32, #tpu.memory_space<vmem>>, vector<1x16xf32>,
        %swap3A_384 = vector.shape_cast %swap3A_383 : vector<1x16xf32> to vector<16xf32>
        %swap3A_385 = vector.shape_cast %mul3A_381 : vector<16xf32> to vector<1x16xf32>
        tpu.vector_store %arg7[%swap3A, %swap3A_382], %swap3A_385 {strides = array<i32>} : memref<50x128xf32, #tpu.memory_space<vmem>>, vector<1x16xf32>,
        %get3A_386 = arith.index_cast %scan3A_375 : i32 to index
        %get3A_387 = arith.constant 16 : index
        %get3A_388 = tpu.vector_load %arg7[%get3A_386, %get3A_387] {strides = array<i32>} : memref<50x128xf32, #tpu.memory_space<vmem>>, vector<1x16xf32>,
        %get3A_389 = vector.shape_cast %get3A_388 : vector<1x16xf32> to vector<16xf32>
        %mul3A_390 = arith.constant 11.3137083 : f32
        %mul3A_391 = vector.broadcast %mul3A_390 : f32 to vector<16xf32>
        %mul3A_392 = arith.mulf %get3A_389, %mul3A_391 : vector<16xf32>
        %swap3A_393 = arith.index_cast %scan3A_375 : i32 to index
        %swap3A_394 = arith.constant 16 : index
        %swap3A_395 = tpu.vector_load %arg7[%swap3A_393, %swap3A_394] {strides = array<i32>} : memref<50x128xf32, #tpu.memory_space<vmem>>, vector<1x16xf32>,
        %swap3A_396 = vector.shape_cast %swap3A_395 : vector<1x16xf32> to vector<16xf32>
        %swap3A_397 = vector.shape_cast %mul3A_392 : vector<16xf32> to vector<1x16xf32>
        tpu.vector_store %arg7[%swap3A_393, %swap3A_394], %swap3A_397 {strides = array<i32>} : memref<50x128xf32, #tpu.memory_space<vmem>>, vector<1x16xf32>,
        %get3A_398 = arith.index_cast %scan3A_375 : i32 to index
        %get3A_399 = arith.constant 32 : index
        %get3A_400 = tpu.vector_load %arg7[%get3A_398, %get3A_399] {strides = array<i32>} : memref<50x128xf32, #tpu.memory_space<vmem>>, vector<1x16xf32>,
        %get3A_401 = vector.shape_cast %get3A_400 : vector<1x16xf32> to vector<16xf32>
        %mul3A_402 = arith.constant 11.3137083 : f32
        %mul3A_403 = vector.broadcast %mul3A_402 : f32 to vector<16xf32>
        %mul3A_404 = arith.mulf %get3A_401, %mul3A_403 : vector<16xf32>
        %swap3A_405 = arith.index_cast %scan3A_375 : i32 to index
        %swap3A_406 = arith.constant 32 : index
        %swap3A_407 = tpu.vector_load %arg7[%swap3A_405, %swap3A_406] {strides = array<i32>} : memref<50x128xf32, #tpu.memory_space<vmem>>, vector<1x16xf32>,
        %swap3A_408 = vector.shape_cast %swap3A_407 : vector<1x16xf32> to vector<16xf32>
        %swap3A_409 = vector.shape_cast %mul3A_404 : vector<16xf32> to vector<1x16xf32>
        tpu.vector_store %arg7[%swap3A_405, %swap3A_406], %swap3A_409 {strides = array<i32>} : memref<50x128xf32, #tpu.memory_space<vmem>>, vector<1x16xf32>,
        %get3A_410 = arith.index_cast %scan3A_375 : i32 to index
        %get3A_411 = arith.constant 48 : index
        %get3A_412 = tpu.vector_load %arg7[%get3A_410, %get3A_411] {strides = array<i32>} : memref<50x128xf32, #tpu.memory_space<vmem>>, vector<1x16xf32>,
        %get3A_413 = vector.shape_cast %get3A_412 : vector<1x16xf32> to vector<16xf32>
        %mul3A_414 = arith.constant 11.3137083 : f32
        %mul3A_415 = vector.broadcast %mul3A_414 : f32 to vector<16xf32>
        %mul3A_416 = arith.mulf %get3A_413, %mul3A_415 : vector<16xf32>
        %swap3A_417 = arith.index_cast %scan3A_375 : i32 to index
        %swap3A_418 = arith.constant 48 : index
        %swap3A_419 = tpu.vector_load %arg7[%swap3A_417, %swap3A_418] {strides = array<i32>} : memref<50x128xf32, #tpu.memory_space<vmem>>, vector<1x16xf32>,
        %swap3A_420 = vector.shape_cast %swap3A_419 : vector<1x16xf32> to vector<16xf32>
        %swap3A_421 = vector.shape_cast %mul3A_416 : vector<16xf32> to vector<1x16xf32>
        tpu.vector_store %arg7[%swap3A_417, %swap3A_418], %swap3A_421 {strides = array<i32>} : memref<50x128xf32, #tpu.memory_space<vmem>>, vector<1x16xf32>,
        %get3A_422 = arith.index_cast %scan3A_375 : i32 to index
        %get3A_423 = arith.constant 64 : index
        %get3A_424 = tpu.vector_load %arg7[%get3A_422, %get3A_423] {strides = array<i32>} : memref<50x128xf32, #tpu.memory_space<vmem>>, vector<1x16xf32>,
        %get3A_425 = vector.shape_cast %get3A_424 : vector<1x16xf32> to vector<16xf32>
        %mul3A_426 = arith.constant 11.3137083 : f32
        %mul3A_427 = vector.broadcast %mul3A_426 : f32 to vector<16xf32>
        %mul3A_428 = arith.mulf %get3A_425, %mul3A_427 : vector<16xf32>
        %swap3A_429 = arith.index_cast %scan3A_375 : i32 to index
        %swap3A_430 = arith.constant 64 : index
        %swap3A_431 = tpu.vector_load %arg7[%swap3A_429, %swap3A_430] {strides = array<i32>} : memref<50x128xf32, #tpu.memory_space<vmem>>, vector<1x16xf32>,
        %swap3A_432 = vector.shape_cast %swap3A_431 : vector<1x16xf32> to vector<16xf32>
        %swap3A_433 = vector.shape_cast %mul3A_428 : vector<16xf32> to vector<1x16xf32>
        tpu.vector_store %arg7[%swap3A_429, %swap3A_430], %swap3A_433 {strides = array<i32>} : memref<50x128xf32, #tpu.memory_space<vmem>>, vector<1x16xf32>,
        %get3A_434 = arith.index_cast %scan3A_375 : i32 to index
        %get3A_435 = arith.constant 80 : index
        %get3A_436 = tpu.vector_load %arg7[%get3A_434, %get3A_435] {strides = array<i32>} : memref<50x128xf32, #tpu.memory_space<vmem>>, vector<1x16xf32>,
        %get3A_437 = vector.shape_cast %get3A_436 : vector<1x16xf32> to vector<16xf32>
        %mul3A_438 = arith.constant 11.3137083 : f32
        %mul3A_439 = vector.broadcast %mul3A_438 : f32 to vector<16xf32>
        %mul3A_440 = arith.mulf %get3A_437, %mul3A_439 : vector<16xf32>
        %swap3A_441 = arith.index_cast %scan3A_375 : i32 to index
        %swap3A_442 = arith.constant 80 : index
        %swap3A_443 = tpu.vector_load %arg7[%swap3A_441, %swap3A_442] {strides = array<i32>} : memref<50x128xf32, #tpu.memory_space<vmem>>, vector<1x16xf32>,
        %swap3A_444 = vector.shape_cast %swap3A_443 : vector<1x16xf32> to vector<16xf32>
        %swap3A_445 = vector.shape_cast %mul3A_440 : vector<16xf32> to vector<1x16xf32>
        tpu.vector_store %arg7[%swap3A_441, %swap3A_442], %swap3A_445 {strides = array<i32>} : memref<50x128xf32, #tpu.memory_space<vmem>>, vector<1x16xf32>,
        %get3A_446 = arith.index_cast %scan3A_375 : i32 to index
        %get3A_447 = arith.constant 96 : index
        %get3A_448 = tpu.vector_load %arg7[%get3A_446, %get3A_447] {strides = array<i32>} : memref<50x128xf32, #tpu.memory_space<vmem>>, vector<1x16xf32>,
        %get3A_449 = vector.shape_cast %get3A_448 : vector<1x16xf32> to vector<16xf32>
        %mul3A_450 = arith.constant 11.3137083 : f32
        %mul3A_451 = vector.broadcast %mul3A_450 : f32 to vector<16xf32>
        %mul3A_452 = arith.mulf %get3A_449, %mul3A_451 : vector<16xf32>
        %swap3A_453 = arith.index_cast %scan3A_375 : i32 to index
        %swap3A_454 = arith.constant 96 : index
        %swap3A_455 = tpu.vector_load %arg7[%swap3A_453, %swap3A_454] {strides = array<i32>} : memref<50x128xf32, #tpu.memory_space<vmem>>, vector<1x16xf32>,
        %swap3A_456 = vector.shape_cast %swap3A_455 : vector<1x16xf32> to vector<16xf32>
        %swap3A_457 = vector.shape_cast %mul3A_452 : vector<16xf32> to vector<1x16xf32>
        tpu.vector_store %arg7[%swap3A_453, %swap3A_454], %swap3A_457 {strides = array<i32>} : memref<50x128xf32, #tpu.memory_space<vmem>>, vector<1x16xf32>,
        %get3A_458 = arith.index_cast %scan3A_375 : i32 to index
        %get3A_459 = arith.constant 112 : index
        %get3A_460 = tpu.vector_load %arg7[%get3A_458, %get3A_459] {strides = array<i32>} : memref<50x128xf32, #tpu.memory_space<vmem>>, vector<1x16xf32>,
        %get3A_461 = vector.shape_cast %get3A_460 : vector<1x16xf32> to vector<16xf32>
        %mul3A_462 = arith.constant 11.3137083 : f32
        %mul3A_463 = vector.broadcast %mul3A_462 : f32 to vector<16xf32>
        %mul3A_464 = arith.mulf %get3A_461, %mul3A_463 : vector<16xf32>
        %swap3A_465 = arith.index_cast %scan3A_375 : i32 to index
        %swap3A_466 = arith.constant 112 : index
        %swap3A_467 = tpu.vector_load %arg7[%swap3A_465, %swap3A_466] {strides = array<i32>} : memref<50x128xf32, #tpu.memory_space<vmem>>, vector<1x16xf32>,
        %swap3A_468 = vector.shape_cast %swap3A_467 : vector<1x16xf32> to vector<16xf32>
        %swap3A_469 = vector.shape_cast %mul3A_464 : vector<16xf32> to vector<1x16xf32>
        tpu.vector_store %arg7[%swap3A_465, %swap3A_466], %swap3A_469 {strides = array<i32>} : memref<50x128xf32, #tpu.memory_space<vmem>>, vector<1x16xf32>,
        %scan3A_470 = arith.constant 1 : i32
        %scan3A_471 = arith.addi %scan3A_375, %scan3A_470 : i32
        %get3A_472 = arith.index_cast %scan3A_471 : i32 to index
        %get3A_473 = arith.constant 0 : index
        %get3A_474 = tpu.vector_load %arg7[%get3A_472, %get3A_473] {strides = array<i32>} : memref<50x128xf32, #tpu.memory_space<vmem>>, vector<1x16xf32>,
        %get3A_475 = vector.shape_cast %get3A_474 : vector<1x16xf32> to vector<16xf32>
        %mul3A_476 = arith.constant 11.3137083 : f32
        %mul3A_477 = vector.broadcast %mul3A_476 : f32 to vector<16xf32>
        %mul3A_478 = arith.mulf %get3A_475, %mul3A_477 : vector<16xf32>
        %swap3A_479 = arith.index_cast %scan3A_471 : i32 to index
        %swap3A_480 = arith.constant 0 : index
        %swap3A_481 = tpu.vector_load %arg7[%swap3A_479, %swap3A_480] {strides = array<i32>} : memref<50x128xf32, #tpu.memory_space<vmem>>, vector<1x16xf32>,
        %swap3A_482 = vector.shape_cast %swap3A_481 : vector<1x16xf32> to vector<16xf32>
        %swap3A_483 = vector.shape_cast %mul3A_478 : vector<16xf32> to vector<1x16xf32>
        tpu.vector_store %arg7[%swap3A_479, %swap3A_480], %swap3A_483 {strides = array<i32>} : memref<50x128xf32, #tpu.memory_space<vmem>>, vector<1x16xf32>,
        %get3A_484 = arith.index_cast %scan3A_471 : i32 to index
        %get3A_485 = arith.constant 16 : index
        %get3A_486 = tpu.vector_load %arg7[%get3A_484, %get3A_485] {strides = array<i32>} : memref<50x128xf32, #tpu.memory_space<vmem>>, vector<1x16xf32>,
        %get3A_487 = vector.shape_cast %get3A_486 : vector<1x16xf32> to vector<16xf32>
        %mul3A_488 = arith.constant 11.3137083 : f32
        %mul3A_489 = vector.broadcast %mul3A_488 : f32 to vector<16xf32>
        %mul3A_490 = arith.mulf %get3A_487, %mul3A_489 : vector<16xf32>
        %swap3A_491 = arith.index_cast %scan3A_471 : i32 to index
        %swap3A_492 = arith.constant 16 : index
        %swap3A_493 = tpu.vector_load %arg7[%swap3A_491, %swap3A_492] {strides = array<i32>} : memref<50x128xf32, #tpu.memory_space<vmem>>, vector<1x16xf32>,
        %swap3A_494 = vector.shape_cast %swap3A_493 : vector<1x16xf32> to vector<16xf32>
        %swap3A_495 = vector.shape_cast %mul3A_490 : vector<16xf32> to vector<1x16xf32>
        tpu.vector_store %arg7[%swap3A_491, %swap3A_492], %swap3A_495 {strides = array<i32>} : memref<50x128xf32, #tpu.memory_space<vmem>>, vector<1x16xf32>,
        %get3A_496 = arith.index_cast %scan3A_471 : i32 to index
        %get3A_497 = arith.constant 32 : index
        %get3A_498 = tpu.vector_load %arg7[%get3A_496, %get3A_497] {strides = array<i32>} : memref<50x128xf32, #tpu.memory_space<vmem>>, vector<1x16xf32>,
        %get3A_499 = vector.shape_cast %get3A_498 : vector<1x16xf32> to vector<16xf32>
        %mul3A_500 = arith.constant 11.3137083 : f32
        %mul3A_501 = vector.broadcast %mul3A_500 : f32 to vector<16xf32>
        %mul3A_502 = arith.mulf %get3A_499, %mul3A_501 : vector<16xf32>
        %swap3A_503 = arith.index_cast %scan3A_471 : i32 to index
        %swap3A_504 = arith.constant 32 : index
        %swap3A_505 = tpu.vector_load %arg7[%swap3A_503, %swap3A_504] {strides = array<i32>} : memref<50x128xf32, #tpu.memory_space<vmem>>, vector<1x16xf32>,
        %swap3A_506 = vector.shape_cast %swap3A_505 : vector<1x16xf32> to vector<16xf32>
        %swap3A_507 = vector.shape_cast %mul3A_502 : vector<16xf32> to vector<1x16xf32>
        tpu.vector_store %arg7[%swap3A_503, %swap3A_504], %swap3A_507 {strides = array<i32>} : memref<50x128xf32, #tpu.memory_space<vmem>>, vector<1x16xf32>,
        %get3A_508 = arith.index_cast %scan3A_471 : i32 to index
        %get3A_509 = arith.constant 48 : index
        %get3A_510 = tpu.vector_load %arg7[%get3A_508, %get3A_509] {strides = array<i32>} : memref<50x128xf32, #tpu.memory_space<vmem>>, vector<1x16xf32>,
        %get3A_511 = vector.shape_cast %get3A_510 : vector<1x16xf32> to vector<16xf32>
        %mul3A_512 = arith.constant 11.3137083 : f32
        %mul3A_513 = vector.broadcast %mul3A_512 : f32 to vector<16xf32>
        %mul3A_514 = arith.mulf %get3A_511, %mul3A_513 : vector<16xf32>
        %swap3A_515 = arith.index_cast %scan3A_471 : i32 to index
        %swap3A_516 = arith.constant 48 : index
        %swap3A_517 = tpu.vector_load %arg7[%swap3A_515, %swap3A_516] {strides = array<i32>} : memref<50x128xf32, #tpu.memory_space<vmem>>, vector<1x16xf32>,
        %swap3A_518 = vector.shape_cast %swap3A_517 : vector<1x16xf32> to vector<16xf32>
        %swap3A_519 = vector.shape_cast %mul3A_514 : vector<16xf32> to vector<1x16xf32>
        tpu.vector_store %arg7[%swap3A_515, %swap3A_516], %swap3A_519 {strides = array<i32>} : memref<50x128xf32, #tpu.memory_space<vmem>>, vector<1x16xf32>,
        %get3A_520 = arith.index_cast %scan3A_471 : i32 to index
        %get3A_521 = arith.constant 64 : index
        %get3A_522 = tpu.vector_load %arg7[%get3A_520, %get3A_521] {strides = array<i32>} : memref<50x128xf32, #tpu.memory_space<vmem>>, vector<1x16xf32>,
        %get3A_523 = vector.shape_cast %get3A_522 : vector<1x16xf32> to vector<16xf32>
        %mul3A_524 = arith.constant 11.3137083 : f32
        %mul3A_525 = vector.broadcast %mul3A_524 : f32 to vector<16xf32>
        %mul3A_526 = arith.mulf %get3A_523, %mul3A_525 : vector<16xf32>
        %swap3A_527 = arith.index_cast %scan3A_471 : i32 to index
        %swap3A_528 = arith.constant 64 : index
        %swap3A_529 = tpu.vector_load %arg7[%swap3A_527, %swap3A_528] {strides = array<i32>} : memref<50x128xf32, #tpu.memory_space<vmem>>, vector<1x16xf32>,
        %swap3A_530 = vector.shape_cast %swap3A_529 : vector<1x16xf32> to vector<16xf32>
        %swap3A_531 = vector.shape_cast %mul3A_526 : vector<16xf32> to vector<1x16xf32>
        tpu.vector_store %arg7[%swap3A_527, %swap3A_528], %swap3A_531 {strides = array<i32>} : memref<50x128xf32, #tpu.memory_space<vmem>>, vector<1x16xf32>,
        %get3A_532 = arith.index_cast %scan3A_471 : i32 to index
        %get3A_533 = arith.constant 80 : index
        %get3A_534 = tpu.vector_load %arg7[%get3A_532, %get3A_533] {strides = array<i32>} : memref<50x128xf32, #tpu.memory_space<vmem>>, vector<1x16xf32>,
        %get3A_535 = vector.shape_cast %get3A_534 : vector<1x16xf32> to vector<16xf32>
        %mul3A_536 = arith.constant 11.3137083 : f32
        %mul3A_537 = vector.broadcast %mul3A_536 : f32 to vector<16xf32>
        %mul3A_538 = arith.mulf %get3A_535, %mul3A_537 : vector<16xf32>
        %swap3A_539 = arith.index_cast %scan3A_471 : i32 to index
        %swap3A_540 = arith.constant 80 : index
        %swap3A_541 = tpu.vector_load %arg7[%swap3A_539, %swap3A_540] {strides = array<i32>} : memref<50x128xf32, #tpu.memory_space<vmem>>, vector<1x16xf32>,
        %swap3A_542 = vector.shape_cast %swap3A_541 : vector<1x16xf32> to vector<16xf32>
        %swap3A_543 = vector.shape_cast %mul3A_538 : vector<16xf32> to vector<1x16xf32>
        tpu.vector_store %arg7[%swap3A_539, %swap3A_540], %swap3A_543 {strides = array<i32>} : memref<50x128xf32, #tpu.memory_space<vmem>>, vector<1x16xf32>,
        %get3A_544 = arith.index_cast %scan3A_471 : i32 to index
        %get3A_545 = arith.constant 96 : index
        %get3A_546 = tpu.vector_load %arg7[%get3A_544, %get3A_545] {strides = array<i32>} : memref<50x128xf32, #tpu.memory_space<vmem>>, vector<1x16xf32>,
        %get3A_547 = vector.shape_cast %get3A_546 : vector<1x16xf32> to vector<16xf32>
        %mul3A_548 = arith.constant 11.3137083 : f32
        %mul3A_549 = vector.broadcast %mul3A_548 : f32 to vector<16xf32>
        %mul3A_550 = arith.mulf %get3A_547, %mul3A_549 : vector<16xf32>
        %swap3A_551 = arith.index_cast %scan3A_471 : i32 to index
        %swap3A_552 = arith.constant 96 : index
        %swap3A_553 = tpu.vector_load %arg7[%swap3A_551, %swap3A_552] {strides = array<i32>} : memref<50x128xf32, #tpu.memory_space<vmem>>, vector<1x16xf32>,
        %swap3A_554 = vector.shape_cast %swap3A_553 : vector<1x16xf32> to vector<16xf32>
        %swap3A_555 = vector.shape_cast %mul3A_550 : vector<16xf32> to vector<1x16xf32>
        tpu.vector_store %arg7[%swap3A_551, %swap3A_552], %swap3A_555 {strides = array<i32>} : memref<50x128xf32, #tpu.memory_space<vmem>>, vector<1x16xf32>,
        %get3A_556 = arith.index_cast %scan3A_471 : i32 to index
        %get3A_557 = arith.constant 112 : index
        %get3A_558 = tpu.vector_load %arg7[%get3A_556, %get3A_557] {strides = array<i32>} : memref<50x128xf32, #tpu.memory_space<vmem>>, vector<1x16xf32>,
        %get3A_559 = vector.shape_cast %get3A_558 : vector<1x16xf32> to vector<16xf32>
        %mul3A_560 = arith.constant 11.3137083 : f32
        %mul3A_561 = vector.broadcast %mul3A_560 : f32 to vector<16xf32>
        %mul3A_562 = arith.mulf %get3A_559, %mul3A_561 : vector<16xf32>
        %swap3A_563 = arith.index_cast %scan3A_471 : i32 to index
        %swap3A_564 = arith.constant 112 : index
        %swap3A_565 = tpu.vector_load %arg7[%swap3A_563, %swap3A_564] {strides = array<i32>} : memref<50x128xf32, #tpu.memory_space<vmem>>, vector<1x16xf32>,
        %swap3A_566 = vector.shape_cast %swap3A_565 : vector<1x16xf32> to vector<16xf32>
        %swap3A_567 = vector.shape_cast %mul3A_562 : vector<16xf32> to vector<1x16xf32>
        tpu.vector_store %arg7[%swap3A_563, %swap3A_564], %swap3A_567 {strides = array<i32>} : memref<50x128xf32, #tpu.memory_space<vmem>>, vector<1x16xf32>,
      }
      %scan3A_173 = arith.constant 50 : i32
      %add3A_174 = arith.addi %mul3A_2, %add3A_154 : i32
      %dma_start3A_175 = arith.constant 0 : i32
      %dma_start3A_176 = arith.constant 0 : i32
      %dma_start3A_177 = tpu.memref_slice %arg4[%add3A_174, %dma_start3A_175, %dma_start3A_176] : memref<4096x50x128xf32, #tpu.memory_space<hbm>> -> memref<1x50x128xf32, #tpu.memory_space<hbm>>
      %dma_start3A_178 = tpu.memref_squeeze %dma_start3A_177 : memref<1x50x128xf32, #tpu.memory_space<hbm>> -> memref<50x128xf32, #tpu.memory_space<hbm>>
      %dma_start3A_179 = arith.constant 0 : i32
      %dma_start3A_180 = arith.constant 0 : i32
      %dma_start3A_181 = tpu.memref_slice %arg4[%add3A_174, %dma_start3A_179, %dma_start3A_180] : memref<4096x50x128xf32, #tpu.memory_space<hbm>> -> memref<1x50x128xf32, #tpu.memory_space<hbm>>
      %dma_start3A_182 = tpu.memref_squeeze %dma_start3A_181 : memref<1x50x128xf32, #tpu.memory_space<hbm>> -> memref<50x128xf32, #tpu.memory_space<hbm>>
      tpu.enqueue_dma source(%arg7 : memref<50x128xf32, #tpu.memory_space<vmem>>) target(%dma_start3A_182 : memref<50x128xf32, #tpu.memory_space<hbm>>) target_semaphore(%arg23 : memref<!tpu.dma_semaphore, #tpu.memory_space<semaphore_mem>>)
      %mul3A_183 = arith.constant 8 : i32
      %mul3A_184 = arith.muli %scan3A_121, %mul3A_183 : i32
      %add3A_185 = arith.constant 2 : i32
      %add3A_186 = arith.addi %mul3A_184, %add3A_185 : i32
      %add3A_187 = arith.constant 5 : i32
      %add3A_188 = arith.addi %add3A_186, %add3A_187 : i32
      %lt3A_189 = arith.constant 128 : i32
      %lt3A_190 = arith.cmpi slt, %add3A_188, %lt3A_189 : i32
      %convert_element_type3A_191 = arith.extui %lt3A_190 : i1 to i32
      %cond3A_192 = arith.constant 0 : i32
      %cond3A_193 = arith.cmpi ne, %convert_element_type3A_191, %cond3A_192 : i32
      scf.if %cond3A_193 {
        %add3A_375 = arith.constant 5 : i32
        %add3A_376 = arith.addi %add3A_186, %add3A_375 : i32
        %sub3A = arith.constant 8 : i32
        %sub3A_377 = arith.subi %add3A_376, %sub3A : i32
        %ge3A = arith.constant 0 : i32
        %ge3A_378 = arith.cmpi sge, %sub3A_377, %ge3A : i32
        %convert_element_type3A_379 = arith.extui %ge3A_378 : i1 to i32
        %cond3A_380 = arith.constant 0 : i32
        %cond3A_381 = arith.cmpi ne, %convert_element_type3A_379, %cond3A_380 : i32
        scf.if %cond3A_381 {
          %add3A_390 = arith.constant 5 : i32
          %add3A_391 = arith.addi %add3A_186, %add3A_390 : i32
          %sub3A_392 = arith.constant 8 : i32
          %sub3A_393 = arith.subi %add3A_391, %sub3A_392 : i32
          %add3A_394 = arith.addi %mul3A_2, %sub3A_393 : i32
          %dma_wait3A_395 = arith.constant 0 : i32
          %dma_wait3A_396 = arith.constant 0 : i32
          %dma_wait3A_397 = tpu.memref_slice %arg4[%add3A_394, %dma_wait3A_395, %dma_wait3A_396] : memref<4096x50x128xf32, #tpu.memory_space<hbm>> -> memref<1x50x128xf32, #tpu.memory_space<hbm>>
          %dma_wait3A_398 = tpu.memref_squeeze %dma_wait3A_397 : memref<1x50x128xf32, #tpu.memory_space<hbm>> -> memref<50x128xf32, #tpu.memory_space<hbm>>
          %dma_wait3A_399 = arith.constant 0 : i32
          %dma_wait3A_400 = arith.constant 0 : i32
          %dma_wait3A_401 = tpu.memref_slice %arg4[%add3A_394, %dma_wait3A_399, %dma_wait3A_400] : memref<4096x50x128xf32, #tpu.memory_space<hbm>> -> memref<1x50x128xf32, #tpu.memory_space<hbm>>
          %dma_wait3A_402 = tpu.memref_squeeze %dma_wait3A_401 : memref<1x50x128xf32, #tpu.memory_space<hbm>> -> memref<50x128xf32, #tpu.memory_space<hbm>>
          tpu.wait_dma2 semaphore(%arg29 : memref<!tpu.dma_semaphore, #tpu.memory_space<semaphore_mem>>) src(%arg13 : memref<50x128xf32, #tpu.memory_space<vmem>>) dst(%dma_wait3A_402 : memref<50x128xf32, #tpu.memory_space<hbm>>)
        } else {
        }
        %add3A_382 = arith.constant 5 : i32
        %add3A_383 = arith.addi %add3A_186, %add3A_382 : i32
        %dma_start3A_384 = arith.constant 0 : i32
        %dma_start3A_385 = tpu.memref_slice %arg5[%add3A_383, %dma_start3A_384] : memref<128x50xi32, #tpu.memory_space<vmem>> -> memref<1x50xi32, #tpu.memory_space<vmem>>
        %dma_start3A_386 = tpu.memref_squeeze %dma_start3A_385 : memref<1x50xi32, #tpu.memory_space<vmem>> -> memref<50xi32, #tpu.memory_space<vmem>>
        %dma_start3A_387 = arith.constant 0 : i32
        %dma_start3A_388 = arith.constant 0 : i32
        %dma_start3A_389 = tpu.memref_slice %arg3[%dma_start3A_387, %dma_start3A_388] : memref<1000000x128xf32, #tpu.memory_space<hbm>> -> memref<1000000x128xf32, #tpu.memory_space<hbm>>
        tpu.enqueue_indirect_dma source(%dma_start3A_389 : memref<1000000x128xf32, #tpu.memory_space<hbm>>) target(%arg13 : memref<50x128xf32, #tpu.memory_space<vmem>>) offsets(%dma_start3A_386 : memref<50xi32, #tpu.memory_space<vmem>>) semaphore(%arg21 : memref<!tpu.dma_semaphore, #tpu.memory_space<semaphore_mem>>)
      } else {
      }
      %dma_wait3A_194 = arith.constant 0 : i32
      %dma_wait3A_195 = tpu.memref_slice %arg5[%add3A_186, %dma_wait3A_194] : memref<128x50xi32, #tpu.memory_space<vmem>> -> memref<1x50xi32, #tpu.memory_space<vmem>>
      %dma_wait3A_196 = tpu.memref_squeeze %dma_wait3A_195 : memref<1x50xi32, #tpu.memory_space<vmem>> -> memref<50xi32, #tpu.memory_space<vmem>>
      %dma_wait3A_197 = arith.constant 0 : i32
      %dma_wait3A_198 = arith.constant 0 : i32
      %dma_wait3A_199 = tpu.memref_slice %arg3[%dma_wait3A_197, %dma_wait3A_198] : memref<1000000x128xf32, #tpu.memory_space<hbm>> -> memref<1000000x128xf32, #tpu.memory_space<hbm>>
      tpu.wait_indirect_dma semaphore(%arg16 : memref<!tpu.dma_semaphore, #tpu.memory_space<semaphore_mem>>) src(%dma_wait3A_199 : memref<1000000x128xf32, #tpu.memory_space<hbm>>) dst(%arg8 : memref<50x128xf32, #tpu.memory_space<vmem>>)
      %scan3A_200 = arith.constant 0 : i32
      %scan3A_201 = arith.constant 0 : i32
      %scan3A_202 = arith.constant 50 : i32
      %scan3A_203 = arith.addi %scan3A_201, %scan3A_202 : i32
      %scan3A_204 = arith.constant 2 : i32
      scf.for %scan3A_375 = %scan3A_201 to %scan3A_203 step %scan3A_204  : i32 {
        %get3A = arith.index_cast %scan3A_375 : i32 to index
        %get3A_376 = arith.constant 0 : index
        %get3A_377 = tpu.vector_load %arg8[%get3A, %get3A_376] {strides = array<i32>} : memref<50x128xf32, #tpu.memory_space<vmem>>, vector<1x16xf32>,
        %get3A_378 = vector.shape_cast %get3A_377 : vector<1x16xf32> to vector<16xf32>
        %mul3A_379 = arith.constant 11.3137083 : f32
        %mul3A_380 = vector.broadcast %mul3A_379 : f32 to vector<16xf32>
        %mul3A_381 = arith.mulf %get3A_378, %mul3A_380 : vector<16xf32>
        %swap3A = arith.index_cast %scan3A_375 : i32 to index
        %swap3A_382 = arith.constant 0 : index
        %swap3A_383 = tpu.vector_load %arg8[%swap3A, %swap3A_382] {strides = array<i32>} : memref<50x128xf32, #tpu.memory_space<vmem>>, vector<1x16xf32>,
        %swap3A_384 = vector.shape_cast %swap3A_383 : vector<1x16xf32> to vector<16xf32>
        %swap3A_385 = vector.shape_cast %mul3A_381 : vector<16xf32> to vector<1x16xf32>
        tpu.vector_store %arg8[%swap3A, %swap3A_382], %swap3A_385 {strides = array<i32>} : memref<50x128xf32, #tpu.memory_space<vmem>>, vector<1x16xf32>,
        %get3A_386 = arith.index_cast %scan3A_375 : i32 to index
        %get3A_387 = arith.constant 16 : index
        %get3A_388 = tpu.vector_load %arg8[%get3A_386, %get3A_387] {strides = array<i32>} : memref<50x128xf32, #tpu.memory_space<vmem>>, vector<1x16xf32>,
        %get3A_389 = vector.shape_cast %get3A_388 : vector<1x16xf32> to vector<16xf32>
        %mul3A_390 = arith.constant 11.3137083 : f32
        %mul3A_391 = vector.broadcast %mul3A_390 : f32 to vector<16xf32>
        %mul3A_392 = arith.mulf %get3A_389, %mul3A_391 : vector<16xf32>
        %swap3A_393 = arith.index_cast %scan3A_375 : i32 to index
        %swap3A_394 = arith.constant 16 : index
        %swap3A_395 = tpu.vector_load %arg8[%swap3A_393, %swap3A_394] {strides = array<i32>} : memref<50x128xf32, #tpu.memory_space<vmem>>, vector<1x16xf32>,
        %swap3A_396 = vector.shape_cast %swap3A_395 : vector<1x16xf32> to vector<16xf32>
        %swap3A_397 = vector.shape_cast %mul3A_392 : vector<16xf32> to vector<1x16xf32>
        tpu.vector_store %arg8[%swap3A_393, %swap3A_394], %swap3A_397 {strides = array<i32>} : memref<50x128xf32, #tpu.memory_space<vmem>>, vector<1x16xf32>,
        %get3A_398 = arith.index_cast %scan3A_375 : i32 to index
        %get3A_399 = arith.constant 32 : index
        %get3A_400 = tpu.vector_load %arg8[%get3A_398, %get3A_399] {strides = array<i32>} : memref<50x128xf32, #tpu.memory_space<vmem>>, vector<1x16xf32>,
        %get3A_401 = vector.shape_cast %get3A_400 : vector<1x16xf32> to vector<16xf32>
        %mul3A_402 = arith.constant 11.3137083 : f32
        %mul3A_403 = vector.broadcast %mul3A_402 : f32 to vector<16xf32>
        %mul3A_404 = arith.mulf %get3A_401, %mul3A_403 : vector<16xf32>
        %swap3A_405 = arith.index_cast %scan3A_375 : i32 to index
        %swap3A_406 = arith.constant 32 : index
        %swap3A_407 = tpu.vector_load %arg8[%swap3A_405, %swap3A_406] {strides = array<i32>} : memref<50x128xf32, #tpu.memory_space<vmem>>, vector<1x16xf32>,
        %swap3A_408 = vector.shape_cast %swap3A_407 : vector<1x16xf32> to vector<16xf32>
        %swap3A_409 = vector.shape_cast %mul3A_404 : vector<16xf32> to vector<1x16xf32>
        tpu.vector_store %arg8[%swap3A_405, %swap3A_406], %swap3A_409 {strides = array<i32>} : memref<50x128xf32, #tpu.memory_space<vmem>>, vector<1x16xf32>,
        %get3A_410 = arith.index_cast %scan3A_375 : i32 to index
        %get3A_411 = arith.constant 48 : index
        %get3A_412 = tpu.vector_load %arg8[%get3A_410, %get3A_411] {strides = array<i32>} : memref<50x128xf32, #tpu.memory_space<vmem>>, vector<1x16xf32>,
        %get3A_413 = vector.shape_cast %get3A_412 : vector<1x16xf32> to vector<16xf32>
        %mul3A_414 = arith.constant 11.3137083 : f32
        %mul3A_415 = vector.broadcast %mul3A_414 : f32 to vector<16xf32>
        %mul3A_416 = arith.mulf %get3A_413, %mul3A_415 : vector<16xf32>
        %swap3A_417 = arith.index_cast %scan3A_375 : i32 to index
        %swap3A_418 = arith.constant 48 : index
        %swap3A_419 = tpu.vector_load %arg8[%swap3A_417, %swap3A_418] {strides = array<i32>} : memref<50x128xf32, #tpu.memory_space<vmem>>, vector<1x16xf32>,
        %swap3A_420 = vector.shape_cast %swap3A_419 : vector<1x16xf32> to vector<16xf32>
        %swap3A_421 = vector.shape_cast %mul3A_416 : vector<16xf32> to vector<1x16xf32>
        tpu.vector_store %arg8[%swap3A_417, %swap3A_418], %swap3A_421 {strides = array<i32>} : memref<50x128xf32, #tpu.memory_space<vmem>>, vector<1x16xf32>,
        %get3A_422 = arith.index_cast %scan3A_375 : i32 to index
        %get3A_423 = arith.constant 64 : index
        %get3A_424 = tpu.vector_load %arg8[%get3A_422, %get3A_423] {strides = array<i32>} : memref<50x128xf32, #tpu.memory_space<vmem>>, vector<1x16xf32>,
        %get3A_425 = vector.shape_cast %get3A_424 : vector<1x16xf32> to vector<16xf32>
        %mul3A_426 = arith.constant 11.3137083 : f32
        %mul3A_427 = vector.broadcast %mul3A_426 : f32 to vector<16xf32>
        %mul3A_428 = arith.mulf %get3A_425, %mul3A_427 : vector<16xf32>
        %swap3A_429 = arith.index_cast %scan3A_375 : i32 to index
        %swap3A_430 = arith.constant 64 : index
        %swap3A_431 = tpu.vector_load %arg8[%swap3A_429, %swap3A_430] {strides = array<i32>} : memref<50x128xf32, #tpu.memory_space<vmem>>, vector<1x16xf32>,
        %swap3A_432 = vector.shape_cast %swap3A_431 : vector<1x16xf32> to vector<16xf32>
        %swap3A_433 = vector.shape_cast %mul3A_428 : vector<16xf32> to vector<1x16xf32>
        tpu.vector_store %arg8[%swap3A_429, %swap3A_430], %swap3A_433 {strides = array<i32>} : memref<50x128xf32, #tpu.memory_space<vmem>>, vector<1x16xf32>,
        %get3A_434 = arith.index_cast %scan3A_375 : i32 to index
        %get3A_435 = arith.constant 80 : index
        %get3A_436 = tpu.vector_load %arg8[%get3A_434, %get3A_435] {strides = array<i32>} : memref<50x128xf32, #tpu.memory_space<vmem>>, vector<1x16xf32>,
        %get3A_437 = vector.shape_cast %get3A_436 : vector<1x16xf32> to vector<16xf32>
        %mul3A_438 = arith.constant 11.3137083 : f32
        %mul3A_439 = vector.broadcast %mul3A_438 : f32 to vector<16xf32>
        %mul3A_440 = arith.mulf %get3A_437, %mul3A_439 : vector<16xf32>
        %swap3A_441 = arith.index_cast %scan3A_375 : i32 to index
        %swap3A_442 = arith.constant 80 : index
        %swap3A_443 = tpu.vector_load %arg8[%swap3A_441, %swap3A_442] {strides = array<i32>} : memref<50x128xf32, #tpu.memory_space<vmem>>, vector<1x16xf32>,
        %swap3A_444 = vector.shape_cast %swap3A_443 : vector<1x16xf32> to vector<16xf32>
        %swap3A_445 = vector.shape_cast %mul3A_440 : vector<16xf32> to vector<1x16xf32>
        tpu.vector_store %arg8[%swap3A_441, %swap3A_442], %swap3A_445 {strides = array<i32>} : memref<50x128xf32, #tpu.memory_space<vmem>>, vector<1x16xf32>,
        %get3A_446 = arith.index_cast %scan3A_375 : i32 to index
        %get3A_447 = arith.constant 96 : index
        %get3A_448 = tpu.vector_load %arg8[%get3A_446, %get3A_447] {strides = array<i32>} : memref<50x128xf32, #tpu.memory_space<vmem>>, vector<1x16xf32>,
        %get3A_449 = vector.shape_cast %get3A_448 : vector<1x16xf32> to vector<16xf32>
        %mul3A_450 = arith.constant 11.3137083 : f32
        %mul3A_451 = vector.broadcast %mul3A_450 : f32 to vector<16xf32>
        %mul3A_452 = arith.mulf %get3A_449, %mul3A_451 : vector<16xf32>
        %swap3A_453 = arith.index_cast %scan3A_375 : i32 to index
        %swap3A_454 = arith.constant 96 : index
        %swap3A_455 = tpu.vector_load %arg8[%swap3A_453, %swap3A_454] {strides = array<i32>} : memref<50x128xf32, #tpu.memory_space<vmem>>, vector<1x16xf32>,
        %swap3A_456 = vector.shape_cast %swap3A_455 : vector<1x16xf32> to vector<16xf32>
        %swap3A_457 = vector.shape_cast %mul3A_452 : vector<16xf32> to vector<1x16xf32>
        tpu.vector_store %arg8[%swap3A_453, %swap3A_454], %swap3A_457 {strides = array<i32>} : memref<50x128xf32, #tpu.memory_space<vmem>>, vector<1x16xf32>,
        %get3A_458 = arith.index_cast %scan3A_375 : i32 to index
        %get3A_459 = arith.constant 112 : index
        %get3A_460 = tpu.vector_load %arg8[%get3A_458, %get3A_459] {strides = array<i32>} : memref<50x128xf32, #tpu.memory_space<vmem>>, vector<1x16xf32>,
        %get3A_461 = vector.shape_cast %get3A_460 : vector<1x16xf32> to vector<16xf32>
        %mul3A_462 = arith.constant 11.3137083 : f32
        %mul3A_463 = vector.broadcast %mul3A_462 : f32 to vector<16xf32>
        %mul3A_464 = arith.mulf %get3A_461, %mul3A_463 : vector<16xf32>
        %swap3A_465 = arith.index_cast %scan3A_375 : i32 to index
        %swap3A_466 = arith.constant 112 : index
        %swap3A_467 = tpu.vector_load %arg8[%swap3A_465, %swap3A_466] {strides = array<i32>} : memref<50x128xf32, #tpu.memory_space<vmem>>, vector<1x16xf32>,
        %swap3A_468 = vector.shape_cast %swap3A_467 : vector<1x16xf32> to vector<16xf32>
        %swap3A_469 = vector.shape_cast %mul3A_464 : vector<16xf32> to vector<1x16xf32>
        tpu.vector_store %arg8[%swap3A_465, %swap3A_466], %swap3A_469 {strides = array<i32>} : memref<50x128xf32, #tpu.memory_space<vmem>>, vector<1x16xf32>,
        %scan3A_470 = arith.constant 1 : i32
        %scan3A_471 = arith.addi %scan3A_375, %scan3A_470 : i32
        %get3A_472 = arith.index_cast %scan3A_471 : i32 to index
        %get3A_473 = arith.constant 0 : index
        %get3A_474 = tpu.vector_load %arg8[%get3A_472, %get3A_473] {strides = array<i32>} : memref<50x128xf32, #tpu.memory_space<vmem>>, vector<1x16xf32>,
        %get3A_475 = vector.shape_cast %get3A_474 : vector<1x16xf32> to vector<16xf32>
        %mul3A_476 = arith.constant 11.3137083 : f32
        %mul3A_477 = vector.broadcast %mul3A_476 : f32 to vector<16xf32>
        %mul3A_478 = arith.mulf %get3A_475, %mul3A_477 : vector<16xf32>
        %swap3A_479 = arith.index_cast %scan3A_471 : i32 to index
        %swap3A_480 = arith.constant 0 : index
        %swap3A_481 = tpu.vector_load %arg8[%swap3A_479, %swap3A_480] {strides = array<i32>} : memref<50x128xf32, #tpu.memory_space<vmem>>, vector<1x16xf32>,
        %swap3A_482 = vector.shape_cast %swap3A_481 : vector<1x16xf32> to vector<16xf32>
        %swap3A_483 = vector.shape_cast %mul3A_478 : vector<16xf32> to vector<1x16xf32>
        tpu.vector_store %arg8[%swap3A_479, %swap3A_480], %swap3A_483 {strides = array<i32>} : memref<50x128xf32, #tpu.memory_space<vmem>>, vector<1x16xf32>,
        %get3A_484 = arith.index_cast %scan3A_471 : i32 to index
        %get3A_485 = arith.constant 16 : index
        %get3A_486 = tpu.vector_load %arg8[%get3A_484, %get3A_485] {strides = array<i32>} : memref<50x128xf32, #tpu.memory_space<vmem>>, vector<1x16xf32>,
        %get3A_487 = vector.shape_cast %get3A_486 : vector<1x16xf32> to vector<16xf32>
        %mul3A_488 = arith.constant 11.3137083 : f32
        %mul3A_489 = vector.broadcast %mul3A_488 : f32 to vector<16xf32>
        %mul3A_490 = arith.mulf %get3A_487, %mul3A_489 : vector<16xf32>
        %swap3A_491 = arith.index_cast %scan3A_471 : i32 to index
        %swap3A_492 = arith.constant 16 : index
        %swap3A_493 = tpu.vector_load %arg8[%swap3A_491, %swap3A_492] {strides = array<i32>} : memref<50x128xf32, #tpu.memory_space<vmem>>, vector<1x16xf32>,
        %swap3A_494 = vector.shape_cast %swap3A_493 : vector<1x16xf32> to vector<16xf32>
        %swap3A_495 = vector.shape_cast %mul3A_490 : vector<16xf32> to vector<1x16xf32>
        tpu.vector_store %arg8[%swap3A_491, %swap3A_492], %swap3A_495 {strides = array<i32>} : memref<50x128xf32, #tpu.memory_space<vmem>>, vector<1x16xf32>,
        %get3A_496 = arith.index_cast %scan3A_471 : i32 to index
        %get3A_497 = arith.constant 32 : index
        %get3A_498 = tpu.vector_load %arg8[%get3A_496, %get3A_497] {strides = array<i32>} : memref<50x128xf32, #tpu.memory_space<vmem>>, vector<1x16xf32>,
        %get3A_499 = vector.shape_cast %get3A_498 : vector<1x16xf32> to vector<16xf32>
        %mul3A_500 = arith.constant 11.3137083 : f32
        %mul3A_501 = vector.broadcast %mul3A_500 : f32 to vector<16xf32>
        %mul3A_502 = arith.mulf %get3A_499, %mul3A_501 : vector<16xf32>
        %swap3A_503 = arith.index_cast %scan3A_471 : i32 to index
        %swap3A_504 = arith.constant 32 : index
        %swap3A_505 = tpu.vector_load %arg8[%swap3A_503, %swap3A_504] {strides = array<i32>} : memref<50x128xf32, #tpu.memory_space<vmem>>, vector<1x16xf32>,
        %swap3A_506 = vector.shape_cast %swap3A_505 : vector<1x16xf32> to vector<16xf32>
        %swap3A_507 = vector.shape_cast %mul3A_502 : vector<16xf32> to vector<1x16xf32>
        tpu.vector_store %arg8[%swap3A_503, %swap3A_504], %swap3A_507 {strides = array<i32>} : memref<50x128xf32, #tpu.memory_space<vmem>>, vector<1x16xf32>,
        %get3A_508 = arith.index_cast %scan3A_471 : i32 to index
        %get3A_509 = arith.constant 48 : index
        %get3A_510 = tpu.vector_load %arg8[%get3A_508, %get3A_509] {strides = array<i32>} : memref<50x128xf32, #tpu.memory_space<vmem>>, vector<1x16xf32>,
        %get3A_511 = vector.shape_cast %get3A_510 : vector<1x16xf32> to vector<16xf32>
        %mul3A_512 = arith.constant 11.3137083 : f32
        %mul3A_513 = vector.broadcast %mul3A_512 : f32 to vector<16xf32>
        %mul3A_514 = arith.mulf %get3A_511, %mul3A_513 : vector<16xf32>
        %swap3A_515 = arith.index_cast %scan3A_471 : i32 to index
        %swap3A_516 = arith.constant 48 : index
        %swap3A_517 = tpu.vector_load %arg8[%swap3A_515, %swap3A_516] {strides = array<i32>} : memref<50x128xf32, #tpu.memory_space<vmem>>, vector<1x16xf32>,
        %swap3A_518 = vector.shape_cast %swap3A_517 : vector<1x16xf32> to vector<16xf32>
        %swap3A_519 = vector.shape_cast %mul3A_514 : vector<16xf32> to vector<1x16xf32>
        tpu.vector_store %arg8[%swap3A_515, %swap3A_516], %swap3A_519 {strides = array<i32>} : memref<50x128xf32, #tpu.memory_space<vmem>>, vector<1x16xf32>,
        %get3A_520 = arith.index_cast %scan3A_471 : i32 to index
        %get3A_521 = arith.constant 64 : index
        %get3A_522 = tpu.vector_load %arg8[%get3A_520, %get3A_521] {strides = array<i32>} : memref<50x128xf32, #tpu.memory_space<vmem>>, vector<1x16xf32>,
        %get3A_523 = vector.shape_cast %get3A_522 : vector<1x16xf32> to vector<16xf32>
        %mul3A_524 = arith.constant 11.3137083 : f32
        %mul3A_525 = vector.broadcast %mul3A_524 : f32 to vector<16xf32>
        %mul3A_526 = arith.mulf %get3A_523, %mul3A_525 : vector<16xf32>
        %swap3A_527 = arith.index_cast %scan3A_471 : i32 to index
        %swap3A_528 = arith.constant 64 : index
        %swap3A_529 = tpu.vector_load %arg8[%swap3A_527, %swap3A_528] {strides = array<i32>} : memref<50x128xf32, #tpu.memory_space<vmem>>, vector<1x16xf32>,
        %swap3A_530 = vector.shape_cast %swap3A_529 : vector<1x16xf32> to vector<16xf32>
        %swap3A_531 = vector.shape_cast %mul3A_526 : vector<16xf32> to vector<1x16xf32>
        tpu.vector_store %arg8[%swap3A_527, %swap3A_528], %swap3A_531 {strides = array<i32>} : memref<50x128xf32, #tpu.memory_space<vmem>>, vector<1x16xf32>,
        %get3A_532 = arith.index_cast %scan3A_471 : i32 to index
        %get3A_533 = arith.constant 80 : index
        %get3A_534 = tpu.vector_load %arg8[%get3A_532, %get3A_533] {strides = array<i32>} : memref<50x128xf32, #tpu.memory_space<vmem>>, vector<1x16xf32>,
        %get3A_535 = vector.shape_cast %get3A_534 : vector<1x16xf32> to vector<16xf32>
        %mul3A_536 = arith.constant 11.3137083 : f32
        %mul3A_537 = vector.broadcast %mul3A_536 : f32 to vector<16xf32>
        %mul3A_538 = arith.mulf %get3A_535, %mul3A_537 : vector<16xf32>
        %swap3A_539 = arith.index_cast %scan3A_471 : i32 to index
        %swap3A_540 = arith.constant 80 : index
        %swap3A_541 = tpu.vector_load %arg8[%swap3A_539, %swap3A_540] {strides = array<i32>} : memref<50x128xf32, #tpu.memory_space<vmem>>, vector<1x16xf32>,
        %swap3A_542 = vector.shape_cast %swap3A_541 : vector<1x16xf32> to vector<16xf32>
        %swap3A_543 = vector.shape_cast %mul3A_538 : vector<16xf32> to vector<1x16xf32>
        tpu.vector_store %arg8[%swap3A_539, %swap3A_540], %swap3A_543 {strides = array<i32>} : memref<50x128xf32, #tpu.memory_space<vmem>>, vector<1x16xf32>,
        %get3A_544 = arith.index_cast %scan3A_471 : i32 to index
        %get3A_545 = arith.constant 96 : index
        %get3A_546 = tpu.vector_load %arg8[%get3A_544, %get3A_545] {strides = array<i32>} : memref<50x128xf32, #tpu.memory_space<vmem>>, vector<1x16xf32>,
        %get3A_547 = vector.shape_cast %get3A_546 : vector<1x16xf32> to vector<16xf32>
        %mul3A_548 = arith.constant 11.3137083 : f32
        %mul3A_549 = vector.broadcast %mul3A_548 : f32 to vector<16xf32>
        %mul3A_550 = arith.mulf %get3A_547, %mul3A_549 : vector<16xf32>
        %swap3A_551 = arith.index_cast %scan3A_471 : i32 to index
        %swap3A_552 = arith.constant 96 : index
        %swap3A_553 = tpu.vector_load %arg8[%swap3A_551, %swap3A_552] {strides = array<i32>} : memref<50x128xf32, #tpu.memory_space<vmem>>, vector<1x16xf32>,
        %swap3A_554 = vector.shape_cast %swap3A_553 : vector<1x16xf32> to vector<16xf32>
        %swap3A_555 = vector.shape_cast %mul3A_550 : vector<16xf32> to vector<1x16xf32>
        tpu.vector_store %arg8[%swap3A_551, %swap3A_552], %swap3A_555 {strides = array<i32>} : memref<50x128xf32, #tpu.memory_space<vmem>>, vector<1x16xf32>,
        %get3A_556 = arith.index_cast %scan3A_471 : i32 to index
        %get3A_557 = arith.constant 112 : index
        %get3A_558 = tpu.vector_load %arg8[%get3A_556, %get3A_557] {strides = array<i32>} : memref<50x128xf32, #tpu.memory_space<vmem>>, vector<1x16xf32>,
        %get3A_559 = vector.shape_cast %get3A_558 : vector<1x16xf32> to vector<16xf32>
        %mul3A_560 = arith.constant 11.3137083 : f32
        %mul3A_561 = vector.broadcast %mul3A_560 : f32 to vector<16xf32>
        %mul3A_562 = arith.mulf %get3A_559, %mul3A_561 : vector<16xf32>
        %swap3A_563 = arith.index_cast %scan3A_471 : i32 to index
        %swap3A_564 = arith.constant 112 : index
        %swap3A_565 = tpu.vector_load %arg8[%swap3A_563, %swap3A_564] {strides = array<i32>} : memref<50x128xf32, #tpu.memory_space<vmem>>, vector<1x16xf32>,
        %swap3A_566 = vector.shape_cast %swap3A_565 : vector<1x16xf32> to vector<16xf32>
        %swap3A_567 = vector.shape_cast %mul3A_562 : vector<16xf32> to vector<1x16xf32>
        tpu.vector_store %arg8[%swap3A_563, %swap3A_564], %swap3A_567 {strides = array<i32>} : memref<50x128xf32, #tpu.memory_space<vmem>>, vector<1x16xf32>,
      }
      %scan3A_205 = arith.constant 50 : i32
      %add3A_206 = arith.addi %mul3A_2, %add3A_186 : i32
      %dma_start3A_207 = arith.constant 0 : i32
      %dma_start3A_208 = arith.constant 0 : i32
      %dma_start3A_209 = tpu.memref_slice %arg4[%add3A_206, %dma_start3A_207, %dma_start3A_208] : memref<4096x50x128xf32, #tpu.memory_space<hbm>> -> memref<1x50x128xf32, #tpu.memory_space<hbm>>
      %dma_start3A_210 = tpu.memref_squeeze %dma_start3A_209 : memref<1x50x128xf32, #tpu.memory_space<hbm>> -> memref<50x128xf32, #tpu.memory_space<hbm>>
      %dma_start3A_211 = arith.constant 0 : i32
      %dma_start3A_212 = arith.constant 0 : i32
      %dma_start3A_213 = tpu.memref_slice %arg4[%add3A_206, %dma_start3A_211, %dma_start3A_212] : memref<4096x50x128xf32, #tpu.memory_space<hbm>> -> memref<1x50x128xf32, #tpu.memory_space<hbm>>
      %dma_start3A_214 = tpu.memref_squeeze %dma_start3A_213 : memref<1x50x128xf32, #tpu.memory_space<hbm>> -> memref<50x128xf32, #tpu.memory_space<hbm>>
      tpu.enqueue_dma source(%arg8 : memref<50x128xf32, #tpu.memory_space<vmem>>) target(%dma_start3A_214 : memref<50x128xf32, #tpu.memory_space<hbm>>) target_semaphore(%arg24 : memref<!tpu.dma_semaphore, #tpu.memory_space<semaphore_mem>>)
      %mul3A_215 = arith.constant 8 : i32
      %mul3A_216 = arith.muli %scan3A_121, %mul3A_215 : i32
      %add3A_217 = arith.constant 3 : i32
      %add3A_218 = arith.addi %mul3A_216, %add3A_217 : i32
      %add3A_219 = arith.constant 5 : i32
      %add3A_220 = arith.addi %add3A_218, %add3A_219 : i32
      %lt3A_221 = arith.constant 128 : i32
      %lt3A_222 = arith.cmpi slt, %add3A_220, %lt3A_221 : i32
      %convert_element_type3A_223 = arith.extui %lt3A_222 : i1 to i32
      %cond3A_224 = arith.constant 0 : i32
      %cond3A_225 = arith.cmpi ne, %convert_element_type3A_223, %cond3A_224 : i32
      scf.if %cond3A_225 {
        %add3A_375 = arith.constant 5 : i32
        %add3A_376 = arith.addi %add3A_218, %add3A_375 : i32
        %sub3A = arith.constant 8 : i32
        %sub3A_377 = arith.subi %add3A_376, %sub3A : i32
        %ge3A = arith.constant 0 : i32
        %ge3A_378 = arith.cmpi sge, %sub3A_377, %ge3A : i32
        %convert_element_type3A_379 = arith.extui %ge3A_378 : i1 to i32
        %cond3A_380 = arith.constant 0 : i32
        %cond3A_381 = arith.cmpi ne, %convert_element_type3A_379, %cond3A_380 : i32
        scf.if %cond3A_381 {
          %add3A_390 = arith.constant 5 : i32
          %add3A_391 = arith.addi %add3A_218, %add3A_390 : i32
          %sub3A_392 = arith.constant 8 : i32
          %sub3A_393 = arith.subi %add3A_391, %sub3A_392 : i32
          %add3A_394 = arith.addi %mul3A_2, %sub3A_393 : i32
          %dma_wait3A_395 = arith.constant 0 : i32
          %dma_wait3A_396 = arith.constant 0 : i32
          %dma_wait3A_397 = tpu.memref_slice %arg4[%add3A_394, %dma_wait3A_395, %dma_wait3A_396] : memref<4096x50x128xf32, #tpu.memory_space<hbm>> -> memref<1x50x128xf32, #tpu.memory_space<hbm>>
          %dma_wait3A_398 = tpu.memref_squeeze %dma_wait3A_397 : memref<1x50x128xf32, #tpu.memory_space<hbm>> -> memref<50x128xf32, #tpu.memory_space<hbm>>
          %dma_wait3A_399 = arith.constant 0 : i32
          %dma_wait3A_400 = arith.constant 0 : i32
          %dma_wait3A_401 = tpu.memref_slice %arg4[%add3A_394, %dma_wait3A_399, %dma_wait3A_400] : memref<4096x50x128xf32, #tpu.memory_space<hbm>> -> memref<1x50x128xf32, #tpu.memory_space<hbm>>
          %dma_wait3A_402 = tpu.memref_squeeze %dma_wait3A_401 : memref<1x50x128xf32, #tpu.memory_space<hbm>> -> memref<50x128xf32, #tpu.memory_space<hbm>>
          tpu.wait_dma2 semaphore(%arg22 : memref<!tpu.dma_semaphore, #tpu.memory_space<semaphore_mem>>) src(%arg6 : memref<50x128xf32, #tpu.memory_space<vmem>>) dst(%dma_wait3A_402 : memref<50x128xf32, #tpu.memory_space<hbm>>)
        } else {
        }
        %add3A_382 = arith.constant 5 : i32
        %add3A_383 = arith.addi %add3A_218, %add3A_382 : i32
        %dma_start3A_384 = arith.constant 0 : i32
        %dma_start3A_385 = tpu.memref_slice %arg5[%add3A_383, %dma_start3A_384] : memref<128x50xi32, #tpu.memory_space<vmem>> -> memref<1x50xi32, #tpu.memory_space<vmem>>
        %dma_start3A_386 = tpu.memref_squeeze %dma_start3A_385 : memref<1x50xi32, #tpu.memory_space<vmem>> -> memref<50xi32, #tpu.memory_space<vmem>>
        %dma_start3A_387 = arith.constant 0 : i32
        %dma_start3A_388 = arith.constant 0 : i32
        %dma_start3A_389 = tpu.memref_slice %arg3[%dma_start3A_387, %dma_start3A_388] : memref<1000000x128xf32, #tpu.memory_space<hbm>> -> memref<1000000x128xf32, #tpu.memory_space<hbm>>
        tpu.enqueue_indirect_dma source(%dma_start3A_389 : memref<1000000x128xf32, #tpu.memory_space<hbm>>) target(%arg6 : memref<50x128xf32, #tpu.memory_space<vmem>>) offsets(%dma_start3A_386 : memref<50xi32, #tpu.memory_space<vmem>>) semaphore(%arg14 : memref<!tpu.dma_semaphore, #tpu.memory_space<semaphore_mem>>)
      } else {
      }
      %dma_wait3A_226 = arith.constant 0 : i32
      %dma_wait3A_227 = tpu.memref_slice %arg5[%add3A_218, %dma_wait3A_226] : memref<128x50xi32, #tpu.memory_space<vmem>> -> memref<1x50xi32, #tpu.memory_space<vmem>>
      %dma_wait3A_228 = tpu.memref_squeeze %dma_wait3A_227 : memref<1x50xi32, #tpu.memory_space<vmem>> -> memref<50xi32, #tpu.memory_space<vmem>>
      %dma_wait3A_229 = arith.constant 0 : i32
      %dma_wait3A_230 = arith.constant 0 : i32
      %dma_wait3A_231 = tpu.memref_slice %arg3[%dma_wait3A_229, %dma_wait3A_230] : memref<1000000x128xf32, #tpu.memory_space<hbm>> -> memref<1000000x128xf32, #tpu.memory_space<hbm>>
      tpu.wait_indirect_dma semaphore(%arg17 : memref<!tpu.dma_semaphore, #tpu.memory_space<semaphore_mem>>) src(%dma_wait3A_231 : memref<1000000x128xf32, #tpu.memory_space<hbm>>) dst(%arg9 : memref<50x128xf32, #tpu.memory_space<vmem>>)
      %scan3A_232 = arith.constant 0 : i32
      %scan3A_233 = arith.constant 0 : i32
      %scan3A_234 = arith.constant 50 : i32
      %scan3A_235 = arith.addi %scan3A_233, %scan3A_234 : i32
      %scan3A_236 = arith.constant 2 : i32
      scf.for %scan3A_375 = %scan3A_233 to %scan3A_235 step %scan3A_236  : i32 {
        %get3A = arith.index_cast %scan3A_375 : i32 to index
        %get3A_376 = arith.constant 0 : index
        %get3A_377 = tpu.vector_load %arg9[%get3A, %get3A_376] {strides = array<i32>} : memref<50x128xf32, #tpu.memory_space<vmem>>, vector<1x16xf32>,
        %get3A_378 = vector.shape_cast %get3A_377 : vector<1x16xf32> to vector<16xf32>
        %mul3A_379 = arith.constant 11.3137083 : f32
        %mul3A_380 = vector.broadcast %mul3A_379 : f32 to vector<16xf32>
        %mul3A_381 = arith.mulf %get3A_378, %mul3A_380 : vector<16xf32>
        %swap3A = arith.index_cast %scan3A_375 : i32 to index
        %swap3A_382 = arith.constant 0 : index
        %swap3A_383 = tpu.vector_load %arg9[%swap3A, %swap3A_382] {strides = array<i32>} : memref<50x128xf32, #tpu.memory_space<vmem>>, vector<1x16xf32>,
        %swap3A_384 = vector.shape_cast %swap3A_383 : vector<1x16xf32> to vector<16xf32>
        %swap3A_385 = vector.shape_cast %mul3A_381 : vector<16xf32> to vector<1x16xf32>
        tpu.vector_store %arg9[%swap3A, %swap3A_382], %swap3A_385 {strides = array<i32>} : memref<50x128xf32, #tpu.memory_space<vmem>>, vector<1x16xf32>,
        %get3A_386 = arith.index_cast %scan3A_375 : i32 to index
        %get3A_387 = arith.constant 16 : index
        %get3A_388 = tpu.vector_load %arg9[%get3A_386, %get3A_387] {strides = array<i32>} : memref<50x128xf32, #tpu.memory_space<vmem>>, vector<1x16xf32>,
        %get3A_389 = vector.shape_cast %get3A_388 : vector<1x16xf32> to vector<16xf32>
        %mul3A_390 = arith.constant 11.3137083 : f32
        %mul3A_391 = vector.broadcast %mul3A_390 : f32 to vector<16xf32>
        %mul3A_392 = arith.mulf %get3A_389, %mul3A_391 : vector<16xf32>
        %swap3A_393 = arith.index_cast %scan3A_375 : i32 to index
        %swap3A_394 = arith.constant 16 : index
        %swap3A_395 = tpu.vector_load %arg9[%swap3A_393, %swap3A_394] {strides = array<i32>} : memref<50x128xf32, #tpu.memory_space<vmem>>, vector<1x16xf32>,
        %swap3A_396 = vector.shape_cast %swap3A_395 : vector<1x16xf32> to vector<16xf32>
        %swap3A_397 = vector.shape_cast %mul3A_392 : vector<16xf32> to vector<1x16xf32>
        tpu.vector_store %arg9[%swap3A_393, %swap3A_394], %swap3A_397 {strides = array<i32>} : memref<50x128xf32, #tpu.memory_space<vmem>>, vector<1x16xf32>,
        %get3A_398 = arith.index_cast %scan3A_375 : i32 to index
        %get3A_399 = arith.constant 32 : index
        %get3A_400 = tpu.vector_load %arg9[%get3A_398, %get3A_399] {strides = array<i32>} : memref<50x128xf32, #tpu.memory_space<vmem>>, vector<1x16xf32>,
        %get3A_401 = vector.shape_cast %get3A_400 : vector<1x16xf32> to vector<16xf32>
        %mul3A_402 = arith.constant 11.3137083 : f32
        %mul3A_403 = vector.broadcast %mul3A_402 : f32 to vector<16xf32>
        %mul3A_404 = arith.mulf %get3A_401, %mul3A_403 : vector<16xf32>
        %swap3A_405 = arith.index_cast %scan3A_375 : i32 to index
        %swap3A_406 = arith.constant 32 : index
        %swap3A_407 = tpu.vector_load %arg9[%swap3A_405, %swap3A_406] {strides = array<i32>} : memref<50x128xf32, #tpu.memory_space<vmem>>, vector<1x16xf32>,
        %swap3A_408 = vector.shape_cast %swap3A_407 : vector<1x16xf32> to vector<16xf32>
        %swap3A_409 = vector.shape_cast %mul3A_404 : vector<16xf32> to vector<1x16xf32>
        tpu.vector_store %arg9[%swap3A_405, %swap3A_406], %swap3A_409 {strides = array<i32>} : memref<50x128xf32, #tpu.memory_space<vmem>>, vector<1x16xf32>,
        %get3A_410 = arith.index_cast %scan3A_375 : i32 to index
        %get3A_411 = arith.constant 48 : index
        %get3A_412 = tpu.vector_load %arg9[%get3A_410, %get3A_411] {strides = array<i32>} : memref<50x128xf32, #tpu.memory_space<vmem>>, vector<1x16xf32>,
        %get3A_413 = vector.shape_cast %get3A_412 : vector<1x16xf32> to vector<16xf32>
        %mul3A_414 = arith.constant 11.3137083 : f32
        %mul3A_415 = vector.broadcast %mul3A_414 : f32 to vector<16xf32>
        %mul3A_416 = arith.mulf %get3A_413, %mul3A_415 : vector<16xf32>
        %swap3A_417 = arith.index_cast %scan3A_375 : i32 to index
        %swap3A_418 = arith.constant 48 : index
        %swap3A_419 = tpu.vector_load %arg9[%swap3A_417, %swap3A_418] {strides = array<i32>} : memref<50x128xf32, #tpu.memory_space<vmem>>, vector<1x16xf32>,
        %swap3A_420 = vector.shape_cast %swap3A_419 : vector<1x16xf32> to vector<16xf32>
        %swap3A_421 = vector.shape_cast %mul3A_416 : vector<16xf32> to vector<1x16xf32>
        tpu.vector_store %arg9[%swap3A_417, %swap3A_418], %swap3A_421 {strides = array<i32>} : memref<50x128xf32, #tpu.memory_space<vmem>>, vector<1x16xf32>,
        %get3A_422 = arith.index_cast %scan3A_375 : i32 to index
        %get3A_423 = arith.constant 64 : index
        %get3A_424 = tpu.vector_load %arg9[%get3A_422, %get3A_423] {strides = array<i32>} : memref<50x128xf32, #tpu.memory_space<vmem>>, vector<1x16xf32>,
        %get3A_425 = vector.shape_cast %get3A_424 : vector<1x16xf32> to vector<16xf32>
        %mul3A_426 = arith.constant 11.3137083 : f32
        %mul3A_427 = vector.broadcast %mul3A_426 : f32 to vector<16xf32>
        %mul3A_428 = arith.mulf %get3A_425, %mul3A_427 : vector<16xf32>
        %swap3A_429 = arith.index_cast %scan3A_375 : i32 to index
        %swap3A_430 = arith.constant 64 : index
        %swap3A_431 = tpu.vector_load %arg9[%swap3A_429, %swap3A_430] {strides = array<i32>} : memref<50x128xf32, #tpu.memory_space<vmem>>, vector<1x16xf32>,
        %swap3A_432 = vector.shape_cast %swap3A_431 : vector<1x16xf32> to vector<16xf32>
        %swap3A_433 = vector.shape_cast %mul3A_428 : vector<16xf32> to vector<1x16xf32>
        tpu.vector_store %arg9[%swap3A_429, %swap3A_430], %swap3A_433 {strides = array<i32>} : memref<50x128xf32, #tpu.memory_space<vmem>>, vector<1x16xf32>,
        %get3A_434 = arith.index_cast %scan3A_375 : i32 to index
        %get3A_435 = arith.constant 80 : index
        %get3A_436 = tpu.vector_load %arg9[%get3A_434, %get3A_435] {strides = array<i32>} : memref<50x128xf32, #tpu.memory_space<vmem>>, vector<1x16xf32>,
        %get3A_437 = vector.shape_cast %get3A_436 : vector<1x16xf32> to vector<16xf32>
        %mul3A_438 = arith.constant 11.3137083 : f32
        %mul3A_439 = vector.broadcast %mul3A_438 : f32 to vector<16xf32>
        %mul3A_440 = arith.mulf %get3A_437, %mul3A_439 : vector<16xf32>
        %swap3A_441 = arith.index_cast %scan3A_375 : i32 to index
        %swap3A_442 = arith.constant 80 : index
        %swap3A_443 = tpu.vector_load %arg9[%swap3A_441, %swap3A_442] {strides = array<i32>} : memref<50x128xf32, #tpu.memory_space<vmem>>, vector<1x16xf32>,
        %swap3A_444 = vector.shape_cast %swap3A_443 : vector<1x16xf32> to vector<16xf32>
        %swap3A_445 = vector.shape_cast %mul3A_440 : vector<16xf32> to vector<1x16xf32>
        tpu.vector_store %arg9[%swap3A_441, %swap3A_442], %swap3A_445 {strides = array<i32>} : memref<50x128xf32, #tpu.memory_space<vmem>>, vector<1x16xf32>,
        %get3A_446 = arith.index_cast %scan3A_375 : i32 to index
        %get3A_447 = arith.constant 96 : index
        %get3A_448 = tpu.vector_load %arg9[%get3A_446, %get3A_447] {strides = array<i32>} : memref<50x128xf32, #tpu.memory_space<vmem>>, vector<1x16xf32>,
        %get3A_449 = vector.shape_cast %get3A_448 : vector<1x16xf32> to vector<16xf32>
        %mul3A_450 = arith.constant 11.3137083 : f32
        %mul3A_451 = vector.broadcast %mul3A_450 : f32 to vector<16xf32>
        %mul3A_452 = arith.mulf %get3A_449, %mul3A_451 : vector<16xf32>
        %swap3A_453 = arith.index_cast %scan3A_375 : i32 to index
        %swap3A_454 = arith.constant 96 : index
        %swap3A_455 = tpu.vector_load %arg9[%swap3A_453, %swap3A_454] {strides = array<i32>} : memref<50x128xf32, #tpu.memory_space<vmem>>, vector<1x16xf32>,
        %swap3A_456 = vector.shape_cast %swap3A_455 : vector<1x16xf32> to vector<16xf32>
        %swap3A_457 = vector.shape_cast %mul3A_452 : vector<16xf32> to vector<1x16xf32>
        tpu.vector_store %arg9[%swap3A_453, %swap3A_454], %swap3A_457 {strides = array<i32>} : memref<50x128xf32, #tpu.memory_space<vmem>>, vector<1x16xf32>,
        %get3A_458 = arith.index_cast %scan3A_375 : i32 to index
        %get3A_459 = arith.constant 112 : index
        %get3A_460 = tpu.vector_load %arg9[%get3A_458, %get3A_459] {strides = array<i32>} : memref<50x128xf32, #tpu.memory_space<vmem>>, vector<1x16xf32>,
        %get3A_461 = vector.shape_cast %get3A_460 : vector<1x16xf32> to vector<16xf32>
        %mul3A_462 = arith.constant 11.3137083 : f32
        %mul3A_463 = vector.broadcast %mul3A_462 : f32 to vector<16xf32>
        %mul3A_464 = arith.mulf %get3A_461, %mul3A_463 : vector<16xf32>
        %swap3A_465 = arith.index_cast %scan3A_375 : i32 to index
        %swap3A_466 = arith.constant 112 : index
        %swap3A_467 = tpu.vector_load %arg9[%swap3A_465, %swap3A_466] {strides = array<i32>} : memref<50x128xf32, #tpu.memory_space<vmem>>, vector<1x16xf32>,
        %swap3A_468 = vector.shape_cast %swap3A_467 : vector<1x16xf32> to vector<16xf32>
        %swap3A_469 = vector.shape_cast %mul3A_464 : vector<16xf32> to vector<1x16xf32>
        tpu.vector_store %arg9[%swap3A_465, %swap3A_466], %swap3A_469 {strides = array<i32>} : memref<50x128xf32, #tpu.memory_space<vmem>>, vector<1x16xf32>,
        %scan3A_470 = arith.constant 1 : i32
        %scan3A_471 = arith.addi %scan3A_375, %scan3A_470 : i32
        %get3A_472 = arith.index_cast %scan3A_471 : i32 to index
        %get3A_473 = arith.constant 0 : index
        %get3A_474 = tpu.vector_load %arg9[%get3A_472, %get3A_473] {strides = array<i32>} : memref<50x128xf32, #tpu.memory_space<vmem>>, vector<1x16xf32>,
        %get3A_475 = vector.shape_cast %get3A_474 : vector<1x16xf32> to vector<16xf32>
        %mul3A_476 = arith.constant 11.3137083 : f32
        %mul3A_477 = vector.broadcast %mul3A_476 : f32 to vector<16xf32>
        %mul3A_478 = arith.mulf %get3A_475, %mul3A_477 : vector<16xf32>
        %swap3A_479 = arith.index_cast %scan3A_471 : i32 to index
        %swap3A_480 = arith.constant 0 : index
        %swap3A_481 = tpu.vector_load %arg9[%swap3A_479, %swap3A_480] {strides = array<i32>} : memref<50x128xf32, #tpu.memory_space<vmem>>, vector<1x16xf32>,
        %swap3A_482 = vector.shape_cast %swap3A_481 : vector<1x16xf32> to vector<16xf32>
        %swap3A_483 = vector.shape_cast %mul3A_478 : vector<16xf32> to vector<1x16xf32>
        tpu.vector_store %arg9[%swap3A_479, %swap3A_480], %swap3A_483 {strides = array<i32>} : memref<50x128xf32, #tpu.memory_space<vmem>>, vector<1x16xf32>,
        %get3A_484 = arith.index_cast %scan3A_471 : i32 to index
        %get3A_485 = arith.constant 16 : index
        %get3A_486 = tpu.vector_load %arg9[%get3A_484, %get3A_485] {strides = array<i32>} : memref<50x128xf32, #tpu.memory_space<vmem>>, vector<1x16xf32>,
        %get3A_487 = vector.shape_cast %get3A_486 : vector<1x16xf32> to vector<16xf32>
        %mul3A_488 = arith.constant 11.3137083 : f32
        %mul3A_489 = vector.broadcast %mul3A_488 : f32 to vector<16xf32>
        %mul3A_490 = arith.mulf %get3A_487, %mul3A_489 : vector<16xf32>
        %swap3A_491 = arith.index_cast %scan3A_471 : i32 to index
        %swap3A_492 = arith.constant 16 : index
        %swap3A_493 = tpu.vector_load %arg9[%swap3A_491, %swap3A_492] {strides = array<i32>} : memref<50x128xf32, #tpu.memory_space<vmem>>, vector<1x16xf32>,
        %swap3A_494 = vector.shape_cast %swap3A_493 : vector<1x16xf32> to vector<16xf32>
        %swap3A_495 = vector.shape_cast %mul3A_490 : vector<16xf32> to vector<1x16xf32>
        tpu.vector_store %arg9[%swap3A_491, %swap3A_492], %swap3A_495 {strides = array<i32>} : memref<50x128xf32, #tpu.memory_space<vmem>>, vector<1x16xf32>,
        %get3A_496 = arith.index_cast %scan3A_471 : i32 to index
        %get3A_497 = arith.constant 32 : index
        %get3A_498 = tpu.vector_load %arg9[%get3A_496, %get3A_497] {strides = array<i32>} : memref<50x128xf32, #tpu.memory_space<vmem>>, vector<1x16xf32>,
        %get3A_499 = vector.shape_cast %get3A_498 : vector<1x16xf32> to vector<16xf32>
        %mul3A_500 = arith.constant 11.3137083 : f32
        %mul3A_501 = vector.broadcast %mul3A_500 : f32 to vector<16xf32>
        %mul3A_502 = arith.mulf %get3A_499, %mul3A_501 : vector<16xf32>
        %swap3A_503 = arith.index_cast %scan3A_471 : i32 to index
        %swap3A_504 = arith.constant 32 : index
        %swap3A_505 = tpu.vector_load %arg9[%swap3A_503, %swap3A_504] {strides = array<i32>} : memref<50x128xf32, #tpu.memory_space<vmem>>, vector<1x16xf32>,
        %swap3A_506 = vector.shape_cast %swap3A_505 : vector<1x16xf32> to vector<16xf32>
        %swap3A_507 = vector.shape_cast %mul3A_502 : vector<16xf32> to vector<1x16xf32>
        tpu.vector_store %arg9[%swap3A_503, %swap3A_504], %swap3A_507 {strides = array<i32>} : memref<50x128xf32, #tpu.memory_space<vmem>>, vector<1x16xf32>,
        %get3A_508 = arith.index_cast %scan3A_471 : i32 to index
        %get3A_509 = arith.constant 48 : index
        %get3A_510 = tpu.vector_load %arg9[%get3A_508, %get3A_509] {strides = array<i32>} : memref<50x128xf32, #tpu.memory_space<vmem>>, vector<1x16xf32>,
        %get3A_511 = vector.shape_cast %get3A_510 : vector<1x16xf32> to vector<16xf32>
        %mul3A_512 = arith.constant 11.3137083 : f32
        %mul3A_513 = vector.broadcast %mul3A_512 : f32 to vector<16xf32>
        %mul3A_514 = arith.mulf %get3A_511, %mul3A_513 : vector<16xf32>
        %swap3A_515 = arith.index_cast %scan3A_471 : i32 to index
        %swap3A_516 = arith.constant 48 : index
        %swap3A_517 = tpu.vector_load %arg9[%swap3A_515, %swap3A_516] {strides = array<i32>} : memref<50x128xf32, #tpu.memory_space<vmem>>, vector<1x16xf32>,
        %swap3A_518 = vector.shape_cast %swap3A_517 : vector<1x16xf32> to vector<16xf32>
        %swap3A_519 = vector.shape_cast %mul3A_514 : vector<16xf32> to vector<1x16xf32>
        tpu.vector_store %arg9[%swap3A_515, %swap3A_516], %swap3A_519 {strides = array<i32>} : memref<50x128xf32, #tpu.memory_space<vmem>>, vector<1x16xf32>,
        %get3A_520 = arith.index_cast %scan3A_471 : i32 to index
        %get3A_521 = arith.constant 64 : index
        %get3A_522 = tpu.vector_load %arg9[%get3A_520, %get3A_521] {strides = array<i32>} : memref<50x128xf32, #tpu.memory_space<vmem>>, vector<1x16xf32>,
        %get3A_523 = vector.shape_cast %get3A_522 : vector<1x16xf32> to vector<16xf32>
        %mul3A_524 = arith.constant 11.3137083 : f32
        %mul3A_525 = vector.broadcast %mul3A_524 : f32 to vector<16xf32>
        %mul3A_526 = arith.mulf %get3A_523, %mul3A_525 : vector<16xf32>
        %swap3A_527 = arith.index_cast %scan3A_471 : i32 to index
        %swap3A_528 = arith.constant 64 : index
        %swap3A_529 = tpu.vector_load %arg9[%swap3A_527, %swap3A_528] {strides = array<i32>} : memref<50x128xf32, #tpu.memory_space<vmem>>, vector<1x16xf32>,
        %swap3A_530 = vector.shape_cast %swap3A_529 : vector<1x16xf32> to vector<16xf32>
        %swap3A_531 = vector.shape_cast %mul3A_526 : vector<16xf32> to vector<1x16xf32>
        tpu.vector_store %arg9[%swap3A_527, %swap3A_528], %swap3A_531 {strides = array<i32>} : memref<50x128xf32, #tpu.memory_space<vmem>>, vector<1x16xf32>,
        %get3A_532 = arith.index_cast %scan3A_471 : i32 to index
        %get3A_533 = arith.constant 80 : index
        %get3A_534 = tpu.vector_load %arg9[%get3A_532, %get3A_533] {strides = array<i32>} : memref<50x128xf32, #tpu.memory_space<vmem>>, vector<1x16xf32>,
        %get3A_535 = vector.shape_cast %get3A_534 : vector<1x16xf32> to vector<16xf32>
        %mul3A_536 = arith.constant 11.3137083 : f32
        %mul3A_537 = vector.broadcast %mul3A_536 : f32 to vector<16xf32>
        %mul3A_538 = arith.mulf %get3A_535, %mul3A_537 : vector<16xf32>
        %swap3A_539 = arith.index_cast %scan3A_471 : i32 to index
        %swap3A_540 = arith.constant 80 : index
        %swap3A_541 = tpu.vector_load %arg9[%swap3A_539, %swap3A_540] {strides = array<i32>} : memref<50x128xf32, #tpu.memory_space<vmem>>, vector<1x16xf32>,
        %swap3A_542 = vector.shape_cast %swap3A_541 : vector<1x16xf32> to vector<16xf32>
        %swap3A_543 = vector.shape_cast %mul3A_538 : vector<16xf32> to vector<1x16xf32>
        tpu.vector_store %arg9[%swap3A_539, %swap3A_540], %swap3A_543 {strides = array<i32>} : memref<50x128xf32, #tpu.memory_space<vmem>>, vector<1x16xf32>,
        %get3A_544 = arith.index_cast %scan3A_471 : i32 to index
        %get3A_545 = arith.constant 96 : index
        %get3A_546 = tpu.vector_load %arg9[%get3A_544, %get3A_545] {strides = array<i32>} : memref<50x128xf32, #tpu.memory_space<vmem>>, vector<1x16xf32>,
        %get3A_547 = vector.shape_cast %get3A_546 : vector<1x16xf32> to vector<16xf32>
        %mul3A_548 = arith.constant 11.3137083 : f32
        %mul3A_549 = vector.broadcast %mul3A_548 : f32 to vector<16xf32>
        %mul3A_550 = arith.mulf %get3A_547, %mul3A_549 : vector<16xf32>
        %swap3A_551 = arith.index_cast %scan3A_471 : i32 to index
        %swap3A_552 = arith.constant 96 : index
        %swap3A_553 = tpu.vector_load %arg9[%swap3A_551, %swap3A_552] {strides = array<i32>} : memref<50x128xf32, #tpu.memory_space<vmem>>, vector<1x16xf32>,
        %swap3A_554 = vector.shape_cast %swap3A_553 : vector<1x16xf32> to vector<16xf32>
        %swap3A_555 = vector.shape_cast %mul3A_550 : vector<16xf32> to vector<1x16xf32>
        tpu.vector_store %arg9[%swap3A_551, %swap3A_552], %swap3A_555 {strides = array<i32>} : memref<50x128xf32, #tpu.memory_space<vmem>>, vector<1x16xf32>,
        %get3A_556 = arith.index_cast %scan3A_471 : i32 to index
        %get3A_557 = arith.constant 112 : index
        %get3A_558 = tpu.vector_load %arg9[%get3A_556, %get3A_557] {strides = array<i32>} : memref<50x128xf32, #tpu.memory_space<vmem>>, vector<1x16xf32>,
        %get3A_559 = vector.shape_cast %get3A_558 : vector<1x16xf32> to vector<16xf32>
        %mul3A_560 = arith.constant 11.3137083 : f32
        %mul3A_561 = vector.broadcast %mul3A_560 : f32 to vector<16xf32>
        %mul3A_562 = arith.mulf %get3A_559, %mul3A_561 : vector<16xf32>
        %swap3A_563 = arith.index_cast %scan3A_471 : i32 to index
        %swap3A_564 = arith.constant 112 : index
        %swap3A_565 = tpu.vector_load %arg9[%swap3A_563, %swap3A_564] {strides = array<i32>} : memref<50x128xf32, #tpu.memory_space<vmem>>, vector<1x16xf32>,
        %swap3A_566 = vector.shape_cast %swap3A_565 : vector<1x16xf32> to vector<16xf32>
        %swap3A_567 = vector.shape_cast %mul3A_562 : vector<16xf32> to vector<1x16xf32>
        tpu.vector_store %arg9[%swap3A_563, %swap3A_564], %swap3A_567 {strides = array<i32>} : memref<50x128xf32, #tpu.memory_space<vmem>>, vector<1x16xf32>,
      }
      %scan3A_237 = arith.constant 50 : i32
      %add3A_238 = arith.addi %mul3A_2, %add3A_218 : i32
      %dma_start3A_239 = arith.constant 0 : i32
      %dma_start3A_240 = arith.constant 0 : i32
      %dma_start3A_241 = tpu.memref_slice %arg4[%add3A_238, %dma_start3A_239, %dma_start3A_240] : memref<4096x50x128xf32, #tpu.memory_space<hbm>> -> memref<1x50x128xf32, #tpu.memory_space<hbm>>
      %dma_start3A_242 = tpu.memref_squeeze %dma_start3A_241 : memref<1x50x128xf32, #tpu.memory_space<hbm>> -> memref<50x128xf32, #tpu.memory_space<hbm>>
      %dma_start3A_243 = arith.constant 0 : i32
      %dma_start3A_244 = arith.constant 0 : i32
      %dma_start3A_245 = tpu.memref_slice %arg4[%add3A_238, %dma_start3A_243, %dma_start3A_244] : memref<4096x50x128xf32, #tpu.memory_space<hbm>> -> memref<1x50x128xf32, #tpu.memory_space<hbm>>
      %dma_start3A_246 = tpu.memref_squeeze %dma_start3A_245 : memref<1x50x128xf32, #tpu.memory_space<hbm>> -> memref<50x128xf32, #tpu.memory_space<hbm>>
      tpu.enqueue_dma source(%arg9 : memref<50x128xf32, #tpu.memory_space<vmem>>) target(%dma_start3A_246 : memref<50x128xf32, #tpu.memory_space<hbm>>) target_semaphore(%arg25 : memref<!tpu.dma_semaphore, #tpu.memory_space<semaphore_mem>>)
      %mul3A_247 = arith.constant 8 : i32
      %mul3A_248 = arith.muli %scan3A_121, %mul3A_247 : i32
      %add3A_249 = arith.constant 4 : i32
      %add3A_250 = arith.addi %mul3A_248, %add3A_249 : i32
      %add3A_251 = arith.constant 5 : i32
      %add3A_252 = arith.addi %add3A_250, %add3A_251 : i32
      %lt3A_253 = arith.constant 128 : i32
      %lt3A_254 = arith.cmpi slt, %add3A_252, %lt3A_253 : i32
      %convert_element_type3A_255 = arith.extui %lt3A_254 : i1 to i32
      %cond3A_256 = arith.constant 0 : i32
      %cond3A_257 = arith.cmpi ne, %convert_element_type3A_255, %cond3A_256 : i32
      scf.if %cond3A_257 {
        %add3A_375 = arith.constant 5 : i32
        %add3A_376 = arith.addi %add3A_250, %add3A_375 : i32
        %sub3A = arith.constant 8 : i32
        %sub3A_377 = arith.subi %add3A_376, %sub3A : i32
        %ge3A = arith.constant 0 : i32
        %ge3A_378 = arith.cmpi sge, %sub3A_377, %ge3A : i32
        %convert_element_type3A_379 = arith.extui %ge3A_378 : i1 to i32
        %cond3A_380 = arith.constant 0 : i32
        %cond3A_381 = arith.cmpi ne, %convert_element_type3A_379, %cond3A_380 : i32
        scf.if %cond3A_381 {
          %add3A_390 = arith.constant 5 : i32
          %add3A_391 = arith.addi %add3A_250, %add3A_390 : i32
          %sub3A_392 = arith.constant 8 : i32
          %sub3A_393 = arith.subi %add3A_391, %sub3A_392 : i32
          %add3A_394 = arith.addi %mul3A_2, %sub3A_393 : i32
          %dma_wait3A_395 = arith.constant 0 : i32
          %dma_wait3A_396 = arith.constant 0 : i32
          %dma_wait3A_397 = tpu.memref_slice %arg4[%add3A_394, %dma_wait3A_395, %dma_wait3A_396] : memref<4096x50x128xf32, #tpu.memory_space<hbm>> -> memref<1x50x128xf32, #tpu.memory_space<hbm>>
          %dma_wait3A_398 = tpu.memref_squeeze %dma_wait3A_397 : memref<1x50x128xf32, #tpu.memory_space<hbm>> -> memref<50x128xf32, #tpu.memory_space<hbm>>
          %dma_wait3A_399 = arith.constant 0 : i32
          %dma_wait3A_400 = arith.constant 0 : i32
          %dma_wait3A_401 = tpu.memref_slice %arg4[%add3A_394, %dma_wait3A_399, %dma_wait3A_400] : memref<4096x50x128xf32, #tpu.memory_space<hbm>> -> memref<1x50x128xf32, #tpu.memory_space<hbm>>
          %dma_wait3A_402 = tpu.memref_squeeze %dma_wait3A_401 : memref<1x50x128xf32, #tpu.memory_space<hbm>> -> memref<50x128xf32, #tpu.memory_space<hbm>>
          tpu.wait_dma2 semaphore(%arg23 : memref<!tpu.dma_semaphore, #tpu.memory_space<semaphore_mem>>) src(%arg7 : memref<50x128xf32, #tpu.memory_space<vmem>>) dst(%dma_wait3A_402 : memref<50x128xf32, #tpu.memory_space<hbm>>)
        } else {
        }
        %add3A_382 = arith.constant 5 : i32
        %add3A_383 = arith.addi %add3A_250, %add3A_382 : i32
        %dma_start3A_384 = arith.constant 0 : i32
        %dma_start3A_385 = tpu.memref_slice %arg5[%add3A_383, %dma_start3A_384] : memref<128x50xi32, #tpu.memory_space<vmem>> -> memref<1x50xi32, #tpu.memory_space<vmem>>
        %dma_start3A_386 = tpu.memref_squeeze %dma_start3A_385 : memref<1x50xi32, #tpu.memory_space<vmem>> -> memref<50xi32, #tpu.memory_space<vmem>>
        %dma_start3A_387 = arith.constant 0 : i32
        %dma_start3A_388 = arith.constant 0 : i32
        %dma_start3A_389 = tpu.memref_slice %arg3[%dma_start3A_387, %dma_start3A_388] : memref<1000000x128xf32, #tpu.memory_space<hbm>> -> memref<1000000x128xf32, #tpu.memory_space<hbm>>
        tpu.enqueue_indirect_dma source(%dma_start3A_389 : memref<1000000x128xf32, #tpu.memory_space<hbm>>) target(%arg7 : memref<50x128xf32, #tpu.memory_space<vmem>>) offsets(%dma_start3A_386 : memref<50xi32, #tpu.memory_space<vmem>>) semaphore(%arg15 : memref<!tpu.dma_semaphore, #tpu.memory_space<semaphore_mem>>)
      } else {
      }
      %dma_wait3A_258 = arith.constant 0 : i32
      %dma_wait3A_259 = tpu.memref_slice %arg5[%add3A_250, %dma_wait3A_258] : memref<128x50xi32, #tpu.memory_space<vmem>> -> memref<1x50xi32, #tpu.memory_space<vmem>>
      %dma_wait3A_260 = tpu.memref_squeeze %dma_wait3A_259 : memref<1x50xi32, #tpu.memory_space<vmem>> -> memref<50xi32, #tpu.memory_space<vmem>>
      %dma_wait3A_261 = arith.constant 0 : i32
      %dma_wait3A_262 = arith.constant 0 : i32
      %dma_wait3A_263 = tpu.memref_slice %arg3[%dma_wait3A_261, %dma_wait3A_262] : memref<1000000x128xf32, #tpu.memory_space<hbm>> -> memref<1000000x128xf32, #tpu.memory_space<hbm>>
      tpu.wait_indirect_dma semaphore(%arg18 : memref<!tpu.dma_semaphore, #tpu.memory_space<semaphore_mem>>) src(%dma_wait3A_263 : memref<1000000x128xf32, #tpu.memory_space<hbm>>) dst(%arg10 : memref<50x128xf32, #tpu.memory_space<vmem>>)
      %scan3A_264 = arith.constant 0 : i32
      %scan3A_265 = arith.constant 0 : i32
      %scan3A_266 = arith.constant 50 : i32
      %scan3A_267 = arith.addi %scan3A_265, %scan3A_266 : i32
      %scan3A_268 = arith.constant 2 : i32
      scf.for %scan3A_375 = %scan3A_265 to %scan3A_267 step %scan3A_268  : i32 {
        %get3A = arith.index_cast %scan3A_375 : i32 to index
        %get3A_376 = arith.constant 0 : index
        %get3A_377 = tpu.vector_load %arg10[%get3A, %get3A_376] {strides = array<i32>} : memref<50x128xf32, #tpu.memory_space<vmem>>, vector<1x16xf32>,
        %get3A_378 = vector.shape_cast %get3A_377 : vector<1x16xf32> to vector<16xf32>
        %mul3A_379 = arith.constant 11.3137083 : f32
        %mul3A_380 = vector.broadcast %mul3A_379 : f32 to vector<16xf32>
        %mul3A_381 = arith.mulf %get3A_378, %mul3A_380 : vector<16xf32>
        %swap3A = arith.index_cast %scan3A_375 : i32 to index
        %swap3A_382 = arith.constant 0 : index
        %swap3A_383 = tpu.vector_load %arg10[%swap3A, %swap3A_382] {strides = array<i32>} : memref<50x128xf32, #tpu.memory_space<vmem>>, vector<1x16xf32>,
        %swap3A_384 = vector.shape_cast %swap3A_383 : vector<1x16xf32> to vector<16xf32>
        %swap3A_385 = vector.shape_cast %mul3A_381 : vector<16xf32> to vector<1x16xf32>
        tpu.vector_store %arg10[%swap3A, %swap3A_382], %swap3A_385 {strides = array<i32>} : memref<50x128xf32, #tpu.memory_space<vmem>>, vector<1x16xf32>,
        %get3A_386 = arith.index_cast %scan3A_375 : i32 to index
        %get3A_387 = arith.constant 16 : index
        %get3A_388 = tpu.vector_load %arg10[%get3A_386, %get3A_387] {strides = array<i32>} : memref<50x128xf32, #tpu.memory_space<vmem>>, vector<1x16xf32>,
        %get3A_389 = vector.shape_cast %get3A_388 : vector<1x16xf32> to vector<16xf32>
        %mul3A_390 = arith.constant 11.3137083 : f32
        %mul3A_391 = vector.broadcast %mul3A_390 : f32 to vector<16xf32>
        %mul3A_392 = arith.mulf %get3A_389, %mul3A_391 : vector<16xf32>
        %swap3A_393 = arith.index_cast %scan3A_375 : i32 to index
        %swap3A_394 = arith.constant 16 : index
        %swap3A_395 = tpu.vector_load %arg10[%swap3A_393, %swap3A_394] {strides = array<i32>} : memref<50x128xf32, #tpu.memory_space<vmem>>, vector<1x16xf32>,
        %swap3A_396 = vector.shape_cast %swap3A_395 : vector<1x16xf32> to vector<16xf32>
        %swap3A_397 = vector.shape_cast %mul3A_392 : vector<16xf32> to vector<1x16xf32>
        tpu.vector_store %arg10[%swap3A_393, %swap3A_394], %swap3A_397 {strides = array<i32>} : memref<50x128xf32, #tpu.memory_space<vmem>>, vector<1x16xf32>,
        %get3A_398 = arith.index_cast %scan3A_375 : i32 to index
        %get3A_399 = arith.constant 32 : index
        %get3A_400 = tpu.vector_load %arg10[%get3A_398, %get3A_399] {strides = array<i32>} : memref<50x128xf32, #tpu.memory_space<vmem>>, vector<1x16xf32>,
        %get3A_401 = vector.shape_cast %get3A_400 : vector<1x16xf32> to vector<16xf32>
        %mul3A_402 = arith.constant 11.3137083 : f32
        %mul3A_403 = vector.broadcast %mul3A_402 : f32 to vector<16xf32>
        %mul3A_404 = arith.mulf %get3A_401, %mul3A_403 : vector<16xf32>
        %swap3A_405 = arith.index_cast %scan3A_375 : i32 to index
        %swap3A_406 = arith.constant 32 : index
        %swap3A_407 = tpu.vector_load %arg10[%swap3A_405, %swap3A_406] {strides = array<i32>} : memref<50x128xf32, #tpu.memory_space<vmem>>, vector<1x16xf32>,
        %swap3A_408 = vector.shape_cast %swap3A_407 : vector<1x16xf32> to vector<16xf32>
        %swap3A_409 = vector.shape_cast %mul3A_404 : vector<16xf32> to vector<1x16xf32>
        tpu.vector_store %arg10[%swap3A_405, %swap3A_406], %swap3A_409 {strides = array<i32>} : memref<50x128xf32, #tpu.memory_space<vmem>>, vector<1x16xf32>,
        %get3A_410 = arith.index_cast %scan3A_375 : i32 to index
        %get3A_411 = arith.constant 48 : index
        %get3A_412 = tpu.vector_load %arg10[%get3A_410, %get3A_411] {strides = array<i32>} : memref<50x128xf32, #tpu.memory_space<vmem>>, vector<1x16xf32>,
        %get3A_413 = vector.shape_cast %get3A_412 : vector<1x16xf32> to vector<16xf32>
        %mul3A_414 = arith.constant 11.3137083 : f32
        %mul3A_415 = vector.broadcast %mul3A_414 : f32 to vector<16xf32>
        %mul3A_416 = arith.mulf %get3A_413, %mul3A_415 : vector<16xf32>
        %swap3A_417 = arith.index_cast %scan3A_375 : i32 to index
        %swap3A_418 = arith.constant 48 : index
        %swap3A_419 = tpu.vector_load %arg10[%swap3A_417, %swap3A_418] {strides = array<i32>} : memref<50x128xf32, #tpu.memory_space<vmem>>, vector<1x16xf32>,
        %swap3A_420 = vector.shape_cast %swap3A_419 : vector<1x16xf32> to vector<16xf32>
        %swap3A_421 = vector.shape_cast %mul3A_416 : vector<16xf32> to vector<1x16xf32>
        tpu.vector_store %arg10[%swap3A_417, %swap3A_418], %swap3A_421 {strides = array<i32>} : memref<50x128xf32, #tpu.memory_space<vmem>>, vector<1x16xf32>,
        %get3A_422 = arith.index_cast %scan3A_375 : i32 to index
        %get3A_423 = arith.constant 64 : index
        %get3A_424 = tpu.vector_load %arg10[%get3A_422, %get3A_423] {strides = array<i32>} : memref<50x128xf32, #tpu.memory_space<vmem>>, vector<1x16xf32>,
        %get3A_425 = vector.shape_cast %get3A_424 : vector<1x16xf32> to vector<16xf32>
        %mul3A_426 = arith.constant 11.3137083 : f32
        %mul3A_427 = vector.broadcast %mul3A_426 : f32 to vector<16xf32>
        %mul3A_428 = arith.mulf %get3A_425, %mul3A_427 : vector<16xf32>
        %swap3A_429 = arith.index_cast %scan3A_375 : i32 to index
        %swap3A_430 = arith.constant 64 : index
        %swap3A_431 = tpu.vector_load %arg10[%swap3A_429, %swap3A_430] {strides = array<i32>} : memref<50x128xf32, #tpu.memory_space<vmem>>, vector<1x16xf32>,
        %swap3A_432 = vector.shape_cast %swap3A_431 : vector<1x16xf32> to vector<16xf32>
        %swap3A_433 = vector.shape_cast %mul3A_428 : vector<16xf32> to vector<1x16xf32>
        tpu.vector_store %arg10[%swap3A_429, %swap3A_430], %swap3A_433 {strides = array<i32>} : memref<50x128xf32, #tpu.memory_space<vmem>>, vector<1x16xf32>,
        %get3A_434 = arith.index_cast %scan3A_375 : i32 to index
        %get3A_435 = arith.constant 80 : index
        %get3A_436 = tpu.vector_load %arg10[%get3A_434, %get3A_435] {strides = array<i32>} : memref<50x128xf32, #tpu.memory_space<vmem>>, vector<1x16xf32>,
        %get3A_437 = vector.shape_cast %get3A_436 : vector<1x16xf32> to vector<16xf32>
        %mul3A_438 = arith.constant 11.3137083 : f32
        %mul3A_439 = vector.broadcast %mul3A_438 : f32 to vector<16xf32>
        %mul3A_440 = arith.mulf %get3A_437, %mul3A_439 : vector<16xf32>
        %swap3A_441 = arith.index_cast %scan3A_375 : i32 to index
        %swap3A_442 = arith.constant 80 : index
        %swap3A_443 = tpu.vector_load %arg10[%swap3A_441, %swap3A_442] {strides = array<i32>} : memref<50x128xf32, #tpu.memory_space<vmem>>, vector<1x16xf32>,
        %swap3A_444 = vector.shape_cast %swap3A_443 : vector<1x16xf32> to vector<16xf32>
        %swap3A_445 = vector.shape_cast %mul3A_440 : vector<16xf32> to vector<1x16xf32>
        tpu.vector_store %arg10[%swap3A_441, %swap3A_442], %swap3A_445 {strides = array<i32>} : memref<50x128xf32, #tpu.memory_space<vmem>>, vector<1x16xf32>,
        %get3A_446 = arith.index_cast %scan3A_375 : i32 to index
        %get3A_447 = arith.constant 96 : index
        %get3A_448 = tpu.vector_load %arg10[%get3A_446, %get3A_447] {strides = array<i32>} : memref<50x128xf32, #tpu.memory_space<vmem>>, vector<1x16xf32>,
        %get3A_449 = vector.shape_cast %get3A_448 : vector<1x16xf32> to vector<16xf32>
        %mul3A_450 = arith.constant 11.3137083 : f32
        %mul3A_451 = vector.broadcast %mul3A_450 : f32 to vector<16xf32>
        %mul3A_452 = arith.mulf %get3A_449, %mul3A_451 : vector<16xf32>
        %swap3A_453 = arith.index_cast %scan3A_375 : i32 to index
        %swap3A_454 = arith.constant 96 : index
        %swap3A_455 = tpu.vector_load %arg10[%swap3A_453, %swap3A_454] {strides = array<i32>} : memref<50x128xf32, #tpu.memory_space<vmem>>, vector<1x16xf32>,
        %swap3A_456 = vector.shape_cast %swap3A_455 : vector<1x16xf32> to vector<16xf32>
        %swap3A_457 = vector.shape_cast %mul3A_452 : vector<16xf32> to vector<1x16xf32>
        tpu.vector_store %arg10[%swap3A_453, %swap3A_454], %swap3A_457 {strides = array<i32>} : memref<50x128xf32, #tpu.memory_space<vmem>>, vector<1x16xf32>,
        %get3A_458 = arith.index_cast %scan3A_375 : i32 to index
        %get3A_459 = arith.constant 112 : index
        %get3A_460 = tpu.vector_load %arg10[%get3A_458, %get3A_459] {strides = array<i32>} : memref<50x128xf32, #tpu.memory_space<vmem>>, vector<1x16xf32>,
        %get3A_461 = vector.shape_cast %get3A_460 : vector<1x16xf32> to vector<16xf32>
        %mul3A_462 = arith.constant 11.3137083 : f32
        %mul3A_463 = vector.broadcast %mul3A_462 : f32 to vector<16xf32>
        %mul3A_464 = arith.mulf %get3A_461, %mul3A_463 : vector<16xf32>
        %swap3A_465 = arith.index_cast %scan3A_375 : i32 to index
        %swap3A_466 = arith.constant 112 : index
        %swap3A_467 = tpu.vector_load %arg10[%swap3A_465, %swap3A_466] {strides = array<i32>} : memref<50x128xf32, #tpu.memory_space<vmem>>, vector<1x16xf32>,
        %swap3A_468 = vector.shape_cast %swap3A_467 : vector<1x16xf32> to vector<16xf32>
        %swap3A_469 = vector.shape_cast %mul3A_464 : vector<16xf32> to vector<1x16xf32>
        tpu.vector_store %arg10[%swap3A_465, %swap3A_466], %swap3A_469 {strides = array<i32>} : memref<50x128xf32, #tpu.memory_space<vmem>>, vector<1x16xf32>,
        %scan3A_470 = arith.constant 1 : i32
        %scan3A_471 = arith.addi %scan3A_375, %scan3A_470 : i32
        %get3A_472 = arith.index_cast %scan3A_471 : i32 to index
        %get3A_473 = arith.constant 0 : index
        %get3A_474 = tpu.vector_load %arg10[%get3A_472, %get3A_473] {strides = array<i32>} : memref<50x128xf32, #tpu.memory_space<vmem>>, vector<1x16xf32>,
        %get3A_475 = vector.shape_cast %get3A_474 : vector<1x16xf32> to vector<16xf32>
        %mul3A_476 = arith.constant 11.3137083 : f32
        %mul3A_477 = vector.broadcast %mul3A_476 : f32 to vector<16xf32>
        %mul3A_478 = arith.mulf %get3A_475, %mul3A_477 : vector<16xf32>
        %swap3A_479 = arith.index_cast %scan3A_471 : i32 to index
        %swap3A_480 = arith.constant 0 : index
        %swap3A_481 = tpu.vector_load %arg10[%swap3A_479, %swap3A_480] {strides = array<i32>} : memref<50x128xf32, #tpu.memory_space<vmem>>, vector<1x16xf32>,
        %swap3A_482 = vector.shape_cast %swap3A_481 : vector<1x16xf32> to vector<16xf32>
        %swap3A_483 = vector.shape_cast %mul3A_478 : vector<16xf32> to vector<1x16xf32>
        tpu.vector_store %arg10[%swap3A_479, %swap3A_480], %swap3A_483 {strides = array<i32>} : memref<50x128xf32, #tpu.memory_space<vmem>>, vector<1x16xf32>,
        %get3A_484 = arith.index_cast %scan3A_471 : i32 to index
        %get3A_485 = arith.constant 16 : index
        %get3A_486 = tpu.vector_load %arg10[%get3A_484, %get3A_485] {strides = array<i32>} : memref<50x128xf32, #tpu.memory_space<vmem>>, vector<1x16xf32>,
        %get3A_487 = vector.shape_cast %get3A_486 : vector<1x16xf32> to vector<16xf32>
        %mul3A_488 = arith.constant 11.3137083 : f32
        %mul3A_489 = vector.broadcast %mul3A_488 : f32 to vector<16xf32>
        %mul3A_490 = arith.mulf %get3A_487, %mul3A_489 : vector<16xf32>
        %swap3A_491 = arith.index_cast %scan3A_471 : i32 to index
        %swap3A_492 = arith.constant 16 : index
        %swap3A_493 = tpu.vector_load %arg10[%swap3A_491, %swap3A_492] {strides = array<i32>} : memref<50x128xf32, #tpu.memory_space<vmem>>, vector<1x16xf32>,
        %swap3A_494 = vector.shape_cast %swap3A_493 : vector<1x16xf32> to vector<16xf32>
        %swap3A_495 = vector.shape_cast %mul3A_490 : vector<16xf32> to vector<1x16xf32>
        tpu.vector_store %arg10[%swap3A_491, %swap3A_492], %swap3A_495 {strides = array<i32>} : memref<50x128xf32, #tpu.memory_space<vmem>>, vector<1x16xf32>,
        %get3A_496 = arith.index_cast %scan3A_471 : i32 to index
        %get3A_497 = arith.constant 32 : index
        %get3A_498 = tpu.vector_load %arg10[%get3A_496, %get3A_497] {strides = array<i32>} : memref<50x128xf32, #tpu.memory_space<vmem>>, vector<1x16xf32>,
        %get3A_499 = vector.shape_cast %get3A_498 : vector<1x16xf32> to vector<16xf32>
        %mul3A_500 = arith.constant 11.3137083 : f32
        %mul3A_501 = vector.broadcast %mul3A_500 : f32 to vector<16xf32>
        %mul3A_502 = arith.mulf %get3A_499, %mul3A_501 : vector<16xf32>
        %swap3A_503 = arith.index_cast %scan3A_471 : i32 to index
        %swap3A_504 = arith.constant 32 : index
        %swap3A_505 = tpu.vector_load %arg10[%swap3A_503, %swap3A_504] {strides = array<i32>} : memref<50x128xf32, #tpu.memory_space<vmem>>, vector<1x16xf32>,
        %swap3A_506 = vector.shape_cast %swap3A_505 : vector<1x16xf32> to vector<16xf32>
        %swap3A_507 = vector.shape_cast %mul3A_502 : vector<16xf32> to vector<1x16xf32>
        tpu.vector_store %arg10[%swap3A_503, %swap3A_504], %swap3A_507 {strides = array<i32>} : memref<50x128xf32, #tpu.memory_space<vmem>>, vector<1x16xf32>,
        %get3A_508 = arith.index_cast %scan3A_471 : i32 to index
        %get3A_509 = arith.constant 48 : index
        %get3A_510 = tpu.vector_load %arg10[%get3A_508, %get3A_509] {strides = array<i32>} : memref<50x128xf32, #tpu.memory_space<vmem>>, vector<1x16xf32>,
        %get3A_511 = vector.shape_cast %get3A_510 : vector<1x16xf32> to vector<16xf32>
        %mul3A_512 = arith.constant 11.3137083 : f32
        %mul3A_513 = vector.broadcast %mul3A_512 : f32 to vector<16xf32>
        %mul3A_514 = arith.mulf %get3A_511, %mul3A_513 : vector<16xf32>
        %swap3A_515 = arith.index_cast %scan3A_471 : i32 to index
        %swap3A_516 = arith.constant 48 : index
        %swap3A_517 = tpu.vector_load %arg10[%swap3A_515, %swap3A_516] {strides = array<i32>} : memref<50x128xf32, #tpu.memory_space<vmem>>, vector<1x16xf32>,
        %swap3A_518 = vector.shape_cast %swap3A_517 : vector<1x16xf32> to vector<16xf32>
        %swap3A_519 = vector.shape_cast %mul3A_514 : vector<16xf32> to vector<1x16xf32>
        tpu.vector_store %arg10[%swap3A_515, %swap3A_516], %swap3A_519 {strides = array<i32>} : memref<50x128xf32, #tpu.memory_space<vmem>>, vector<1x16xf32>,
        %get3A_520 = arith.index_cast %scan3A_471 : i32 to index
        %get3A_521 = arith.constant 64 : index
        %get3A_522 = tpu.vector_load %arg10[%get3A_520, %get3A_521] {strides = array<i32>} : memref<50x128xf32, #tpu.memory_space<vmem>>, vector<1x16xf32>,
        %get3A_523 = vector.shape_cast %get3A_522 : vector<1x16xf32> to vector<16xf32>
        %mul3A_524 = arith.constant 11.3137083 : f32
        %mul3A_525 = vector.broadcast %mul3A_524 : f32 to vector<16xf32>
        %mul3A_526 = arith.mulf %get3A_523, %mul3A_525 : vector<16xf32>
        %swap3A_527 = arith.index_cast %scan3A_471 : i32 to index
        %swap3A_528 = arith.constant 64 : index
        %swap3A_529 = tpu.vector_load %arg10[%swap3A_527, %swap3A_528] {strides = array<i32>} : memref<50x128xf32, #tpu.memory_space<vmem>>, vector<1x16xf32>,
        %swap3A_530 = vector.shape_cast %swap3A_529 : vector<1x16xf32> to vector<16xf32>
        %swap3A_531 = vector.shape_cast %mul3A_526 : vector<16xf32> to vector<1x16xf32>
        tpu.vector_store %arg10[%swap3A_527, %swap3A_528], %swap3A_531 {strides = array<i32>} : memref<50x128xf32, #tpu.memory_space<vmem>>, vector<1x16xf32>,
        %get3A_532 = arith.index_cast %scan3A_471 : i32 to index
        %get3A_533 = arith.constant 80 : index
        %get3A_534 = tpu.vector_load %arg10[%get3A_532, %get3A_533] {strides = array<i32>} : memref<50x128xf32, #tpu.memory_space<vmem>>, vector<1x16xf32>,
        %get3A_535 = vector.shape_cast %get3A_534 : vector<1x16xf32> to vector<16xf32>
        %mul3A_536 = arith.constant 11.3137083 : f32
        %mul3A_537 = vector.broadcast %mul3A_536 : f32 to vector<16xf32>
        %mul3A_538 = arith.mulf %get3A_535, %mul3A_537 : vector<16xf32>
        %swap3A_539 = arith.index_cast %scan3A_471 : i32 to index
        %swap3A_540 = arith.constant 80 : index
        %swap3A_541 = tpu.vector_load %arg10[%swap3A_539, %swap3A_540] {strides = array<i32>} : memref<50x128xf32, #tpu.memory_space<vmem>>, vector<1x16xf32>,
        %swap3A_542 = vector.shape_cast %swap3A_541 : vector<1x16xf32> to vector<16xf32>
        %swap3A_543 = vector.shape_cast %mul3A_538 : vector<16xf32> to vector<1x16xf32>
        tpu.vector_store %arg10[%swap3A_539, %swap3A_540], %swap3A_543 {strides = array<i32>} : memref<50x128xf32, #tpu.memory_space<vmem>>, vector<1x16xf32>,
        %get3A_544 = arith.index_cast %scan3A_471 : i32 to index
        %get3A_545 = arith.constant 96 : index
        %get3A_546 = tpu.vector_load %arg10[%get3A_544, %get3A_545] {strides = array<i32>} : memref<50x128xf32, #tpu.memory_space<vmem>>, vector<1x16xf32>,
        %get3A_547 = vector.shape_cast %get3A_546 : vector<1x16xf32> to vector<16xf32>
        %mul3A_548 = arith.constant 11.3137083 : f32
        %mul3A_549 = vector.broadcast %mul3A_548 : f32 to vector<16xf32>
        %mul3A_550 = arith.mulf %get3A_547, %mul3A_549 : vector<16xf32>
        %swap3A_551 = arith.index_cast %scan3A_471 : i32 to index
        %swap3A_552 = arith.constant 96 : index
        %swap3A_553 = tpu.vector_load %arg10[%swap3A_551, %swap3A_552] {strides = array<i32>} : memref<50x128xf32, #tpu.memory_space<vmem>>, vector<1x16xf32>,
        %swap3A_554 = vector.shape_cast %swap3A_553 : vector<1x16xf32> to vector<16xf32>
        %swap3A_555 = vector.shape_cast %mul3A_550 : vector<16xf32> to vector<1x16xf32>
        tpu.vector_store %arg10[%swap3A_551, %swap3A_552], %swap3A_555 {strides = array<i32>} : memref<50x128xf32, #tpu.memory_space<vmem>>, vector<1x16xf32>,
        %get3A_556 = arith.index_cast %scan3A_471 : i32 to index
        %get3A_557 = arith.constant 112 : index
        %get3A_558 = tpu.vector_load %arg10[%get3A_556, %get3A_557] {strides = array<i32>} : memref<50x128xf32, #tpu.memory_space<vmem>>, vector<1x16xf32>,
        %get3A_559 = vector.shape_cast %get3A_558 : vector<1x16xf32> to vector<16xf32>
        %mul3A_560 = arith.constant 11.3137083 : f32
        %mul3A_561 = vector.broadcast %mul3A_560 : f32 to vector<16xf32>
        %mul3A_562 = arith.mulf %get3A_559, %mul3A_561 : vector<16xf32>
        %swap3A_563 = arith.index_cast %scan3A_471 : i32 to index
        %swap3A_564 = arith.constant 112 : index
        %swap3A_565 = tpu.vector_load %arg10[%swap3A_563, %swap3A_564] {strides = array<i32>} : memref<50x128xf32, #tpu.memory_space<vmem>>, vector<1x16xf32>,
        %swap3A_566 = vector.shape_cast %swap3A_565 : vector<1x16xf32> to vector<16xf32>
        %swap3A_567 = vector.shape_cast %mul3A_562 : vector<16xf32> to vector<1x16xf32>
        tpu.vector_store %arg10[%swap3A_563, %swap3A_564], %swap3A_567 {strides = array<i32>} : memref<50x128xf32, #tpu.memory_space<vmem>>, vector<1x16xf32>,
      }
      %scan3A_269 = arith.constant 50 : i32
      %add3A_270 = arith.addi %mul3A_2, %add3A_250 : i32
      %dma_start3A_271 = arith.constant 0 : i32
      %dma_start3A_272 = arith.constant 0 : i32
      %dma_start3A_273 = tpu.memref_slice %arg4[%add3A_270, %dma_start3A_271, %dma_start3A_272] : memref<4096x50x128xf32, #tpu.memory_space<hbm>> -> memref<1x50x128xf32, #tpu.memory_space<hbm>>
      %dma_start3A_274 = tpu.memref_squeeze %dma_start3A_273 : memref<1x50x128xf32, #tpu.memory_space<hbm>> -> memref<50x128xf32, #tpu.memory_space<hbm>>
      %dma_start3A_275 = arith.constant 0 : i32
      %dma_start3A_276 = arith.constant 0 : i32
      %dma_start3A_277 = tpu.memref_slice %arg4[%add3A_270, %dma_start3A_275, %dma_start3A_276] : memref<4096x50x128xf32, #tpu.memory_space<hbm>> -> memref<1x50x128xf32, #tpu.memory_space<hbm>>
      %dma_start3A_278 = tpu.memref_squeeze %dma_start3A_277 : memref<1x50x128xf32, #tpu.memory_space<hbm>> -> memref<50x128xf32, #tpu.memory_space<hbm>>
      tpu.enqueue_dma source(%arg10 : memref<50x128xf32, #tpu.memory_space<vmem>>) target(%dma_start3A_278 : memref<50x128xf32, #tpu.memory_space<hbm>>) target_semaphore(%arg26 : memref<!tpu.dma_semaphore, #tpu.memory_space<semaphore_mem>>)
      %mul3A_279 = arith.constant 8 : i32
      %mul3A_280 = arith.muli %scan3A_121, %mul3A_279 : i32
      %add3A_281 = arith.constant 5 : i32
      %add3A_282 = arith.addi %mul3A_280, %add3A_281 : i32
      %add3A_283 = arith.constant 5 : i32
      %add3A_284 = arith.addi %add3A_282, %add3A_283 : i32
      %lt3A_285 = arith.constant 128 : i32
      %lt3A_286 = arith.cmpi slt, %add3A_284, %lt3A_285 : i32
      %convert_element_type3A_287 = arith.extui %lt3A_286 : i1 to i32
      %cond3A_288 = arith.constant 0 : i32
      %cond3A_289 = arith.cmpi ne, %convert_element_type3A_287, %cond3A_288 : i32
      scf.if %cond3A_289 {
        %add3A_375 = arith.constant 5 : i32
        %add3A_376 = arith.addi %add3A_282, %add3A_375 : i32
        %sub3A = arith.constant 8 : i32
        %sub3A_377 = arith.subi %add3A_376, %sub3A : i32
        %ge3A = arith.constant 0 : i32
        %ge3A_378 = arith.cmpi sge, %sub3A_377, %ge3A : i32
        %convert_element_type3A_379 = arith.extui %ge3A_378 : i1 to i32
        %cond3A_380 = arith.constant 0 : i32
        %cond3A_381 = arith.cmpi ne, %convert_element_type3A_379, %cond3A_380 : i32
        scf.if %cond3A_381 {
          %add3A_390 = arith.constant 5 : i32
          %add3A_391 = arith.addi %add3A_282, %add3A_390 : i32
          %sub3A_392 = arith.constant 8 : i32
          %sub3A_393 = arith.subi %add3A_391, %sub3A_392 : i32
          %add3A_394 = arith.addi %mul3A_2, %sub3A_393 : i32
          %dma_wait3A_395 = arith.constant 0 : i32
          %dma_wait3A_396 = arith.constant 0 : i32
          %dma_wait3A_397 = tpu.memref_slice %arg4[%add3A_394, %dma_wait3A_395, %dma_wait3A_396] : memref<4096x50x128xf32, #tpu.memory_space<hbm>> -> memref<1x50x128xf32, #tpu.memory_space<hbm>>
          %dma_wait3A_398 = tpu.memref_squeeze %dma_wait3A_397 : memref<1x50x128xf32, #tpu.memory_space<hbm>> -> memref<50x128xf32, #tpu.memory_space<hbm>>
          %dma_wait3A_399 = arith.constant 0 : i32
          %dma_wait3A_400 = arith.constant 0 : i32
          %dma_wait3A_401 = tpu.memref_slice %arg4[%add3A_394, %dma_wait3A_399, %dma_wait3A_400] : memref<4096x50x128xf32, #tpu.memory_space<hbm>> -> memref<1x50x128xf32, #tpu.memory_space<hbm>>
          %dma_wait3A_402 = tpu.memref_squeeze %dma_wait3A_401 : memref<1x50x128xf32, #tpu.memory_space<hbm>> -> memref<50x128xf32, #tpu.memory_space<hbm>>
          tpu.wait_dma2 semaphore(%arg24 : memref<!tpu.dma_semaphore, #tpu.memory_space<semaphore_mem>>) src(%arg8 : memref<50x128xf32, #tpu.memory_space<vmem>>) dst(%dma_wait3A_402 : memref<50x128xf32, #tpu.memory_space<hbm>>)
        } else {
        }
        %add3A_382 = arith.constant 5 : i32
        %add3A_383 = arith.addi %add3A_282, %add3A_382 : i32
        %dma_start3A_384 = arith.constant 0 : i32
        %dma_start3A_385 = tpu.memref_slice %arg5[%add3A_383, %dma_start3A_384] : memref<128x50xi32, #tpu.memory_space<vmem>> -> memref<1x50xi32, #tpu.memory_space<vmem>>
        %dma_start3A_386 = tpu.memref_squeeze %dma_start3A_385 : memref<1x50xi32, #tpu.memory_space<vmem>> -> memref<50xi32, #tpu.memory_space<vmem>>
        %dma_start3A_387 = arith.constant 0 : i32
        %dma_start3A_388 = arith.constant 0 : i32
        %dma_start3A_389 = tpu.memref_slice %arg3[%dma_start3A_387, %dma_start3A_388] : memref<1000000x128xf32, #tpu.memory_space<hbm>> -> memref<1000000x128xf32, #tpu.memory_space<hbm>>
        tpu.enqueue_indirect_dma source(%dma_start3A_389 : memref<1000000x128xf32, #tpu.memory_space<hbm>>) target(%arg8 : memref<50x128xf32, #tpu.memory_space<vmem>>) offsets(%dma_start3A_386 : memref<50xi32, #tpu.memory_space<vmem>>) semaphore(%arg16 : memref<!tpu.dma_semaphore, #tpu.memory_space<semaphore_mem>>)
      } else {
      }
      %dma_wait3A_290 = arith.constant 0 : i32
      %dma_wait3A_291 = tpu.memref_slice %arg5[%add3A_282, %dma_wait3A_290] : memref<128x50xi32, #tpu.memory_space<vmem>> -> memref<1x50xi32, #tpu.memory_space<vmem>>
      %dma_wait3A_292 = tpu.memref_squeeze %dma_wait3A_291 : memref<1x50xi32, #tpu.memory_space<vmem>> -> memref<50xi32, #tpu.memory_space<vmem>>
      %dma_wait3A_293 = arith.constant 0 : i32
      %dma_wait3A_294 = arith.constant 0 : i32
      %dma_wait3A_295 = tpu.memref_slice %arg3[%dma_wait3A_293, %dma_wait3A_294] : memref<1000000x128xf32, #tpu.memory_space<hbm>> -> memref<1000000x128xf32, #tpu.memory_space<hbm>>
      tpu.wait_indirect_dma semaphore(%arg19 : memref<!tpu.dma_semaphore, #tpu.memory_space<semaphore_mem>>) src(%dma_wait3A_295 : memref<1000000x128xf32, #tpu.memory_space<hbm>>) dst(%arg11 : memref<50x128xf32, #tpu.memory_space<vmem>>)
      %scan3A_296 = arith.constant 0 : i32
      %scan3A_297 = arith.constant 0 : i32
      %scan3A_298 = arith.constant 50 : i32
      %scan3A_299 = arith.addi %scan3A_297, %scan3A_298 : i32
      %scan3A_300 = arith.constant 2 : i32
      scf.for %scan3A_375 = %scan3A_297 to %scan3A_299 step %scan3A_300  : i32 {
        %get3A = arith.index_cast %scan3A_375 : i32 to index
        %get3A_376 = arith.constant 0 : index
        %get3A_377 = tpu.vector_load %arg11[%get3A, %get3A_376] {strides = array<i32>} : memref<50x128xf32, #tpu.memory_space<vmem>>, vector<1x16xf32>,
        %get3A_378 = vector.shape_cast %get3A_377 : vector<1x16xf32> to vector<16xf32>
        %mul3A_379 = arith.constant 11.3137083 : f32
        %mul3A_380 = vector.broadcast %mul3A_379 : f32 to vector<16xf32>
        %mul3A_381 = arith.mulf %get3A_378, %mul3A_380 : vector<16xf32>
        %swap3A = arith.index_cast %scan3A_375 : i32 to index
        %swap3A_382 = arith.constant 0 : index
        %swap3A_383 = tpu.vector_load %arg11[%swap3A, %swap3A_382] {strides = array<i32>} : memref<50x128xf32, #tpu.memory_space<vmem>>, vector<1x16xf32>,
        %swap3A_384 = vector.shape_cast %swap3A_383 : vector<1x16xf32> to vector<16xf32>
        %swap3A_385 = vector.shape_cast %mul3A_381 : vector<16xf32> to vector<1x16xf32>
        tpu.vector_store %arg11[%swap3A, %swap3A_382], %swap3A_385 {strides = array<i32>} : memref<50x128xf32, #tpu.memory_space<vmem>>, vector<1x16xf32>,
        %get3A_386 = arith.index_cast %scan3A_375 : i32 to index
        %get3A_387 = arith.constant 16 : index
        %get3A_388 = tpu.vector_load %arg11[%get3A_386, %get3A_387] {strides = array<i32>} : memref<50x128xf32, #tpu.memory_space<vmem>>, vector<1x16xf32>,
        %get3A_389 = vector.shape_cast %get3A_388 : vector<1x16xf32> to vector<16xf32>
        %mul3A_390 = arith.constant 11.3137083 : f32
        %mul3A_391 = vector.broadcast %mul3A_390 : f32 to vector<16xf32>
        %mul3A_392 = arith.mulf %get3A_389, %mul3A_391 : vector<16xf32>
        %swap3A_393 = arith.index_cast %scan3A_375 : i32 to index
        %swap3A_394 = arith.constant 16 : index
        %swap3A_395 = tpu.vector_load %arg11[%swap3A_393, %swap3A_394] {strides = array<i32>} : memref<50x128xf32, #tpu.memory_space<vmem>>, vector<1x16xf32>,
        %swap3A_396 = vector.shape_cast %swap3A_395 : vector<1x16xf32> to vector<16xf32>
        %swap3A_397 = vector.shape_cast %mul3A_392 : vector<16xf32> to vector<1x16xf32>
        tpu.vector_store %arg11[%swap3A_393, %swap3A_394], %swap3A_397 {strides = array<i32>} : memref<50x128xf32, #tpu.memory_space<vmem>>, vector<1x16xf32>,
        %get3A_398 = arith.index_cast %scan3A_375 : i32 to index
        %get3A_399 = arith.constant 32 : index
        %get3A_400 = tpu.vector_load %arg11[%get3A_398, %get3A_399] {strides = array<i32>} : memref<50x128xf32, #tpu.memory_space<vmem>>, vector<1x16xf32>,
        %get3A_401 = vector.shape_cast %get3A_400 : vector<1x16xf32> to vector<16xf32>
        %mul3A_402 = arith.constant 11.3137083 : f32
        %mul3A_403 = vector.broadcast %mul3A_402 : f32 to vector<16xf32>
        %mul3A_404 = arith.mulf %get3A_401, %mul3A_403 : vector<16xf32>
        %swap3A_405 = arith.index_cast %scan3A_375 : i32 to index
        %swap3A_406 = arith.constant 32 : index
        %swap3A_407 = tpu.vector_load %arg11[%swap3A_405, %swap3A_406] {strides = array<i32>} : memref<50x128xf32, #tpu.memory_space<vmem>>, vector<1x16xf32>,
        %swap3A_408 = vector.shape_cast %swap3A_407 : vector<1x16xf32> to vector<16xf32>
        %swap3A_409 = vector.shape_cast %mul3A_404 : vector<16xf32> to vector<1x16xf32>
        tpu.vector_store %arg11[%swap3A_405, %swap3A_406], %swap3A_409 {strides = array<i32>} : memref<50x128xf32, #tpu.memory_space<vmem>>, vector<1x16xf32>,
        %get3A_410 = arith.index_cast %scan3A_375 : i32 to index
        %get3A_411 = arith.constant 48 : index
        %get3A_412 = tpu.vector_load %arg11[%get3A_410, %get3A_411] {strides = array<i32>} : memref<50x128xf32, #tpu.memory_space<vmem>>, vector<1x16xf32>,
        %get3A_413 = vector.shape_cast %get3A_412 : vector<1x16xf32> to vector<16xf32>
        %mul3A_414 = arith.constant 11.3137083 : f32
        %mul3A_415 = vector.broadcast %mul3A_414 : f32 to vector<16xf32>
        %mul3A_416 = arith.mulf %get3A_413, %mul3A_415 : vector<16xf32>
        %swap3A_417 = arith.index_cast %scan3A_375 : i32 to index
        %swap3A_418 = arith.constant 48 : index
        %swap3A_419 = tpu.vector_load %arg11[%swap3A_417, %swap3A_418] {strides = array<i32>} : memref<50x128xf32, #tpu.memory_space<vmem>>, vector<1x16xf32>,
        %swap3A_420 = vector.shape_cast %swap3A_419 : vector<1x16xf32> to vector<16xf32>
        %swap3A_421 = vector.shape_cast %mul3A_416 : vector<16xf32> to vector<1x16xf32>
        tpu.vector_store %arg11[%swap3A_417, %swap3A_418], %swap3A_421 {strides = array<i32>} : memref<50x128xf32, #tpu.memory_space<vmem>>, vector<1x16xf32>,
        %get3A_422 = arith.index_cast %scan3A_375 : i32 to index
        %get3A_423 = arith.constant 64 : index
        %get3A_424 = tpu.vector_load %arg11[%get3A_422, %get3A_423] {strides = array<i32>} : memref<50x128xf32, #tpu.memory_space<vmem>>, vector<1x16xf32>,
        %get3A_425 = vector.shape_cast %get3A_424 : vector<1x16xf32> to vector<16xf32>
        %mul3A_426 = arith.constant 11.3137083 : f32
        %mul3A_427 = vector.broadcast %mul3A_426 : f32 to vector<16xf32>
        %mul3A_428 = arith.mulf %get3A_425, %mul3A_427 : vector<16xf32>
        %swap3A_429 = arith.index_cast %scan3A_375 : i32 to index
        %swap3A_430 = arith.constant 64 : index
        %swap3A_431 = tpu.vector_load %arg11[%swap3A_429, %swap3A_430] {strides = array<i32>} : memref<50x128xf32, #tpu.memory_space<vmem>>, vector<1x16xf32>,
        %swap3A_432 = vector.shape_cast %swap3A_431 : vector<1x16xf32> to vector<16xf32>
        %swap3A_433 = vector.shape_cast %mul3A_428 : vector<16xf32> to vector<1x16xf32>
        tpu.vector_store %arg11[%swap3A_429, %swap3A_430], %swap3A_433 {strides = array<i32>} : memref<50x128xf32, #tpu.memory_space<vmem>>, vector<1x16xf32>,
        %get3A_434 = arith.index_cast %scan3A_375 : i32 to index
        %get3A_435 = arith.constant 80 : index
        %get3A_436 = tpu.vector_load %arg11[%get3A_434, %get3A_435] {strides = array<i32>} : memref<50x128xf32, #tpu.memory_space<vmem>>, vector<1x16xf32>,
        %get3A_437 = vector.shape_cast %get3A_436 : vector<1x16xf32> to vector<16xf32>
        %mul3A_438 = arith.constant 11.3137083 : f32
        %mul3A_439 = vector.broadcast %mul3A_438 : f32 to vector<16xf32>
        %mul3A_440 = arith.mulf %get3A_437, %mul3A_439 : vector<16xf32>
        %swap3A_441 = arith.index_cast %scan3A_375 : i32 to index
        %swap3A_442 = arith.constant 80 : index
        %swap3A_443 = tpu.vector_load %arg11[%swap3A_441, %swap3A_442] {strides = array<i32>} : memref<50x128xf32, #tpu.memory_space<vmem>>, vector<1x16xf32>,
        %swap3A_444 = vector.shape_cast %swap3A_443 : vector<1x16xf32> to vector<16xf32>
        %swap3A_445 = vector.shape_cast %mul3A_440 : vector<16xf32> to vector<1x16xf32>
        tpu.vector_store %arg11[%swap3A_441, %swap3A_442], %swap3A_445 {strides = array<i32>} : memref<50x128xf32, #tpu.memory_space<vmem>>, vector<1x16xf32>,
        %get3A_446 = arith.index_cast %scan3A_375 : i32 to index
        %get3A_447 = arith.constant 96 : index
        %get3A_448 = tpu.vector_load %arg11[%get3A_446, %get3A_447] {strides = array<i32>} : memref<50x128xf32, #tpu.memory_space<vmem>>, vector<1x16xf32>,
        %get3A_449 = vector.shape_cast %get3A_448 : vector<1x16xf32> to vector<16xf32>
        %mul3A_450 = arith.constant 11.3137083 : f32
        %mul3A_451 = vector.broadcast %mul3A_450 : f32 to vector<16xf32>
        %mul3A_452 = arith.mulf %get3A_449, %mul3A_451 : vector<16xf32>
        %swap3A_453 = arith.index_cast %scan3A_375 : i32 to index
        %swap3A_454 = arith.constant 96 : index
        %swap3A_455 = tpu.vector_load %arg11[%swap3A_453, %swap3A_454] {strides = array<i32>} : memref<50x128xf32, #tpu.memory_space<vmem>>, vector<1x16xf32>,
        %swap3A_456 = vector.shape_cast %swap3A_455 : vector<1x16xf32> to vector<16xf32>
        %swap3A_457 = vector.shape_cast %mul3A_452 : vector<16xf32> to vector<1x16xf32>
        tpu.vector_store %arg11[%swap3A_453, %swap3A_454], %swap3A_457 {strides = array<i32>} : memref<50x128xf32, #tpu.memory_space<vmem>>, vector<1x16xf32>,
        %get3A_458 = arith.index_cast %scan3A_375 : i32 to index
        %get3A_459 = arith.constant 112 : index
        %get3A_460 = tpu.vector_load %arg11[%get3A_458, %get3A_459] {strides = array<i32>} : memref<50x128xf32, #tpu.memory_space<vmem>>, vector<1x16xf32>,
        %get3A_461 = vector.shape_cast %get3A_460 : vector<1x16xf32> to vector<16xf32>
        %mul3A_462 = arith.constant 11.3137083 : f32
        %mul3A_463 = vector.broadcast %mul3A_462 : f32 to vector<16xf32>
        %mul3A_464 = arith.mulf %get3A_461, %mul3A_463 : vector<16xf32>
        %swap3A_465 = arith.index_cast %scan3A_375 : i32 to index
        %swap3A_466 = arith.constant 112 : index
        %swap3A_467 = tpu.vector_load %arg11[%swap3A_465, %swap3A_466] {strides = array<i32>} : memref<50x128xf32, #tpu.memory_space<vmem>>, vector<1x16xf32>,
        %swap3A_468 = vector.shape_cast %swap3A_467 : vector<1x16xf32> to vector<16xf32>
        %swap3A_469 = vector.shape_cast %mul3A_464 : vector<16xf32> to vector<1x16xf32>
        tpu.vector_store %arg11[%swap3A_465, %swap3A_466], %swap3A_469 {strides = array<i32>} : memref<50x128xf32, #tpu.memory_space<vmem>>, vector<1x16xf32>,
        %scan3A_470 = arith.constant 1 : i32
        %scan3A_471 = arith.addi %scan3A_375, %scan3A_470 : i32
        %get3A_472 = arith.index_cast %scan3A_471 : i32 to index
        %get3A_473 = arith.constant 0 : index
        %get3A_474 = tpu.vector_load %arg11[%get3A_472, %get3A_473] {strides = array<i32>} : memref<50x128xf32, #tpu.memory_space<vmem>>, vector<1x16xf32>,
        %get3A_475 = vector.shape_cast %get3A_474 : vector<1x16xf32> to vector<16xf32>
        %mul3A_476 = arith.constant 11.3137083 : f32
        %mul3A_477 = vector.broadcast %mul3A_476 : f32 to vector<16xf32>
        %mul3A_478 = arith.mulf %get3A_475, %mul3A_477 : vector<16xf32>
        %swap3A_479 = arith.index_cast %scan3A_471 : i32 to index
        %swap3A_480 = arith.constant 0 : index
        %swap3A_481 = tpu.vector_load %arg11[%swap3A_479, %swap3A_480] {strides = array<i32>} : memref<50x128xf32, #tpu.memory_space<vmem>>, vector<1x16xf32>,
        %swap3A_482 = vector.shape_cast %swap3A_481 : vector<1x16xf32> to vector<16xf32>
        %swap3A_483 = vector.shape_cast %mul3A_478 : vector<16xf32> to vector<1x16xf32>
        tpu.vector_store %arg11[%swap3A_479, %swap3A_480], %swap3A_483 {strides = array<i32>} : memref<50x128xf32, #tpu.memory_space<vmem>>, vector<1x16xf32>,
        %get3A_484 = arith.index_cast %scan3A_471 : i32 to index
        %get3A_485 = arith.constant 16 : index
        %get3A_486 = tpu.vector_load %arg11[%get3A_484, %get3A_485] {strides = array<i32>} : memref<50x128xf32, #tpu.memory_space<vmem>>, vector<1x16xf32>,
        %get3A_487 = vector.shape_cast %get3A_486 : vector<1x16xf32> to vector<16xf32>
        %mul3A_488 = arith.constant 11.3137083 : f32
        %mul3A_489 = vector.broadcast %mul3A_488 : f32 to vector<16xf32>
        %mul3A_490 = arith.mulf %get3A_487, %mul3A_489 : vector<16xf32>
        %swap3A_491 = arith.index_cast %scan3A_471 : i32 to index
        %swap3A_492 = arith.constant 16 : index
        %swap3A_493 = tpu.vector_load %arg11[%swap3A_491, %swap3A_492] {strides = array<i32>} : memref<50x128xf32, #tpu.memory_space<vmem>>, vector<1x16xf32>,
        %swap3A_494 = vector.shape_cast %swap3A_493 : vector<1x16xf32> to vector<16xf32>
        %swap3A_495 = vector.shape_cast %mul3A_490 : vector<16xf32> to vector<1x16xf32>
        tpu.vector_store %arg11[%swap3A_491, %swap3A_492], %swap3A_495 {strides = array<i32>} : memref<50x128xf32, #tpu.memory_space<vmem>>, vector<1x16xf32>,
        %get3A_496 = arith.index_cast %scan3A_471 : i32 to index
        %get3A_497 = arith.constant 32 : index
        %get3A_498 = tpu.vector_load %arg11[%get3A_496, %get3A_497] {strides = array<i32>} : memref<50x128xf32, #tpu.memory_space<vmem>>, vector<1x16xf32>,
        %get3A_499 = vector.shape_cast %get3A_498 : vector<1x16xf32> to vector<16xf32>
        %mul3A_500 = arith.constant 11.3137083 : f32
        %mul3A_501 = vector.broadcast %mul3A_500 : f32 to vector<16xf32>
        %mul3A_502 = arith.mulf %get3A_499, %mul3A_501 : vector<16xf32>
        %swap3A_503 = arith.index_cast %scan3A_471 : i32 to index
        %swap3A_504 = arith.constant 32 : index
        %swap3A_505 = tpu.vector_load %arg11[%swap3A_503, %swap3A_504] {strides = array<i32>} : memref<50x128xf32, #tpu.memory_space<vmem>>, vector<1x16xf32>,
        %swap3A_506 = vector.shape_cast %swap3A_505 : vector<1x16xf32> to vector<16xf32>
        %swap3A_507 = vector.shape_cast %mul3A_502 : vector<16xf32> to vector<1x16xf32>
        tpu.vector_store %arg11[%swap3A_503, %swap3A_504], %swap3A_507 {strides = array<i32>} : memref<50x128xf32, #tpu.memory_space<vmem>>, vector<1x16xf32>,
        %get3A_508 = arith.index_cast %scan3A_471 : i32 to index
        %get3A_509 = arith.constant 48 : index
        %get3A_510 = tpu.vector_load %arg11[%get3A_508, %get3A_509] {strides = array<i32>} : memref<50x128xf32, #tpu.memory_space<vmem>>, vector<1x16xf32>,
        %get3A_511 = vector.shape_cast %get3A_510 : vector<1x16xf32> to vector<16xf32>
        %mul3A_512 = arith.constant 11.3137083 : f32
        %mul3A_513 = vector.broadcast %mul3A_512 : f32 to vector<16xf32>
        %mul3A_514 = arith.mulf %get3A_511, %mul3A_513 : vector<16xf32>
        %swap3A_515 = arith.index_cast %scan3A_471 : i32 to index
        %swap3A_516 = arith.constant 48 : index
        %swap3A_517 = tpu.vector_load %arg11[%swap3A_515, %swap3A_516] {strides = array<i32>} : memref<50x128xf32, #tpu.memory_space<vmem>>, vector<1x16xf32>,
        %swap3A_518 = vector.shape_cast %swap3A_517 : vector<1x16xf32> to vector<16xf32>
        %swap3A_519 = vector.shape_cast %mul3A_514 : vector<16xf32> to vector<1x16xf32>
        tpu.vector_store %arg11[%swap3A_515, %swap3A_516], %swap3A_519 {strides = array<i32>} : memref<50x128xf32, #tpu.memory_space<vmem>>, vector<1x16xf32>,
        %get3A_520 = arith.index_cast %scan3A_471 : i32 to index
        %get3A_521 = arith.constant 64 : index
        %get3A_522 = tpu.vector_load %arg11[%get3A_520, %get3A_521] {strides = array<i32>} : memref<50x128xf32, #tpu.memory_space<vmem>>, vector<1x16xf32>,
        %get3A_523 = vector.shape_cast %get3A_522 : vector<1x16xf32> to vector<16xf32>
        %mul3A_524 = arith.constant 11.3137083 : f32
        %mul3A_525 = vector.broadcast %mul3A_524 : f32 to vector<16xf32>
        %mul3A_526 = arith.mulf %get3A_523, %mul3A_525 : vector<16xf32>
        %swap3A_527 = arith.index_cast %scan3A_471 : i32 to index
        %swap3A_528 = arith.constant 64 : index
        %swap3A_529 = tpu.vector_load %arg11[%swap3A_527, %swap3A_528] {strides = array<i32>} : memref<50x128xf32, #tpu.memory_space<vmem>>, vector<1x16xf32>,
        %swap3A_530 = vector.shape_cast %swap3A_529 : vector<1x16xf32> to vector<16xf32>
        %swap3A_531 = vector.shape_cast %mul3A_526 : vector<16xf32> to vector<1x16xf32>
        tpu.vector_store %arg11[%swap3A_527, %swap3A_528], %swap3A_531 {strides = array<i32>} : memref<50x128xf32, #tpu.memory_space<vmem>>, vector<1x16xf32>,
        %get3A_532 = arith.index_cast %scan3A_471 : i32 to index
        %get3A_533 = arith.constant 80 : index
        %get3A_534 = tpu.vector_load %arg11[%get3A_532, %get3A_533] {strides = array<i32>} : memref<50x128xf32, #tpu.memory_space<vmem>>, vector<1x16xf32>,
        %get3A_535 = vector.shape_cast %get3A_534 : vector<1x16xf32> to vector<16xf32>
        %mul3A_536 = arith.constant 11.3137083 : f32
        %mul3A_537 = vector.broadcast %mul3A_536 : f32 to vector<16xf32>
        %mul3A_538 = arith.mulf %get3A_535, %mul3A_537 : vector<16xf32>
        %swap3A_539 = arith.index_cast %scan3A_471 : i32 to index
        %swap3A_540 = arith.constant 80 : index
        %swap3A_541 = tpu.vector_load %arg11[%swap3A_539, %swap3A_540] {strides = array<i32>} : memref<50x128xf32, #tpu.memory_space<vmem>>, vector<1x16xf32>,
        %swap3A_542 = vector.shape_cast %swap3A_541 : vector<1x16xf32> to vector<16xf32>
        %swap3A_543 = vector.shape_cast %mul3A_538 : vector<16xf32> to vector<1x16xf32>
        tpu.vector_store %arg11[%swap3A_539, %swap3A_540], %swap3A_543 {strides = array<i32>} : memref<50x128xf32, #tpu.memory_space<vmem>>, vector<1x16xf32>,
        %get3A_544 = arith.index_cast %scan3A_471 : i32 to index
        %get3A_545 = arith.constant 96 : index
        %get3A_546 = tpu.vector_load %arg11[%get3A_544, %get3A_545] {strides = array<i32>} : memref<50x128xf32, #tpu.memory_space<vmem>>, vector<1x16xf32>,
        %get3A_547 = vector.shape_cast %get3A_546 : vector<1x16xf32> to vector<16xf32>
        %mul3A_548 = arith.constant 11.3137083 : f32
        %mul3A_549 = vector.broadcast %mul3A_548 : f32 to vector<16xf32>
        %mul3A_550 = arith.mulf %get3A_547, %mul3A_549 : vector<16xf32>
        %swap3A_551 = arith.index_cast %scan3A_471 : i32 to index
        %swap3A_552 = arith.constant 96 : index
        %swap3A_553 = tpu.vector_load %arg11[%swap3A_551, %swap3A_552] {strides = array<i32>} : memref<50x128xf32, #tpu.memory_space<vmem>>, vector<1x16xf32>,
        %swap3A_554 = vector.shape_cast %swap3A_553 : vector<1x16xf32> to vector<16xf32>
        %swap3A_555 = vector.shape_cast %mul3A_550 : vector<16xf32> to vector<1x16xf32>
        tpu.vector_store %arg11[%swap3A_551, %swap3A_552], %swap3A_555 {strides = array<i32>} : memref<50x128xf32, #tpu.memory_space<vmem>>, vector<1x16xf32>,
        %get3A_556 = arith.index_cast %scan3A_471 : i32 to index
        %get3A_557 = arith.constant 112 : index
        %get3A_558 = tpu.vector_load %arg11[%get3A_556, %get3A_557] {strides = array<i32>} : memref<50x128xf32, #tpu.memory_space<vmem>>, vector<1x16xf32>,
        %get3A_559 = vector.shape_cast %get3A_558 : vector<1x16xf32> to vector<16xf32>
        %mul3A_560 = arith.constant 11.3137083 : f32
        %mul3A_561 = vector.broadcast %mul3A_560 : f32 to vector<16xf32>
        %mul3A_562 = arith.mulf %get3A_559, %mul3A_561 : vector<16xf32>
        %swap3A_563 = arith.index_cast %scan3A_471 : i32 to index
        %swap3A_564 = arith.constant 112 : index
        %swap3A_565 = tpu.vector_load %arg11[%swap3A_563, %swap3A_564] {strides = array<i32>} : memref<50x128xf32, #tpu.memory_space<vmem>>, vector<1x16xf32>,
        %swap3A_566 = vector.shape_cast %swap3A_565 : vector<1x16xf32> to vector<16xf32>
        %swap3A_567 = vector.shape_cast %mul3A_562 : vector<16xf32> to vector<1x16xf32>
        tpu.vector_store %arg11[%swap3A_563, %swap3A_564], %swap3A_567 {strides = array<i32>} : memref<50x128xf32, #tpu.memory_space<vmem>>, vector<1x16xf32>,
      }
      %scan3A_301 = arith.constant 50 : i32
      %add3A_302 = arith.addi %mul3A_2, %add3A_282 : i32
      %dma_start3A_303 = arith.constant 0 : i32
      %dma_start3A_304 = arith.constant 0 : i32
      %dma_start3A_305 = tpu.memref_slice %arg4[%add3A_302, %dma_start3A_303, %dma_start3A_304] : memref<4096x50x128xf32, #tpu.memory_space<hbm>> -> memref<1x50x128xf32, #tpu.memory_space<hbm>>
      %dma_start3A_306 = tpu.memref_squeeze %dma_start3A_305 : memref<1x50x128xf32, #tpu.memory_space<hbm>> -> memref<50x128xf32, #tpu.memory_space<hbm>>
      %dma_start3A_307 = arith.constant 0 : i32
      %dma_start3A_308 = arith.constant 0 : i32
      %dma_start3A_309 = tpu.memref_slice %arg4[%add3A_302, %dma_start3A_307, %dma_start3A_308] : memref<4096x50x128xf32, #tpu.memory_space<hbm>> -> memref<1x50x128xf32, #tpu.memory_space<hbm>>
      %dma_start3A_310 = tpu.memref_squeeze %dma_start3A_309 : memref<1x50x128xf32, #tpu.memory_space<hbm>> -> memref<50x128xf32, #tpu.memory_space<hbm>>
      tpu.enqueue_dma source(%arg11 : memref<50x128xf32, #tpu.memory_space<vmem>>) target(%dma_start3A_310 : memref<50x128xf32, #tpu.memory_space<hbm>>) target_semaphore(%arg27 : memref<!tpu.dma_semaphore, #tpu.memory_space<semaphore_mem>>)
      %mul3A_311 = arith.constant 8 : i32
      %mul3A_312 = arith.muli %scan3A_121, %mul3A_311 : i32
      %add3A_313 = arith.constant 6 : i32
      %add3A_314 = arith.addi %mul3A_312, %add3A_313 : i32
      %add3A_315 = arith.constant 5 : i32
      %add3A_316 = arith.addi %add3A_314, %add3A_315 : i32
      %lt3A_317 = arith.constant 128 : i32
      %lt3A_318 = arith.cmpi slt, %add3A_316, %lt3A_317 : i32
      %convert_element_type3A_319 = arith.extui %lt3A_318 : i1 to i32
      %cond3A_320 = arith.constant 0 : i32
      %cond3A_321 = arith.cmpi ne, %convert_element_type3A_319, %cond3A_320 : i32
      scf.if %cond3A_321 {
        %add3A_375 = arith.constant 5 : i32
        %add3A_376 = arith.addi %add3A_314, %add3A_375 : i32
        %sub3A = arith.constant 8 : i32
        %sub3A_377 = arith.subi %add3A_376, %sub3A : i32
        %ge3A = arith.constant 0 : i32
        %ge3A_378 = arith.cmpi sge, %sub3A_377, %ge3A : i32
        %convert_element_type3A_379 = arith.extui %ge3A_378 : i1 to i32
        %cond3A_380 = arith.constant 0 : i32
        %cond3A_381 = arith.cmpi ne, %convert_element_type3A_379, %cond3A_380 : i32
        scf.if %cond3A_381 {
          %add3A_390 = arith.constant 5 : i32
          %add3A_391 = arith.addi %add3A_314, %add3A_390 : i32
          %sub3A_392 = arith.constant 8 : i32
          %sub3A_393 = arith.subi %add3A_391, %sub3A_392 : i32
          %add3A_394 = arith.addi %mul3A_2, %sub3A_393 : i32
          %dma_wait3A_395 = arith.constant 0 : i32
          %dma_wait3A_396 = arith.constant 0 : i32
          %dma_wait3A_397 = tpu.memref_slice %arg4[%add3A_394, %dma_wait3A_395, %dma_wait3A_396] : memref<4096x50x128xf32, #tpu.memory_space<hbm>> -> memref<1x50x128xf32, #tpu.memory_space<hbm>>
          %dma_wait3A_398 = tpu.memref_squeeze %dma_wait3A_397 : memref<1x50x128xf32, #tpu.memory_space<hbm>> -> memref<50x128xf32, #tpu.memory_space<hbm>>
          %dma_wait3A_399 = arith.constant 0 : i32
          %dma_wait3A_400 = arith.constant 0 : i32
          %dma_wait3A_401 = tpu.memref_slice %arg4[%add3A_394, %dma_wait3A_399, %dma_wait3A_400] : memref<4096x50x128xf32, #tpu.memory_space<hbm>> -> memref<1x50x128xf32, #tpu.memory_space<hbm>>
          %dma_wait3A_402 = tpu.memref_squeeze %dma_wait3A_401 : memref<1x50x128xf32, #tpu.memory_space<hbm>> -> memref<50x128xf32, #tpu.memory_space<hbm>>
          tpu.wait_dma2 semaphore(%arg25 : memref<!tpu.dma_semaphore, #tpu.memory_space<semaphore_mem>>) src(%arg9 : memref<50x128xf32, #tpu.memory_space<vmem>>) dst(%dma_wait3A_402 : memref<50x128xf32, #tpu.memory_space<hbm>>)
        } else {
        }
        %add3A_382 = arith.constant 5 : i32
        %add3A_383 = arith.addi %add3A_314, %add3A_382 : i32
        %dma_start3A_384 = arith.constant 0 : i32
        %dma_start3A_385 = tpu.memref_slice %arg5[%add3A_383, %dma_start3A_384] : memref<128x50xi32, #tpu.memory_space<vmem>> -> memref<1x50xi32, #tpu.memory_space<vmem>>
        %dma_start3A_386 = tpu.memref_squeeze %dma_start3A_385 : memref<1x50xi32, #tpu.memory_space<vmem>> -> memref<50xi32, #tpu.memory_space<vmem>>
        %dma_start3A_387 = arith.constant 0 : i32
        %dma_start3A_388 = arith.constant 0 : i32
        %dma_start3A_389 = tpu.memref_slice %arg3[%dma_start3A_387, %dma_start3A_388] : memref<1000000x128xf32, #tpu.memory_space<hbm>> -> memref<1000000x128xf32, #tpu.memory_space<hbm>>
        tpu.enqueue_indirect_dma source(%dma_start3A_389 : memref<1000000x128xf32, #tpu.memory_space<hbm>>) target(%arg9 : memref<50x128xf32, #tpu.memory_space<vmem>>) offsets(%dma_start3A_386 : memref<50xi32, #tpu.memory_space<vmem>>) semaphore(%arg17 : memref<!tpu.dma_semaphore, #tpu.memory_space<semaphore_mem>>)
      } else {
      }
      %dma_wait3A_322 = arith.constant 0 : i32
      %dma_wait3A_323 = tpu.memref_slice %arg5[%add3A_314, %dma_wait3A_322] : memref<128x50xi32, #tpu.memory_space<vmem>> -> memref<1x50xi32, #tpu.memory_space<vmem>>
      %dma_wait3A_324 = tpu.memref_squeeze %dma_wait3A_323 : memref<1x50xi32, #tpu.memory_space<vmem>> -> memref<50xi32, #tpu.memory_space<vmem>>
      %dma_wait3A_325 = arith.constant 0 : i32
      %dma_wait3A_326 = arith.constant 0 : i32
      %dma_wait3A_327 = tpu.memref_slice %arg3[%dma_wait3A_325, %dma_wait3A_326] : memref<1000000x128xf32, #tpu.memory_space<hbm>> -> memref<1000000x128xf32, #tpu.memory_space<hbm>>
      tpu.wait_indirect_dma semaphore(%arg20 : memref<!tpu.dma_semaphore, #tpu.memory_space<semaphore_mem>>) src(%dma_wait3A_327 : memref<1000000x128xf32, #tpu.memory_space<hbm>>) dst(%arg12 : memref<50x128xf32, #tpu.memory_space<vmem>>)
      %scan3A_328 = arith.constant 0 : i32
      %scan3A_329 = arith.constant 0 : i32
      %scan3A_330 = arith.constant 50 : i32
      %scan3A_331 = arith.addi %scan3A_329, %scan3A_330 : i32
      %scan3A_332 = arith.constant 2 : i32
      scf.for %scan3A_375 = %scan3A_329 to %scan3A_331 step %scan3A_332  : i32 {
        %get3A = arith.index_cast %scan3A_375 : i32 to index
        %get3A_376 = arith.constant 0 : index
        %get3A_377 = tpu.vector_load %arg12[%get3A, %get3A_376] {strides = array<i32>} : memref<50x128xf32, #tpu.memory_space<vmem>>, vector<1x16xf32>,
        %get3A_378 = vector.shape_cast %get3A_377 : vector<1x16xf32> to vector<16xf32>
        %mul3A_379 = arith.constant 11.3137083 : f32
        %mul3A_380 = vector.broadcast %mul3A_379 : f32 to vector<16xf32>
        %mul3A_381 = arith.mulf %get3A_378, %mul3A_380 : vector<16xf32>
        %swap3A = arith.index_cast %scan3A_375 : i32 to index
        %swap3A_382 = arith.constant 0 : index
        %swap3A_383 = tpu.vector_load %arg12[%swap3A, %swap3A_382] {strides = array<i32>} : memref<50x128xf32, #tpu.memory_space<vmem>>, vector<1x16xf32>,
        %swap3A_384 = vector.shape_cast %swap3A_383 : vector<1x16xf32> to vector<16xf32>
        %swap3A_385 = vector.shape_cast %mul3A_381 : vector<16xf32> to vector<1x16xf32>
        tpu.vector_store %arg12[%swap3A, %swap3A_382], %swap3A_385 {strides = array<i32>} : memref<50x128xf32, #tpu.memory_space<vmem>>, vector<1x16xf32>,
        %get3A_386 = arith.index_cast %scan3A_375 : i32 to index
        %get3A_387 = arith.constant 16 : index
        %get3A_388 = tpu.vector_load %arg12[%get3A_386, %get3A_387] {strides = array<i32>} : memref<50x128xf32, #tpu.memory_space<vmem>>, vector<1x16xf32>,
        %get3A_389 = vector.shape_cast %get3A_388 : vector<1x16xf32> to vector<16xf32>
        %mul3A_390 = arith.constant 11.3137083 : f32
        %mul3A_391 = vector.broadcast %mul3A_390 : f32 to vector<16xf32>
        %mul3A_392 = arith.mulf %get3A_389, %mul3A_391 : vector<16xf32>
        %swap3A_393 = arith.index_cast %scan3A_375 : i32 to index
        %swap3A_394 = arith.constant 16 : index
        %swap3A_395 = tpu.vector_load %arg12[%swap3A_393, %swap3A_394] {strides = array<i32>} : memref<50x128xf32, #tpu.memory_space<vmem>>, vector<1x16xf32>,
        %swap3A_396 = vector.shape_cast %swap3A_395 : vector<1x16xf32> to vector<16xf32>
        %swap3A_397 = vector.shape_cast %mul3A_392 : vector<16xf32> to vector<1x16xf32>
        tpu.vector_store %arg12[%swap3A_393, %swap3A_394], %swap3A_397 {strides = array<i32>} : memref<50x128xf32, #tpu.memory_space<vmem>>, vector<1x16xf32>,
        %get3A_398 = arith.index_cast %scan3A_375 : i32 to index
        %get3A_399 = arith.constant 32 : index
        %get3A_400 = tpu.vector_load %arg12[%get3A_398, %get3A_399] {strides = array<i32>} : memref<50x128xf32, #tpu.memory_space<vmem>>, vector<1x16xf32>,
        %get3A_401 = vector.shape_cast %get3A_400 : vector<1x16xf32> to vector<16xf32>
        %mul3A_402 = arith.constant 11.3137083 : f32
        %mul3A_403 = vector.broadcast %mul3A_402 : f32 to vector<16xf32>
        %mul3A_404 = arith.mulf %get3A_401, %mul3A_403 : vector<16xf32>
        %swap3A_405 = arith.index_cast %scan3A_375 : i32 to index
        %swap3A_406 = arith.constant 32 : index
        %swap3A_407 = tpu.vector_load %arg12[%swap3A_405, %swap3A_406] {strides = array<i32>} : memref<50x128xf32, #tpu.memory_space<vmem>>, vector<1x16xf32>,
        %swap3A_408 = vector.shape_cast %swap3A_407 : vector<1x16xf32> to vector<16xf32>
        %swap3A_409 = vector.shape_cast %mul3A_404 : vector<16xf32> to vector<1x16xf32>
        tpu.vector_store %arg12[%swap3A_405, %swap3A_406], %swap3A_409 {strides = array<i32>} : memref<50x128xf32, #tpu.memory_space<vmem>>, vector<1x16xf32>,
        %get3A_410 = arith.index_cast %scan3A_375 : i32 to index
        %get3A_411 = arith.constant 48 : index
        %get3A_412 = tpu.vector_load %arg12[%get3A_410, %get3A_411] {strides = array<i32>} : memref<50x128xf32, #tpu.memory_space<vmem>>, vector<1x16xf32>,
        %get3A_413 = vector.shape_cast %get3A_412 : vector<1x16xf32> to vector<16xf32>
        %mul3A_414 = arith.constant 11.3137083 : f32
        %mul3A_415 = vector.broadcast %mul3A_414 : f32 to vector<16xf32>
        %mul3A_416 = arith.mulf %get3A_413, %mul3A_415 : vector<16xf32>
        %swap3A_417 = arith.index_cast %scan3A_375 : i32 to index
        %swap3A_418 = arith.constant 48 : index
        %swap3A_419 = tpu.vector_load %arg12[%swap3A_417, %swap3A_418] {strides = array<i32>} : memref<50x128xf32, #tpu.memory_space<vmem>>, vector<1x16xf32>,
        %swap3A_420 = vector.shape_cast %swap3A_419 : vector<1x16xf32> to vector<16xf32>
        %swap3A_421 = vector.shape_cast %mul3A_416 : vector<16xf32> to vector<1x16xf32>
        tpu.vector_store %arg12[%swap3A_417, %swap3A_418], %swap3A_421 {strides = array<i32>} : memref<50x128xf32, #tpu.memory_space<vmem>>, vector<1x16xf32>,
        %get3A_422 = arith.index_cast %scan3A_375 : i32 to index
        %get3A_423 = arith.constant 64 : index
        %get3A_424 = tpu.vector_load %arg12[%get3A_422, %get3A_423] {strides = array<i32>} : memref<50x128xf32, #tpu.memory_space<vmem>>, vector<1x16xf32>,
        %get3A_425 = vector.shape_cast %get3A_424 : vector<1x16xf32> to vector<16xf32>
        %mul3A_426 = arith.constant 11.3137083 : f32
        %mul3A_427 = vector.broadcast %mul3A_426 : f32 to vector<16xf32>
        %mul3A_428 = arith.mulf %get3A_425, %mul3A_427 : vector<16xf32>
        %swap3A_429 = arith.index_cast %scan3A_375 : i32 to index
        %swap3A_430 = arith.constant 64 : index
        %swap3A_431 = tpu.vector_load %arg12[%swap3A_429, %swap3A_430] {strides = array<i32>} : memref<50x128xf32, #tpu.memory_space<vmem>>, vector<1x16xf32>,
        %swap3A_432 = vector.shape_cast %swap3A_431 : vector<1x16xf32> to vector<16xf32>
        %swap3A_433 = vector.shape_cast %mul3A_428 : vector<16xf32> to vector<1x16xf32>
        tpu.vector_store %arg12[%swap3A_429, %swap3A_430], %swap3A_433 {strides = array<i32>} : memref<50x128xf32, #tpu.memory_space<vmem>>, vector<1x16xf32>,
        %get3A_434 = arith.index_cast %scan3A_375 : i32 to index
        %get3A_435 = arith.constant 80 : index
        %get3A_436 = tpu.vector_load %arg12[%get3A_434, %get3A_435] {strides = array<i32>} : memref<50x128xf32, #tpu.memory_space<vmem>>, vector<1x16xf32>,
        %get3A_437 = vector.shape_cast %get3A_436 : vector<1x16xf32> to vector<16xf32>
        %mul3A_438 = arith.constant 11.3137083 : f32
        %mul3A_439 = vector.broadcast %mul3A_438 : f32 to vector<16xf32>
        %mul3A_440 = arith.mulf %get3A_437, %mul3A_439 : vector<16xf32>
        %swap3A_441 = arith.index_cast %scan3A_375 : i32 to index
        %swap3A_442 = arith.constant 80 : index
        %swap3A_443 = tpu.vector_load %arg12[%swap3A_441, %swap3A_442] {strides = array<i32>} : memref<50x128xf32, #tpu.memory_space<vmem>>, vector<1x16xf32>,
        %swap3A_444 = vector.shape_cast %swap3A_443 : vector<1x16xf32> to vector<16xf32>
        %swap3A_445 = vector.shape_cast %mul3A_440 : vector<16xf32> to vector<1x16xf32>
        tpu.vector_store %arg12[%swap3A_441, %swap3A_442], %swap3A_445 {strides = array<i32>} : memref<50x128xf32, #tpu.memory_space<vmem>>, vector<1x16xf32>,
        %get3A_446 = arith.index_cast %scan3A_375 : i32 to index
        %get3A_447 = arith.constant 96 : index
        %get3A_448 = tpu.vector_load %arg12[%get3A_446, %get3A_447] {strides = array<i32>} : memref<50x128xf32, #tpu.memory_space<vmem>>, vector<1x16xf32>,
        %get3A_449 = vector.shape_cast %get3A_448 : vector<1x16xf32> to vector<16xf32>
        %mul3A_450 = arith.constant 11.3137083 : f32
        %mul3A_451 = vector.broadcast %mul3A_450 : f32 to vector<16xf32>
        %mul3A_452 = arith.mulf %get3A_449, %mul3A_451 : vector<16xf32>
        %swap3A_453 = arith.index_cast %scan3A_375 : i32 to index
        %swap3A_454 = arith.constant 96 : index
        %swap3A_455 = tpu.vector_load %arg12[%swap3A_453, %swap3A_454] {strides = array<i32>} : memref<50x128xf32, #tpu.memory_space<vmem>>, vector<1x16xf32>,
        %swap3A_456 = vector.shape_cast %swap3A_455 : vector<1x16xf32> to vector<16xf32>
        %swap3A_457 = vector.shape_cast %mul3A_452 : vector<16xf32> to vector<1x16xf32>
        tpu.vector_store %arg12[%swap3A_453, %swap3A_454], %swap3A_457 {strides = array<i32>} : memref<50x128xf32, #tpu.memory_space<vmem>>, vector<1x16xf32>,
        %get3A_458 = arith.index_cast %scan3A_375 : i32 to index
        %get3A_459 = arith.constant 112 : index
        %get3A_460 = tpu.vector_load %arg12[%get3A_458, %get3A_459] {strides = array<i32>} : memref<50x128xf32, #tpu.memory_space<vmem>>, vector<1x16xf32>,
        %get3A_461 = vector.shape_cast %get3A_460 : vector<1x16xf32> to vector<16xf32>
        %mul3A_462 = arith.constant 11.3137083 : f32
        %mul3A_463 = vector.broadcast %mul3A_462 : f32 to vector<16xf32>
        %mul3A_464 = arith.mulf %get3A_461, %mul3A_463 : vector<16xf32>
        %swap3A_465 = arith.index_cast %scan3A_375 : i32 to index
        %swap3A_466 = arith.constant 112 : index
        %swap3A_467 = tpu.vector_load %arg12[%swap3A_465, %swap3A_466] {strides = array<i32>} : memref<50x128xf32, #tpu.memory_space<vmem>>, vector<1x16xf32>,
        %swap3A_468 = vector.shape_cast %swap3A_467 : vector<1x16xf32> to vector<16xf32>
        %swap3A_469 = vector.shape_cast %mul3A_464 : vector<16xf32> to vector<1x16xf32>
        tpu.vector_store %arg12[%swap3A_465, %swap3A_466], %swap3A_469 {strides = array<i32>} : memref<50x128xf32, #tpu.memory_space<vmem>>, vector<1x16xf32>,
        %scan3A_470 = arith.constant 1 : i32
        %scan3A_471 = arith.addi %scan3A_375, %scan3A_470 : i32
        %get3A_472 = arith.index_cast %scan3A_471 : i32 to index
        %get3A_473 = arith.constant 0 : index
        %get3A_474 = tpu.vector_load %arg12[%get3A_472, %get3A_473] {strides = array<i32>} : memref<50x128xf32, #tpu.memory_space<vmem>>, vector<1x16xf32>,
        %get3A_475 = vector.shape_cast %get3A_474 : vector<1x16xf32> to vector<16xf32>
        %mul3A_476 = arith.constant 11.3137083 : f32
        %mul3A_477 = vector.broadcast %mul3A_476 : f32 to vector<16xf32>
        %mul3A_478 = arith.mulf %get3A_475, %mul3A_477 : vector<16xf32>
        %swap3A_479 = arith.index_cast %scan3A_471 : i32 to index
        %swap3A_480 = arith.constant 0 : index
        %swap3A_481 = tpu.vector_load %arg12[%swap3A_479, %swap3A_480] {strides = array<i32>} : memref<50x128xf32, #tpu.memory_space<vmem>>, vector<1x16xf32>,
        %swap3A_482 = vector.shape_cast %swap3A_481 : vector<1x16xf32> to vector<16xf32>
        %swap3A_483 = vector.shape_cast %mul3A_478 : vector<16xf32> to vector<1x16xf32>
        tpu.vector_store %arg12[%swap3A_479, %swap3A_480], %swap3A_483 {strides = array<i32>} : memref<50x128xf32, #tpu.memory_space<vmem>>, vector<1x16xf32>,
        %get3A_484 = arith.index_cast %scan3A_471 : i32 to index
        %get3A_485 = arith.constant 16 : index
        %get3A_486 = tpu.vector_load %arg12[%get3A_484, %get3A_485] {strides = array<i32>} : memref<50x128xf32, #tpu.memory_space<vmem>>, vector<1x16xf32>,
        %get3A_487 = vector.shape_cast %get3A_486 : vector<1x16xf32> to vector<16xf32>
        %mul3A_488 = arith.constant 11.3137083 : f32
        %mul3A_489 = vector.broadcast %mul3A_488 : f32 to vector<16xf32>
        %mul3A_490 = arith.mulf %get3A_487, %mul3A_489 : vector<16xf32>
        %swap3A_491 = arith.index_cast %scan3A_471 : i32 to index
        %swap3A_492 = arith.constant 16 : index
        %swap3A_493 = tpu.vector_load %arg12[%swap3A_491, %swap3A_492] {strides = array<i32>} : memref<50x128xf32, #tpu.memory_space<vmem>>, vector<1x16xf32>,
        %swap3A_494 = vector.shape_cast %swap3A_493 : vector<1x16xf32> to vector<16xf32>
        %swap3A_495 = vector.shape_cast %mul3A_490 : vector<16xf32> to vector<1x16xf32>
        tpu.vector_store %arg12[%swap3A_491, %swap3A_492], %swap3A_495 {strides = array<i32>} : memref<50x128xf32, #tpu.memory_space<vmem>>, vector<1x16xf32>,
        %get3A_496 = arith.index_cast %scan3A_471 : i32 to index
        %get3A_497 = arith.constant 32 : index
        %get3A_498 = tpu.vector_load %arg12[%get3A_496, %get3A_497] {strides = array<i32>} : memref<50x128xf32, #tpu.memory_space<vmem>>, vector<1x16xf32>,
        %get3A_499 = vector.shape_cast %get3A_498 : vector<1x16xf32> to vector<16xf32>
        %mul3A_500 = arith.constant 11.3137083 : f32
        %mul3A_501 = vector.broadcast %mul3A_500 : f32 to vector<16xf32>
        %mul3A_502 = arith.mulf %get3A_499, %mul3A_501 : vector<16xf32>
        %swap3A_503 = arith.index_cast %scan3A_471 : i32 to index
        %swap3A_504 = arith.constant 32 : index
        %swap3A_505 = tpu.vector_load %arg12[%swap3A_503, %swap3A_504] {strides = array<i32>} : memref<50x128xf32, #tpu.memory_space<vmem>>, vector<1x16xf32>,
        %swap3A_506 = vector.shape_cast %swap3A_505 : vector<1x16xf32> to vector<16xf32>
        %swap3A_507 = vector.shape_cast %mul3A_502 : vector<16xf32> to vector<1x16xf32>
        tpu.vector_store %arg12[%swap3A_503, %swap3A_504], %swap3A_507 {strides = array<i32>} : memref<50x128xf32, #tpu.memory_space<vmem>>, vector<1x16xf32>,
        %get3A_508 = arith.index_cast %scan3A_471 : i32 to index
        %get3A_509 = arith.constant 48 : index
        %get3A_510 = tpu.vector_load %arg12[%get3A_508, %get3A_509] {strides = array<i32>} : memref<50x128xf32, #tpu.memory_space<vmem>>, vector<1x16xf32>,
        %get3A_511 = vector.shape_cast %get3A_510 : vector<1x16xf32> to vector<16xf32>
        %mul3A_512 = arith.constant 11.3137083 : f32
        %mul3A_513 = vector.broadcast %mul3A_512 : f32 to vector<16xf32>
        %mul3A_514 = arith.mulf %get3A_511, %mul3A_513 : vector<16xf32>
        %swap3A_515 = arith.index_cast %scan3A_471 : i32 to index
        %swap3A_516 = arith.constant 48 : index
        %swap3A_517 = tpu.vector_load %arg12[%swap3A_515, %swap3A_516] {strides = array<i32>} : memref<50x128xf32, #tpu.memory_space<vmem>>, vector<1x16xf32>,
        %swap3A_518 = vector.shape_cast %swap3A_517 : vector<1x16xf32> to vector<16xf32>
        %swap3A_519 = vector.shape_cast %mul3A_514 : vector<16xf32> to vector<1x16xf32>
        tpu.vector_store %arg12[%swap3A_515, %swap3A_516], %swap3A_519 {strides = array<i32>} : memref<50x128xf32, #tpu.memory_space<vmem>>, vector<1x16xf32>,
        %get3A_520 = arith.index_cast %scan3A_471 : i32 to index
        %get3A_521 = arith.constant 64 : index
        %get3A_522 = tpu.vector_load %arg12[%get3A_520, %get3A_521] {strides = array<i32>} : memref<50x128xf32, #tpu.memory_space<vmem>>, vector<1x16xf32>,
        %get3A_523 = vector.shape_cast %get3A_522 : vector<1x16xf32> to vector<16xf32>
        %mul3A_524 = arith.constant 11.3137083 : f32
        %mul3A_525 = vector.broadcast %mul3A_524 : f32 to vector<16xf32>
        %mul3A_526 = arith.mulf %get3A_523, %mul3A_525 : vector<16xf32>
        %swap3A_527 = arith.index_cast %scan3A_471 : i32 to index
        %swap3A_528 = arith.constant 64 : index
        %swap3A_529 = tpu.vector_load %arg12[%swap3A_527, %swap3A_528] {strides = array<i32>} : memref<50x128xf32, #tpu.memory_space<vmem>>, vector<1x16xf32>,
        %swap3A_530 = vector.shape_cast %swap3A_529 : vector<1x16xf32> to vector<16xf32>
        %swap3A_531 = vector.shape_cast %mul3A_526 : vector<16xf32> to vector<1x16xf32>
        tpu.vector_store %arg12[%swap3A_527, %swap3A_528], %swap3A_531 {strides = array<i32>} : memref<50x128xf32, #tpu.memory_space<vmem>>, vector<1x16xf32>,
        %get3A_532 = arith.index_cast %scan3A_471 : i32 to index
        %get3A_533 = arith.constant 80 : index
        %get3A_534 = tpu.vector_load %arg12[%get3A_532, %get3A_533] {strides = array<i32>} : memref<50x128xf32, #tpu.memory_space<vmem>>, vector<1x16xf32>,
        %get3A_535 = vector.shape_cast %get3A_534 : vector<1x16xf32> to vector<16xf32>
        %mul3A_536 = arith.constant 11.3137083 : f32
        %mul3A_537 = vector.broadcast %mul3A_536 : f32 to vector<16xf32>
        %mul3A_538 = arith.mulf %get3A_535, %mul3A_537 : vector<16xf32>
        %swap3A_539 = arith.index_cast %scan3A_471 : i32 to index
        %swap3A_540 = arith.constant 80 : index
        %swap3A_541 = tpu.vector_load %arg12[%swap3A_539, %swap3A_540] {strides = array<i32>} : memref<50x128xf32, #tpu.memory_space<vmem>>, vector<1x16xf32>,
        %swap3A_542 = vector.shape_cast %swap3A_541 : vector<1x16xf32> to vector<16xf32>
        %swap3A_543 = vector.shape_cast %mul3A_538 : vector<16xf32> to vector<1x16xf32>
        tpu.vector_store %arg12[%swap3A_539, %swap3A_540], %swap3A_543 {strides = array<i32>} : memref<50x128xf32, #tpu.memory_space<vmem>>, vector<1x16xf32>,
        %get3A_544 = arith.index_cast %scan3A_471 : i32 to index
        %get3A_545 = arith.constant 96 : index
        %get3A_546 = tpu.vector_load %arg12[%get3A_544, %get3A_545] {strides = array<i32>} : memref<50x128xf32, #tpu.memory_space<vmem>>, vector<1x16xf32>,
        %get3A_547 = vector.shape_cast %get3A_546 : vector<1x16xf32> to vector<16xf32>
        %mul3A_548 = arith.constant 11.3137083 : f32
        %mul3A_549 = vector.broadcast %mul3A_548 : f32 to vector<16xf32>
        %mul3A_550 = arith.mulf %get3A_547, %mul3A_549 : vector<16xf32>
        %swap3A_551 = arith.index_cast %scan3A_471 : i32 to index
        %swap3A_552 = arith.constant 96 : index
        %swap3A_553 = tpu.vector_load %arg12[%swap3A_551, %swap3A_552] {strides = array<i32>} : memref<50x128xf32, #tpu.memory_space<vmem>>, vector<1x16xf32>,
        %swap3A_554 = vector.shape_cast %swap3A_553 : vector<1x16xf32> to vector<16xf32>
        %swap3A_555 = vector.shape_cast %mul3A_550 : vector<16xf32> to vector<1x16xf32>
        tpu.vector_store %arg12[%swap3A_551, %swap3A_552], %swap3A_555 {strides = array<i32>} : memref<50x128xf32, #tpu.memory_space<vmem>>, vector<1x16xf32>,
        %get3A_556 = arith.index_cast %scan3A_471 : i32 to index
        %get3A_557 = arith.constant 112 : index
        %get3A_558 = tpu.vector_load %arg12[%get3A_556, %get3A_557] {strides = array<i32>} : memref<50x128xf32, #tpu.memory_space<vmem>>, vector<1x16xf32>,
        %get3A_559 = vector.shape_cast %get3A_558 : vector<1x16xf32> to vector<16xf32>
        %mul3A_560 = arith.constant 11.3137083 : f32
        %mul3A_561 = vector.broadcast %mul3A_560 : f32 to vector<16xf32>
        %mul3A_562 = arith.mulf %get3A_559, %mul3A_561 : vector<16xf32>
        %swap3A_563 = arith.index_cast %scan3A_471 : i32 to index
        %swap3A_564 = arith.constant 112 : index
        %swap3A_565 = tpu.vector_load %arg12[%swap3A_563, %swap3A_564] {strides = array<i32>} : memref<50x128xf32, #tpu.memory_space<vmem>>, vector<1x16xf32>,
        %swap3A_566 = vector.shape_cast %swap3A_565 : vector<1x16xf32> to vector<16xf32>
        %swap3A_567 = vector.shape_cast %mul3A_562 : vector<16xf32> to vector<1x16xf32>
        tpu.vector_store %arg12[%swap3A_563, %swap3A_564], %swap3A_567 {strides = array<i32>} : memref<50x128xf32, #tpu.memory_space<vmem>>, vector<1x16xf32>,
      }
      %scan3A_333 = arith.constant 50 : i32
      %add3A_334 = arith.addi %mul3A_2, %add3A_314 : i32
      %dma_start3A_335 = arith.constant 0 : i32
      %dma_start3A_336 = arith.constant 0 : i32
      %dma_start3A_337 = tpu.memref_slice %arg4[%add3A_334, %dma_start3A_335, %dma_start3A_336] : memref<4096x50x128xf32, #tpu.memory_space<hbm>> -> memref<1x50x128xf32, #tpu.memory_space<hbm>>
      %dma_start3A_338 = tpu.memref_squeeze %dma_start3A_337 : memref<1x50x128xf32, #tpu.memory_space<hbm>> -> memref<50x128xf32, #tpu.memory_space<hbm>>
      %dma_start3A_339 = arith.constant 0 : i32
      %dma_start3A_340 = arith.constant 0 : i32
      %dma_start3A_341 = tpu.memref_slice %arg4[%add3A_334, %dma_start3A_339, %dma_start3A_340] : memref<4096x50x128xf32, #tpu.memory_space<hbm>> -> memref<1x50x128xf32, #tpu.memory_space<hbm>>
      %dma_start3A_342 = tpu.memref_squeeze %dma_start3A_341 : memref<1x50x128xf32, #tpu.memory_space<hbm>> -> memref<50x128xf32, #tpu.memory_space<hbm>>
      tpu.enqueue_dma source(%arg12 : memref<50x128xf32, #tpu.memory_space<vmem>>) target(%dma_start3A_342 : memref<50x128xf32, #tpu.memory_space<hbm>>) target_semaphore(%arg28 : memref<!tpu.dma_semaphore, #tpu.memory_space<semaphore_mem>>)
      %mul3A_343 = arith.constant 8 : i32
      %mul3A_344 = arith.muli %scan3A_121, %mul3A_343 : i32
      %add3A_345 = arith.constant 7 : i32
      %add3A_346 = arith.addi %mul3A_344, %add3A_345 : i32
      %add3A_347 = arith.constant 5 : i32
      %add3A_348 = arith.addi %add3A_346, %add3A_347 : i32
      %lt3A_349 = arith.constant 128 : i32
      %lt3A_350 = arith.cmpi slt, %add3A_348, %lt3A_349 : i32
      %convert_element_type3A_351 = arith.extui %lt3A_350 : i1 to i32
      %cond3A_352 = arith.constant 0 : i32
      %cond3A_353 = arith.cmpi ne, %convert_element_type3A_351, %cond3A_352 : i32
      scf.if %cond3A_353 {
        %add3A_375 = arith.constant 5 : i32
        %add3A_376 = arith.addi %add3A_346, %add3A_375 : i32
        %sub3A = arith.constant 8 : i32
        %sub3A_377 = arith.subi %add3A_376, %sub3A : i32
        %ge3A = arith.constant 0 : i32
        %ge3A_378 = arith.cmpi sge, %sub3A_377, %ge3A : i32
        %convert_element_type3A_379 = arith.extui %ge3A_378 : i1 to i32
        %cond3A_380 = arith.constant 0 : i32
        %cond3A_381 = arith.cmpi ne, %convert_element_type3A_379, %cond3A_380 : i32
        scf.if %cond3A_381 {
          %add3A_390 = arith.constant 5 : i32
          %add3A_391 = arith.addi %add3A_346, %add3A_390 : i32
          %sub3A_392 = arith.constant 8 : i32
          %sub3A_393 = arith.subi %add3A_391, %sub3A_392 : i32
          %add3A_394 = arith.addi %mul3A_2, %sub3A_393 : i32
          %dma_wait3A_395 = arith.constant 0 : i32
          %dma_wait3A_396 = arith.constant 0 : i32
          %dma_wait3A_397 = tpu.memref_slice %arg4[%add3A_394, %dma_wait3A_395, %dma_wait3A_396] : memref<4096x50x128xf32, #tpu.memory_space<hbm>> -> memref<1x50x128xf32, #tpu.memory_space<hbm>>
          %dma_wait3A_398 = tpu.memref_squeeze %dma_wait3A_397 : memref<1x50x128xf32, #tpu.memory_space<hbm>> -> memref<50x128xf32, #tpu.memory_space<hbm>>
          %dma_wait3A_399 = arith.constant 0 : i32
          %dma_wait3A_400 = arith.constant 0 : i32
          %dma_wait3A_401 = tpu.memref_slice %arg4[%add3A_394, %dma_wait3A_399, %dma_wait3A_400] : memref<4096x50x128xf32, #tpu.memory_space<hbm>> -> memref<1x50x128xf32, #tpu.memory_space<hbm>>
          %dma_wait3A_402 = tpu.memref_squeeze %dma_wait3A_401 : memref<1x50x128xf32, #tpu.memory_space<hbm>> -> memref<50x128xf32, #tpu.memory_space<hbm>>
          tpu.wait_dma2 semaphore(%arg26 : memref<!tpu.dma_semaphore, #tpu.memory_space<semaphore_mem>>) src(%arg10 : memref<50x128xf32, #tpu.memory_space<vmem>>) dst(%dma_wait3A_402 : memref<50x128xf32, #tpu.memory_space<hbm>>)
        } else {
        }
        %add3A_382 = arith.constant 5 : i32
        %add3A_383 = arith.addi %add3A_346, %add3A_382 : i32
        %dma_start3A_384 = arith.constant 0 : i32
        %dma_start3A_385 = tpu.memref_slice %arg5[%add3A_383, %dma_start3A_384] : memref<128x50xi32, #tpu.memory_space<vmem>> -> memref<1x50xi32, #tpu.memory_space<vmem>>
        %dma_start3A_386 = tpu.memref_squeeze %dma_start3A_385 : memref<1x50xi32, #tpu.memory_space<vmem>> -> memref<50xi32, #tpu.memory_space<vmem>>
        %dma_start3A_387 = arith.constant 0 : i32
        %dma_start3A_388 = arith.constant 0 : i32
        %dma_start3A_389 = tpu.memref_slice %arg3[%dma_start3A_387, %dma_start3A_388] : memref<1000000x128xf32, #tpu.memory_space<hbm>> -> memref<1000000x128xf32, #tpu.memory_space<hbm>>
        tpu.enqueue_indirect_dma source(%dma_start3A_389 : memref<1000000x128xf32, #tpu.memory_space<hbm>>) target(%arg10 : memref<50x128xf32, #tpu.memory_space<vmem>>) offsets(%dma_start3A_386 : memref<50xi32, #tpu.memory_space<vmem>>) semaphore(%arg18 : memref<!tpu.dma_semaphore, #tpu.memory_space<semaphore_mem>>)
      } else {
      }
      %dma_wait3A_354 = arith.constant 0 : i32
      %dma_wait3A_355 = tpu.memref_slice %arg5[%add3A_346, %dma_wait3A_354] : memref<128x50xi32, #tpu.memory_space<vmem>> -> memref<1x50xi32, #tpu.memory_space<vmem>>
      %dma_wait3A_356 = tpu.memref_squeeze %dma_wait3A_355 : memref<1x50xi32, #tpu.memory_space<vmem>> -> memref<50xi32, #tpu.memory_space<vmem>>
      %dma_wait3A_357 = arith.constant 0 : i32
      %dma_wait3A_358 = arith.constant 0 : i32
      %dma_wait3A_359 = tpu.memref_slice %arg3[%dma_wait3A_357, %dma_wait3A_358] : memref<1000000x128xf32, #tpu.memory_space<hbm>> -> memref<1000000x128xf32, #tpu.memory_space<hbm>>
      tpu.wait_indirect_dma semaphore(%arg21 : memref<!tpu.dma_semaphore, #tpu.memory_space<semaphore_mem>>) src(%dma_wait3A_359 : memref<1000000x128xf32, #tpu.memory_space<hbm>>) dst(%arg13 : memref<50x128xf32, #tpu.memory_space<vmem>>)
      %scan3A_360 = arith.constant 0 : i32
      %scan3A_361 = arith.constant 0 : i32
      %scan3A_362 = arith.constant 50 : i32
      %scan3A_363 = arith.addi %scan3A_361, %scan3A_362 : i32
      %scan3A_364 = arith.constant 2 : i32
      scf.for %scan3A_375 = %scan3A_361 to %scan3A_363 step %scan3A_364  : i32 {
        %get3A = arith.index_cast %scan3A_375 : i32 to index
        %get3A_376 = arith.constant 0 : index
        %get3A_377 = tpu.vector_load %arg13[%get3A, %get3A_376] {strides = array<i32>} : memref<50x128xf32, #tpu.memory_space<vmem>>, vector<1x16xf32>,
        %get3A_378 = vector.shape_cast %get3A_377 : vector<1x16xf32> to vector<16xf32>
        %mul3A_379 = arith.constant 11.3137083 : f32
        %mul3A_380 = vector.broadcast %mul3A_379 : f32 to vector<16xf32>
        %mul3A_381 = arith.mulf %get3A_378, %mul3A_380 : vector<16xf32>
        %swap3A = arith.index_cast %scan3A_375 : i32 to index
        %swap3A_382 = arith.constant 0 : index
        %swap3A_383 = tpu.vector_load %arg13[%swap3A, %swap3A_382] {strides = array<i32>} : memref<50x128xf32, #tpu.memory_space<vmem>>, vector<1x16xf32>,
        %swap3A_384 = vector.shape_cast %swap3A_383 : vector<1x16xf32> to vector<16xf32>
        %swap3A_385 = vector.shape_cast %mul3A_381 : vector<16xf32> to vector<1x16xf32>
        tpu.vector_store %arg13[%swap3A, %swap3A_382], %swap3A_385 {strides = array<i32>} : memref<50x128xf32, #tpu.memory_space<vmem>>, vector<1x16xf32>,
        %get3A_386 = arith.index_cast %scan3A_375 : i32 to index
        %get3A_387 = arith.constant 16 : index
        %get3A_388 = tpu.vector_load %arg13[%get3A_386, %get3A_387] {strides = array<i32>} : memref<50x128xf32, #tpu.memory_space<vmem>>, vector<1x16xf32>,
        %get3A_389 = vector.shape_cast %get3A_388 : vector<1x16xf32> to vector<16xf32>
        %mul3A_390 = arith.constant 11.3137083 : f32
        %mul3A_391 = vector.broadcast %mul3A_390 : f32 to vector<16xf32>
        %mul3A_392 = arith.mulf %get3A_389, %mul3A_391 : vector<16xf32>
        %swap3A_393 = arith.index_cast %scan3A_375 : i32 to index
        %swap3A_394 = arith.constant 16 : index
        %swap3A_395 = tpu.vector_load %arg13[%swap3A_393, %swap3A_394] {strides = array<i32>} : memref<50x128xf32, #tpu.memory_space<vmem>>, vector<1x16xf32>,
        %swap3A_396 = vector.shape_cast %swap3A_395 : vector<1x16xf32> to vector<16xf32>
        %swap3A_397 = vector.shape_cast %mul3A_392 : vector<16xf32> to vector<1x16xf32>
        tpu.vector_store %arg13[%swap3A_393, %swap3A_394], %swap3A_397 {strides = array<i32>} : memref<50x128xf32, #tpu.memory_space<vmem>>, vector<1x16xf32>,
        %get3A_398 = arith.index_cast %scan3A_375 : i32 to index
        %get3A_399 = arith.constant 32 : index
        %get3A_400 = tpu.vector_load %arg13[%get3A_398, %get3A_399] {strides = array<i32>} : memref<50x128xf32, #tpu.memory_space<vmem>>, vector<1x16xf32>,
        %get3A_401 = vector.shape_cast %get3A_400 : vector<1x16xf32> to vector<16xf32>
        %mul3A_402 = arith.constant 11.3137083 : f32
        %mul3A_403 = vector.broadcast %mul3A_402 : f32 to vector<16xf32>
        %mul3A_404 = arith.mulf %get3A_401, %mul3A_403 : vector<16xf32>
        %swap3A_405 = arith.index_cast %scan3A_375 : i32 to index
        %swap3A_406 = arith.constant 32 : index
        %swap3A_407 = tpu.vector_load %arg13[%swap3A_405, %swap3A_406] {strides = array<i32>} : memref<50x128xf32, #tpu.memory_space<vmem>>, vector<1x16xf32>,
        %swap3A_408 = vector.shape_cast %swap3A_407 : vector<1x16xf32> to vector<16xf32>
        %swap3A_409 = vector.shape_cast %mul3A_404 : vector<16xf32> to vector<1x16xf32>
        tpu.vector_store %arg13[%swap3A_405, %swap3A_406], %swap3A_409 {strides = array<i32>} : memref<50x128xf32, #tpu.memory_space<vmem>>, vector<1x16xf32>,
        %get3A_410 = arith.index_cast %scan3A_375 : i32 to index
        %get3A_411 = arith.constant 48 : index
        %get3A_412 = tpu.vector_load %arg13[%get3A_410, %get3A_411] {strides = array<i32>} : memref<50x128xf32, #tpu.memory_space<vmem>>, vector<1x16xf32>,
        %get3A_413 = vector.shape_cast %get3A_412 : vector<1x16xf32> to vector<16xf32>
        %mul3A_414 = arith.constant 11.3137083 : f32
        %mul3A_415 = vector.broadcast %mul3A_414 : f32 to vector<16xf32>
        %mul3A_416 = arith.mulf %get3A_413, %mul3A_415 : vector<16xf32>
        %swap3A_417 = arith.index_cast %scan3A_375 : i32 to index
        %swap3A_418 = arith.constant 48 : index
        %swap3A_419 = tpu.vector_load %arg13[%swap3A_417, %swap3A_418] {strides = array<i32>} : memref<50x128xf32, #tpu.memory_space<vmem>>, vector<1x16xf32>,
        %swap3A_420 = vector.shape_cast %swap3A_419 : vector<1x16xf32> to vector<16xf32>
        %swap3A_421 = vector.shape_cast %mul3A_416 : vector<16xf32> to vector<1x16xf32>
        tpu.vector_store %arg13[%swap3A_417, %swap3A_418], %swap3A_421 {strides = array<i32>} : memref<50x128xf32, #tpu.memory_space<vmem>>, vector<1x16xf32>,
        %get3A_422 = arith.index_cast %scan3A_375 : i32 to index
        %get3A_423 = arith.constant 64 : index
        %get3A_424 = tpu.vector_load %arg13[%get3A_422, %get3A_423] {strides = array<i32>} : memref<50x128xf32, #tpu.memory_space<vmem>>, vector<1x16xf32>,
        %get3A_425 = vector.shape_cast %get3A_424 : vector<1x16xf32> to vector<16xf32>
        %mul3A_426 = arith.constant 11.3137083 : f32
        %mul3A_427 = vector.broadcast %mul3A_426 : f32 to vector<16xf32>
        %mul3A_428 = arith.mulf %get3A_425, %mul3A_427 : vector<16xf32>
        %swap3A_429 = arith.index_cast %scan3A_375 : i32 to index
        %swap3A_430 = arith.constant 64 : index
        %swap3A_431 = tpu.vector_load %arg13[%swap3A_429, %swap3A_430] {strides = array<i32>} : memref<50x128xf32, #tpu.memory_space<vmem>>, vector<1x16xf32>,
        %swap3A_432 = vector.shape_cast %swap3A_431 : vector<1x16xf32> to vector<16xf32>
        %swap3A_433 = vector.shape_cast %mul3A_428 : vector<16xf32> to vector<1x16xf32>
        tpu.vector_store %arg13[%swap3A_429, %swap3A_430], %swap3A_433 {strides = array<i32>} : memref<50x128xf32, #tpu.memory_space<vmem>>, vector<1x16xf32>,
        %get3A_434 = arith.index_cast %scan3A_375 : i32 to index
        %get3A_435 = arith.constant 80 : index
        %get3A_436 = tpu.vector_load %arg13[%get3A_434, %get3A_435] {strides = array<i32>} : memref<50x128xf32, #tpu.memory_space<vmem>>, vector<1x16xf32>,
        %get3A_437 = vector.shape_cast %get3A_436 : vector<1x16xf32> to vector<16xf32>
        %mul3A_438 = arith.constant 11.3137083 : f32
        %mul3A_439 = vector.broadcast %mul3A_438 : f32 to vector<16xf32>
        %mul3A_440 = arith.mulf %get3A_437, %mul3A_439 : vector<16xf32>
        %swap3A_441 = arith.index_cast %scan3A_375 : i32 to index
        %swap3A_442 = arith.constant 80 : index
        %swap3A_443 = tpu.vector_load %arg13[%swap3A_441, %swap3A_442] {strides = array<i32>} : memref<50x128xf32, #tpu.memory_space<vmem>>, vector<1x16xf32>,
        %swap3A_444 = vector.shape_cast %swap3A_443 : vector<1x16xf32> to vector<16xf32>
        %swap3A_445 = vector.shape_cast %mul3A_440 : vector<16xf32> to vector<1x16xf32>
        tpu.vector_store %arg13[%swap3A_441, %swap3A_442], %swap3A_445 {strides = array<i32>} : memref<50x128xf32, #tpu.memory_space<vmem>>, vector<1x16xf32>,
        %get3A_446 = arith.index_cast %scan3A_375 : i32 to index
        %get3A_447 = arith.constant 96 : index
        %get3A_448 = tpu.vector_load %arg13[%get3A_446, %get3A_447] {strides = array<i32>} : memref<50x128xf32, #tpu.memory_space<vmem>>, vector<1x16xf32>,
        %get3A_449 = vector.shape_cast %get3A_448 : vector<1x16xf32> to vector<16xf32>
        %mul3A_450 = arith.constant 11.3137083 : f32
        %mul3A_451 = vector.broadcast %mul3A_450 : f32 to vector<16xf32>
        %mul3A_452 = arith.mulf %get3A_449, %mul3A_451 : vector<16xf32>
        %swap3A_453 = arith.index_cast %scan3A_375 : i32 to index
        %swap3A_454 = arith.constant 96 : index
        %swap3A_455 = tpu.vector_load %arg13[%swap3A_453, %swap3A_454] {strides = array<i32>} : memref<50x128xf32, #tpu.memory_space<vmem>>, vector<1x16xf32>,
        %swap3A_456 = vector.shape_cast %swap3A_455 : vector<1x16xf32> to vector<16xf32>
        %swap3A_457 = vector.shape_cast %mul3A_452 : vector<16xf32> to vector<1x16xf32>
        tpu.vector_store %arg13[%swap3A_453, %swap3A_454], %swap3A_457 {strides = array<i32>} : memref<50x128xf32, #tpu.memory_space<vmem>>, vector<1x16xf32>,
        %get3A_458 = arith.index_cast %scan3A_375 : i32 to index
        %get3A_459 = arith.constant 112 : index
        %get3A_460 = tpu.vector_load %arg13[%get3A_458, %get3A_459] {strides = array<i32>} : memref<50x128xf32, #tpu.memory_space<vmem>>, vector<1x16xf32>,
        %get3A_461 = vector.shape_cast %get3A_460 : vector<1x16xf32> to vector<16xf32>
        %mul3A_462 = arith.constant 11.3137083 : f32
        %mul3A_463 = vector.broadcast %mul3A_462 : f32 to vector<16xf32>
        %mul3A_464 = arith.mulf %get3A_461, %mul3A_463 : vector<16xf32>
        %swap3A_465 = arith.index_cast %scan3A_375 : i32 to index
        %swap3A_466 = arith.constant 112 : index
        %swap3A_467 = tpu.vector_load %arg13[%swap3A_465, %swap3A_466] {strides = array<i32>} : memref<50x128xf32, #tpu.memory_space<vmem>>, vector<1x16xf32>,
        %swap3A_468 = vector.shape_cast %swap3A_467 : vector<1x16xf32> to vector<16xf32>
        %swap3A_469 = vector.shape_cast %mul3A_464 : vector<16xf32> to vector<1x16xf32>
        tpu.vector_store %arg13[%swap3A_465, %swap3A_466], %swap3A_469 {strides = array<i32>} : memref<50x128xf32, #tpu.memory_space<vmem>>, vector<1x16xf32>,
        %scan3A_470 = arith.constant 1 : i32
        %scan3A_471 = arith.addi %scan3A_375, %scan3A_470 : i32
        %get3A_472 = arith.index_cast %scan3A_471 : i32 to index
        %get3A_473 = arith.constant 0 : index
        %get3A_474 = tpu.vector_load %arg13[%get3A_472, %get3A_473] {strides = array<i32>} : memref<50x128xf32, #tpu.memory_space<vmem>>, vector<1x16xf32>,
        %get3A_475 = vector.shape_cast %get3A_474 : vector<1x16xf32> to vector<16xf32>
        %mul3A_476 = arith.constant 11.3137083 : f32
        %mul3A_477 = vector.broadcast %mul3A_476 : f32 to vector<16xf32>
        %mul3A_478 = arith.mulf %get3A_475, %mul3A_477 : vector<16xf32>
        %swap3A_479 = arith.index_cast %scan3A_471 : i32 to index
        %swap3A_480 = arith.constant 0 : index
        %swap3A_481 = tpu.vector_load %arg13[%swap3A_479, %swap3A_480] {strides = array<i32>} : memref<50x128xf32, #tpu.memory_space<vmem>>, vector<1x16xf32>,
        %swap3A_482 = vector.shape_cast %swap3A_481 : vector<1x16xf32> to vector<16xf32>
        %swap3A_483 = vector.shape_cast %mul3A_478 : vector<16xf32> to vector<1x16xf32>
        tpu.vector_store %arg13[%swap3A_479, %swap3A_480], %swap3A_483 {strides = array<i32>} : memref<50x128xf32, #tpu.memory_space<vmem>>, vector<1x16xf32>,
        %get3A_484 = arith.index_cast %scan3A_471 : i32 to index
        %get3A_485 = arith.constant 16 : index
        %get3A_486 = tpu.vector_load %arg13[%get3A_484, %get3A_485] {strides = array<i32>} : memref<50x128xf32, #tpu.memory_space<vmem>>, vector<1x16xf32>,
        %get3A_487 = vector.shape_cast %get3A_486 : vector<1x16xf32> to vector<16xf32>
        %mul3A_488 = arith.constant 11.3137083 : f32
        %mul3A_489 = vector.broadcast %mul3A_488 : f32 to vector<16xf32>
        %mul3A_490 = arith.mulf %get3A_487, %mul3A_489 : vector<16xf32>
        %swap3A_491 = arith.index_cast %scan3A_471 : i32 to index
        %swap3A_492 = arith.constant 16 : index
        %swap3A_493 = tpu.vector_load %arg13[%swap3A_491, %swap3A_492] {strides = array<i32>} : memref<50x128xf32, #tpu.memory_space<vmem>>, vector<1x16xf32>,
        %swap3A_494 = vector.shape_cast %swap3A_493 : vector<1x16xf32> to vector<16xf32>
        %swap3A_495 = vector.shape_cast %mul3A_490 : vector<16xf32> to vector<1x16xf32>
        tpu.vector_store %arg13[%swap3A_491, %swap3A_492], %swap3A_495 {strides = array<i32>} : memref<50x128xf32, #tpu.memory_space<vmem>>, vector<1x16xf32>,
        %get3A_496 = arith.index_cast %scan3A_471 : i32 to index
        %get3A_497 = arith.constant 32 : index
        %get3A_498 = tpu.vector_load %arg13[%get3A_496, %get3A_497] {strides = array<i32>} : memref<50x128xf32, #tpu.memory_space<vmem>>, vector<1x16xf32>,
        %get3A_499 = vector.shape_cast %get3A_498 : vector<1x16xf32> to vector<16xf32>
        %mul3A_500 = arith.constant 11.3137083 : f32
        %mul3A_501 = vector.broadcast %mul3A_500 : f32 to vector<16xf32>
        %mul3A_502 = arith.mulf %get3A_499, %mul3A_501 : vector<16xf32>
        %swap3A_503 = arith.index_cast %scan3A_471 : i32 to index
        %swap3A_504 = arith.constant 32 : index
        %swap3A_505 = tpu.vector_load %arg13[%swap3A_503, %swap3A_504] {strides = array<i32>} : memref<50x128xf32, #tpu.memory_space<vmem>>, vector<1x16xf32>,
        %swap3A_506 = vector.shape_cast %swap3A_505 : vector<1x16xf32> to vector<16xf32>
        %swap3A_507 = vector.shape_cast %mul3A_502 : vector<16xf32> to vector<1x16xf32>
        tpu.vector_store %arg13[%swap3A_503, %swap3A_504], %swap3A_507 {strides = array<i32>} : memref<50x128xf32, #tpu.memory_space<vmem>>, vector<1x16xf32>,
        %get3A_508 = arith.index_cast %scan3A_471 : i32 to index
        %get3A_509 = arith.constant 48 : index
        %get3A_510 = tpu.vector_load %arg13[%get3A_508, %get3A_509] {strides = array<i32>} : memref<50x128xf32, #tpu.memory_space<vmem>>, vector<1x16xf32>,
        %get3A_511 = vector.shape_cast %get3A_510 : vector<1x16xf32> to vector<16xf32>
        %mul3A_512 = arith.constant 11.3137083 : f32
        %mul3A_513 = vector.broadcast %mul3A_512 : f32 to vector<16xf32>
        %mul3A_514 = arith.mulf %get3A_511, %mul3A_513 : vector<16xf32>
        %swap3A_515 = arith.index_cast %scan3A_471 : i32 to index
        %swap3A_516 = arith.constant 48 : index
        %swap3A_517 = tpu.vector_load %arg13[%swap3A_515, %swap3A_516] {strides = array<i32>} : memref<50x128xf32, #tpu.memory_space<vmem>>, vector<1x16xf32>,
        %swap3A_518 = vector.shape_cast %swap3A_517 : vector<1x16xf32> to vector<16xf32>
        %swap3A_519 = vector.shape_cast %mul3A_514 : vector<16xf32> to vector<1x16xf32>
        tpu.vector_store %arg13[%swap3A_515, %swap3A_516], %swap3A_519 {strides = array<i32>} : memref<50x128xf32, #tpu.memory_space<vmem>>, vector<1x16xf32>,
        %get3A_520 = arith.index_cast %scan3A_471 : i32 to index
        %get3A_521 = arith.constant 64 : index
        %get3A_522 = tpu.vector_load %arg13[%get3A_520, %get3A_521] {strides = array<i32>} : memref<50x128xf32, #tpu.memory_space<vmem>>, vector<1x16xf32>,
        %get3A_523 = vector.shape_cast %get3A_522 : vector<1x16xf32> to vector<16xf32>
        %mul3A_524 = arith.constant 11.3137083 : f32
        %mul3A_525 = vector.broadcast %mul3A_524 : f32 to vector<16xf32>
        %mul3A_526 = arith.mulf %get3A_523, %mul3A_525 : vector<16xf32>
        %swap3A_527 = arith.index_cast %scan3A_471 : i32 to index
        %swap3A_528 = arith.constant 64 : index
        %swap3A_529 = tpu.vector_load %arg13[%swap3A_527, %swap3A_528] {strides = array<i32>} : memref<50x128xf32, #tpu.memory_space<vmem>>, vector<1x16xf32>,
        %swap3A_530 = vector.shape_cast %swap3A_529 : vector<1x16xf32> to vector<16xf32>
        %swap3A_531 = vector.shape_cast %mul3A_526 : vector<16xf32> to vector<1x16xf32>
        tpu.vector_store %arg13[%swap3A_527, %swap3A_528], %swap3A_531 {strides = array<i32>} : memref<50x128xf32, #tpu.memory_space<vmem>>, vector<1x16xf32>,
        %get3A_532 = arith.index_cast %scan3A_471 : i32 to index
        %get3A_533 = arith.constant 80 : index
        %get3A_534 = tpu.vector_load %arg13[%get3A_532, %get3A_533] {strides = array<i32>} : memref<50x128xf32, #tpu.memory_space<vmem>>, vector<1x16xf32>,
        %get3A_535 = vector.shape_cast %get3A_534 : vector<1x16xf32> to vector<16xf32>
        %mul3A_536 = arith.constant 11.3137083 : f32
        %mul3A_537 = vector.broadcast %mul3A_536 : f32 to vector<16xf32>
        %mul3A_538 = arith.mulf %get3A_535, %mul3A_537 : vector<16xf32>
        %swap3A_539 = arith.index_cast %scan3A_471 : i32 to index
        %swap3A_540 = arith.constant 80 : index
        %swap3A_541 = tpu.vector_load %arg13[%swap3A_539, %swap3A_540] {strides = array<i32>} : memref<50x128xf32, #tpu.memory_space<vmem>>, vector<1x16xf32>,
        %swap3A_542 = vector.shape_cast %swap3A_541 : vector<1x16xf32> to vector<16xf32>
        %swap3A_543 = vector.shape_cast %mul3A_538 : vector<16xf32> to vector<1x16xf32>
        tpu.vector_store %arg13[%swap3A_539, %swap3A_540], %swap3A_543 {strides = array<i32>} : memref<50x128xf32, #tpu.memory_space<vmem>>, vector<1x16xf32>,
        %get3A_544 = arith.index_cast %scan3A_471 : i32 to index
        %get3A_545 = arith.constant 96 : index
        %get3A_546 = tpu.vector_load %arg13[%get3A_544, %get3A_545] {strides = array<i32>} : memref<50x128xf32, #tpu.memory_space<vmem>>, vector<1x16xf32>,
        %get3A_547 = vector.shape_cast %get3A_546 : vector<1x16xf32> to vector<16xf32>
        %mul3A_548 = arith.constant 11.3137083 : f32
        %mul3A_549 = vector.broadcast %mul3A_548 : f32 to vector<16xf32>
        %mul3A_550 = arith.mulf %get3A_547, %mul3A_549 : vector<16xf32>
        %swap3A_551 = arith.index_cast %scan3A_471 : i32 to index
        %swap3A_552 = arith.constant 96 : index
        %swap3A_553 = tpu.vector_load %arg13[%swap3A_551, %swap3A_552] {strides = array<i32>} : memref<50x128xf32, #tpu.memory_space<vmem>>, vector<1x16xf32>,
        %swap3A_554 = vector.shape_cast %swap3A_553 : vector<1x16xf32> to vector<16xf32>
        %swap3A_555 = vector.shape_cast %mul3A_550 : vector<16xf32> to vector<1x16xf32>
        tpu.vector_store %arg13[%swap3A_551, %swap3A_552], %swap3A_555 {strides = array<i32>} : memref<50x128xf32, #tpu.memory_space<vmem>>, vector<1x16xf32>,
        %get3A_556 = arith.index_cast %scan3A_471 : i32 to index
        %get3A_557 = arith.constant 112 : index
        %get3A_558 = tpu.vector_load %arg13[%get3A_556, %get3A_557] {strides = array<i32>} : memref<50x128xf32, #tpu.memory_space<vmem>>, vector<1x16xf32>,
        %get3A_559 = vector.shape_cast %get3A_558 : vector<1x16xf32> to vector<16xf32>
        %mul3A_560 = arith.constant 11.3137083 : f32
        %mul3A_561 = vector.broadcast %mul3A_560 : f32 to vector<16xf32>
        %mul3A_562 = arith.mulf %get3A_559, %mul3A_561 : vector<16xf32>
        %swap3A_563 = arith.index_cast %scan3A_471 : i32 to index
        %swap3A_564 = arith.constant 112 : index
        %swap3A_565 = tpu.vector_load %arg13[%swap3A_563, %swap3A_564] {strides = array<i32>} : memref<50x128xf32, #tpu.memory_space<vmem>>, vector<1x16xf32>,
        %swap3A_566 = vector.shape_cast %swap3A_565 : vector<1x16xf32> to vector<16xf32>
        %swap3A_567 = vector.shape_cast %mul3A_562 : vector<16xf32> to vector<1x16xf32>
        tpu.vector_store %arg13[%swap3A_563, %swap3A_564], %swap3A_567 {strides = array<i32>} : memref<50x128xf32, #tpu.memory_space<vmem>>, vector<1x16xf32>,
      }
      %scan3A_365 = arith.constant 50 : i32
      %add3A_366 = arith.addi %mul3A_2, %add3A_346 : i32
      %dma_start3A_367 = arith.constant 0 : i32
      %dma_start3A_368 = arith.constant 0 : i32
      %dma_start3A_369 = tpu.memref_slice %arg4[%add3A_366, %dma_start3A_367, %dma_start3A_368] : memref<4096x50x128xf32, #tpu.memory_space<hbm>> -> memref<1x50x128xf32, #tpu.memory_space<hbm>>
      %dma_start3A_370 = tpu.memref_squeeze %dma_start3A_369 : memref<1x50x128xf32, #tpu.memory_space<hbm>> -> memref<50x128xf32, #tpu.memory_space<hbm>>
      %dma_start3A_371 = arith.constant 0 : i32
      %dma_start3A_372 = arith.constant 0 : i32
      %dma_start3A_373 = tpu.memref_slice %arg4[%add3A_366, %dma_start3A_371, %dma_start3A_372] : memref<4096x50x128xf32, #tpu.memory_space<hbm>> -> memref<1x50x128xf32, #tpu.memory_space<hbm>>
      %dma_start3A_374 = tpu.memref_squeeze %dma_start3A_373 : memref<1x50x128xf32, #tpu.memory_space<hbm>> -> memref<50x128xf32, #tpu.memory_space<hbm>>
      tpu.enqueue_dma source(%arg13 : memref<50x128xf32, #tpu.memory_space<vmem>>) target(%dma_start3A_374 : memref<50x128xf32, #tpu.memory_space<hbm>>) target_semaphore(%arg29 : memref<!tpu.dma_semaphore, #tpu.memory_space<semaphore_mem>>)
    }
    %scan3A_41 = arith.constant 16 : i32
    %add3A_42 = arith.constant 120 : i32
    %add3A_43 = arith.addi %mul3A_2, %add3A_42 : i32
    %dma_wait3A = arith.constant 0 : i32
    %dma_wait3A_44 = arith.constant 0 : i32
    %dma_wait3A_45 = tpu.memref_slice %arg4[%add3A_43, %dma_wait3A, %dma_wait3A_44] : memref<4096x50x128xf32, #tpu.memory_space<hbm>> -> memref<1x50x128xf32, #tpu.memory_space<hbm>>
    %dma_wait3A_46 = tpu.memref_squeeze %dma_wait3A_45 : memref<1x50x128xf32, #tpu.memory_space<hbm>> -> memref<50x128xf32, #tpu.memory_space<hbm>>
    %dma_wait3A_47 = arith.constant 0 : i32
    %dma_wait3A_48 = arith.constant 0 : i32
    %dma_wait3A_49 = tpu.memref_slice %arg4[%add3A_43, %dma_wait3A_47, %dma_wait3A_48] : memref<4096x50x128xf32, #tpu.memory_space<hbm>> -> memref<1x50x128xf32, #tpu.memory_space<hbm>>
    %dma_wait3A_50 = tpu.memref_squeeze %dma_wait3A_49 : memref<1x50x128xf32, #tpu.memory_space<hbm>> -> memref<50x128xf32, #tpu.memory_space<hbm>>
    tpu.wait_dma2 semaphore(%arg22 : memref<!tpu.dma_semaphore, #tpu.memory_space<semaphore_mem>>) src(%arg6 : memref<50x128xf32, #tpu.memory_space<vmem>>) dst(%dma_wait3A_50 : memref<50x128xf32, #tpu.memory_space<hbm>>)
    %add3A_51 = arith.constant 121 : i32
    %add3A_52 = arith.addi %mul3A_2, %add3A_51 : i32
    %dma_wait3A_53 = arith.constant 0 : i32
    %dma_wait3A_54 = arith.constant 0 : i32
    %dma_wait3A_55 = tpu.memref_slice %arg4[%add3A_52, %dma_wait3A_53, %dma_wait3A_54] : memref<4096x50x128xf32, #tpu.memory_space<hbm>> -> memref<1x50x128xf32, #tpu.memory_space<hbm>>
    %dma_wait3A_56 = tpu.memref_squeeze %dma_wait3A_55 : memref<1x50x128xf32, #tpu.memory_space<hbm>> -> memref<50x128xf32, #tpu.memory_space<hbm>>
    %dma_wait3A_57 = arith.constant 0 : i32
    %dma_wait3A_58 = arith.constant 0 : i32
    %dma_wait3A_59 = tpu.memref_slice %arg4[%add3A_52, %dma_wait3A_57, %dma_wait3A_58] : memref<4096x50x128xf32, #tpu.memory_space<hbm>> -> memref<1x50x128xf32, #tpu.memory_space<hbm>>
    %dma_wait3A_60 = tpu.memref_squeeze %dma_wait3A_59 : memref<1x50x128xf32, #tpu.memory_space<hbm>> -> memref<50x128xf32, #tpu.memory_space<hbm>>
    tpu.wait_dma2 semaphore(%arg23 : memref<!tpu.dma_semaphore, #tpu.memory_space<semaphore_mem>>) src(%arg7 : memref<50x128xf32, #tpu.memory_space<vmem>>) dst(%dma_wait3A_60 : memref<50x128xf32, #tpu.memory_space<hbm>>)
    %add3A_61 = arith.constant 122 : i32
    %add3A_62 = arith.addi %mul3A_2, %add3A_61 : i32
    %dma_wait3A_63 = arith.constant 0 : i32
    %dma_wait3A_64 = arith.constant 0 : i32
    %dma_wait3A_65 = tpu.memref_slice %arg4[%add3A_62, %dma_wait3A_63, %dma_wait3A_64] : memref<4096x50x128xf32, #tpu.memory_space<hbm>> -> memref<1x50x128xf32, #tpu.memory_space<hbm>>
    %dma_wait3A_66 = tpu.memref_squeeze %dma_wait3A_65 : memref<1x50x128xf32, #tpu.memory_space<hbm>> -> memref<50x128xf32, #tpu.memory_space<hbm>>
    %dma_wait3A_67 = arith.constant 0 : i32
    %dma_wait3A_68 = arith.constant 0 : i32
    %dma_wait3A_69 = tpu.memref_slice %arg4[%add3A_62, %dma_wait3A_67, %dma_wait3A_68] : memref<4096x50x128xf32, #tpu.memory_space<hbm>> -> memref<1x50x128xf32, #tpu.memory_space<hbm>>
    %dma_wait3A_70 = tpu.memref_squeeze %dma_wait3A_69 : memref<1x50x128xf32, #tpu.memory_space<hbm>> -> memref<50x128xf32, #tpu.memory_space<hbm>>
    tpu.wait_dma2 semaphore(%arg24 : memref<!tpu.dma_semaphore, #tpu.memory_space<semaphore_mem>>) src(%arg8 : memref<50x128xf32, #tpu.memory_space<vmem>>) dst(%dma_wait3A_70 : memref<50x128xf32, #tpu.memory_space<hbm>>)
    %add3A_71 = arith.constant 123 : i32
    %add3A_72 = arith.addi %mul3A_2, %add3A_71 : i32
    %dma_wait3A_73 = arith.constant 0 : i32
    %dma_wait3A_74 = arith.constant 0 : i32
    %dma_wait3A_75 = tpu.memref_slice %arg4[%add3A_72, %dma_wait3A_73, %dma_wait3A_74] : memref<4096x50x128xf32, #tpu.memory_space<hbm>> -> memref<1x50x128xf32, #tpu.memory_space<hbm>>
    %dma_wait3A_76 = tpu.memref_squeeze %dma_wait3A_75 : memref<1x50x128xf32, #tpu.memory_space<hbm>> -> memref<50x128xf32, #tpu.memory_space<hbm>>
    %dma_wait3A_77 = arith.constant 0 : i32
    %dma_wait3A_78 = arith.constant 0 : i32
    %dma_wait3A_79 = tpu.memref_slice %arg4[%add3A_72, %dma_wait3A_77, %dma_wait3A_78] : memref<4096x50x128xf32, #tpu.memory_space<hbm>> -> memref<1x50x128xf32, #tpu.memory_space<hbm>>
    %dma_wait3A_80 = tpu.memref_squeeze %dma_wait3A_79 : memref<1x50x128xf32, #tpu.memory_space<hbm>> -> memref<50x128xf32, #tpu.memory_space<hbm>>
    tpu.wait_dma2 semaphore(%arg25 : memref<!tpu.dma_semaphore, #tpu.memory_space<semaphore_mem>>) src(%arg9 : memref<50x128xf32, #tpu.memory_space<vmem>>) dst(%dma_wait3A_80 : memref<50x128xf32, #tpu.memory_space<hbm>>)
    %add3A_81 = arith.constant 124 : i32
    %add3A_82 = arith.addi %mul3A_2, %add3A_81 : i32
    %dma_wait3A_83 = arith.constant 0 : i32
    %dma_wait3A_84 = arith.constant 0 : i32
    %dma_wait3A_85 = tpu.memref_slice %arg4[%add3A_82, %dma_wait3A_83, %dma_wait3A_84] : memref<4096x50x128xf32, #tpu.memory_space<hbm>> -> memref<1x50x128xf32, #tpu.memory_space<hbm>>
    %dma_wait3A_86 = tpu.memref_squeeze %dma_wait3A_85 : memref<1x50x128xf32, #tpu.memory_space<hbm>> -> memref<50x128xf32, #tpu.memory_space<hbm>>
    %dma_wait3A_87 = arith.constant 0 : i32
    %dma_wait3A_88 = arith.constant 0 : i32
    %dma_wait3A_89 = tpu.memref_slice %arg4[%add3A_82, %dma_wait3A_87, %dma_wait3A_88] : memref<4096x50x128xf32, #tpu.memory_space<hbm>> -> memref<1x50x128xf32, #tpu.memory_space<hbm>>
    %dma_wait3A_90 = tpu.memref_squeeze %dma_wait3A_89 : memref<1x50x128xf32, #tpu.memory_space<hbm>> -> memref<50x128xf32, #tpu.memory_space<hbm>>
    tpu.wait_dma2 semaphore(%arg26 : memref<!tpu.dma_semaphore, #tpu.memory_space<semaphore_mem>>) src(%arg10 : memref<50x128xf32, #tpu.memory_space<vmem>>) dst(%dma_wait3A_90 : memref<50x128xf32, #tpu.memory_space<hbm>>)
    %add3A_91 = arith.constant 125 : i32
    %add3A_92 = arith.addi %mul3A_2, %add3A_91 : i32
    %dma_wait3A_93 = arith.constant 0 : i32
    %dma_wait3A_94 = arith.constant 0 : i32
    %dma_wait3A_95 = tpu.memref_slice %arg4[%add3A_92, %dma_wait3A_93, %dma_wait3A_94] : memref<4096x50x128xf32, #tpu.memory_space<hbm>> -> memref<1x50x128xf32, #tpu.memory_space<hbm>>
    %dma_wait3A_96 = tpu.memref_squeeze %dma_wait3A_95 : memref<1x50x128xf32, #tpu.memory_space<hbm>> -> memref<50x128xf32, #tpu.memory_space<hbm>>
    %dma_wait3A_97 = arith.constant 0 : i32
    %dma_wait3A_98 = arith.constant 0 : i32
    %dma_wait3A_99 = tpu.memref_slice %arg4[%add3A_92, %dma_wait3A_97, %dma_wait3A_98] : memref<4096x50x128xf32, #tpu.memory_space<hbm>> -> memref<1x50x128xf32, #tpu.memory_space<hbm>>
    %dma_wait3A_100 = tpu.memref_squeeze %dma_wait3A_99 : memref<1x50x128xf32, #tpu.memory_space<hbm>> -> memref<50x128xf32, #tpu.memory_space<hbm>>
    tpu.wait_dma2 semaphore(%arg27 : memref<!tpu.dma_semaphore, #tpu.memory_space<semaphore_mem>>) src(%arg11 : memref<50x128xf32, #tpu.memory_space<vmem>>) dst(%dma_wait3A_100 : memref<50x128xf32, #tpu.memory_space<hbm>>)
    %add3A_101 = arith.constant 126 : i32
    %add3A_102 = arith.addi %mul3A_2, %add3A_101 : i32
    %dma_wait3A_103 = arith.constant 0 : i32
    %dma_wait3A_104 = arith.constant 0 : i32
    %dma_wait3A_105 = tpu.memref_slice %arg4[%add3A_102, %dma_wait3A_103, %dma_wait3A_104] : memref<4096x50x128xf32, #tpu.memory_space<hbm>> -> memref<1x50x128xf32, #tpu.memory_space<hbm>>
    %dma_wait3A_106 = tpu.memref_squeeze %dma_wait3A_105 : memref<1x50x128xf32, #tpu.memory_space<hbm>> -> memref<50x128xf32, #tpu.memory_space<hbm>>
    %dma_wait3A_107 = arith.constant 0 : i32
    %dma_wait3A_108 = arith.constant 0 : i32
    %dma_wait3A_109 = tpu.memref_slice %arg4[%add3A_102, %dma_wait3A_107, %dma_wait3A_108] : memref<4096x50x128xf32, #tpu.memory_space<hbm>> -> memref<1x50x128xf32, #tpu.memory_space<hbm>>
    %dma_wait3A_110 = tpu.memref_squeeze %dma_wait3A_109 : memref<1x50x128xf32, #tpu.memory_space<hbm>> -> memref<50x128xf32, #tpu.memory_space<hbm>>
    tpu.wait_dma2 semaphore(%arg28 : memref<!tpu.dma_semaphore, #tpu.memory_space<semaphore_mem>>) src(%arg12 : memref<50x128xf32, #tpu.memory_space<vmem>>) dst(%dma_wait3A_110 : memref<50x128xf32, #tpu.memory_space<hbm>>)
    %add3A_111 = arith.constant 127 : i32
    %add3A_112 = arith.addi %mul3A_2, %add3A_111 : i32
    %dma_wait3A_113 = arith.constant 0 : i32
    %dma_wait3A_114 = arith.constant 0 : i32
    %dma_wait3A_115 = tpu.memref_slice %arg4[%add3A_112, %dma_wait3A_113, %dma_wait3A_114] : memref<4096x50x128xf32, #tpu.memory_space<hbm>> -> memref<1x50x128xf32, #tpu.memory_space<hbm>>
    %dma_wait3A_116 = tpu.memref_squeeze %dma_wait3A_115 : memref<1x50x128xf32, #tpu.memory_space<hbm>> -> memref<50x128xf32, #tpu.memory_space<hbm>>
    %dma_wait3A_117 = arith.constant 0 : i32
    %dma_wait3A_118 = arith.constant 0 : i32
    %dma_wait3A_119 = tpu.memref_slice %arg4[%add3A_112, %dma_wait3A_117, %dma_wait3A_118] : memref<4096x50x128xf32, #tpu.memory_space<hbm>> -> memref<1x50x128xf32, #tpu.memory_space<hbm>>
    %dma_wait3A_120 = tpu.memref_squeeze %dma_wait3A_119 : memref<1x50x128xf32, #tpu.memory_space<hbm>> -> memref<50x128xf32, #tpu.memory_space<hbm>>
    tpu.wait_dma2 semaphore(%arg29 : memref<!tpu.dma_semaphore, #tpu.memory_space<semaphore_mem>>) src(%arg13 : memref<50x128xf32, #tpu.memory_space<vmem>>) dst(%dma_wait3A_120 : memref<50x128xf32, #tpu.memory_space<hbm>>)
    return
  }
}

</mosaic_0001>

<sc_bundles>
// kernel: kernel.3.cloned.1.call-start
scs
__scs_entry_jumppad:
0x0: {  	(pc) =	sbr.rel $0x88, $3  }
0x1: {  	(tag) =	ssettag $0x0;
	lr =	simm.s32 $0x1  }
0x2: {  	[smem:$0x3F9F] =	sst lr;
	_ =	strace $0xD0000000  }
0x3: {  	_ = 	snop  }
0x4: {  	_ = 	snop  }
0x5: {  	_ = 	snop  }
0x6: {  	_ = 	snop  }
0x7: {  	_ = 	snop  }
__scs_overlays_trampoline_lowered:
0x8: {  	[smem:$0x3FAE] =	sst s0  }
0x9: {  	[smem:$0x3FAF] =	sst s1  }
0xa: {  	[smem:$0x3FB0] =	sst s2  }
0xb: {  	[smem:$0x3FB1] =	sst s3  }
0xc: {  	[smem:$0x3FB2] =	sst s4  }
0xd: {  	[smem:$0x3FB3] =	sst s5  }
0xe: {  	[smem:$0x3FB4] =	sst s6  }
0xf: {  	[smem:$0x3FB5] =	sst s7  }
0x10: {  	[smem:$0x3FB6] =	sst s8  }
0x11: {  	[smem:$0x3FB7] =	sst s9;
	s0 =	simm.s32 @!p0 $0x0  }
0x12: {  	s1 =	sld [smem:$0x3F9D];
	s0 =	simm.s32 @p0 $0x1  }
0x13: {  	[smem:$0x3FB8] =	sst s0;
	s0 =	simm.s32 @!p1 $0x0  }
0x14: {  	s2 =	sld [smem:$0x3F9C];
	s0 =	simm.s32 @p1 $0x1  }
0x15: {  	[smem:$0x3FB9] =	sst s0;
	s0 =	simm.s32 @!p2 $0x0  }
0x16: {  	s3 =	sld [smem:$0x3FDB];
	s0 =	simm.s32 @p2 $0x1  }
0x17: {  	s4 =	simm.s32 $0x1BF5;
	[smem:$0x3FBB] =	sst s0  }
0x18: {  	s0 =	sld [smem:$0x3F9E];
	_ =	swait.ge [sflag:s4], $0x0  }
0x19: {  	s7 =	sld [smem:$0x3F9F]  }
0x1a: {  	s8 =	sadd.s32 $0xFFFFE003, lr  }
0x1b: {  	s9 =	sadd.s32 $0xFFFFFEF7, lr;
	s5 =	simm.s32 $0xFFFFFFFF;
	p2 =	slt.u32 s8, $0xFFFFF086  }
0x1c: {  	p1 =	slt.u32 s9, $0xF7A;
	s5 =	simm.s32 @!p2 $0x0  }
0x1d: {  	s5 =	simm.s32 @p1 $0x1;
	p0 =	seq.s32 s7, s2  }
0x1e: {  	s7 =	smul.u32 @!p0 $0xF7A, s2;
	p2 =	seq.s32 @!p0 s5, $0x0  }
0x1f: {  	s9 =	smul.u32 $0xF7A, s1;
	s8 =	simm.s32 @!p0 $0x1BF5;
	p2 =	por !p2, p0  }
0x20: {  	[sflag:s8] =	ssyncset.s32 @!p0 $0xFFFFF086;
	s6 =	sadd.s32 @!p0 s3, s7;
	s7 =	simm.s32 @!p0 $0x108  }
0x21: {  	s3 =	sadd.s32 s3, s9;
	s6 =	sadd.s32 @!p0 $0x88, s6;
	s7 =	simm.s32 @p2 $0x1082  }
0x22: {  	[simem:s7], [sflag:s8] =	dma.local @!p0 [hbm:s6], $0xF7A  }
0x23: {  	s9 =	sor.u32 $0xD0000000, s2;
	s6 =	simm.s32 $0x108;
	_ =	swait.ge @!p0 [sflag:s8], $0x0  }
0x24: {  	s3 =	sadd.s32 $0x88, s3;
	s6 =	simm.s32 @!p1 $0x1082;
	[sflag:s4] =	ssyncset.s32 $0xFFFFF086  }
0x25: {  	[simem:s6], [sflag:s4] =	dma.local [hbm:s3], $0xF7A  }
0x26: {  	[smem:$0x3F9F] =	sst s1;
	(tag) =	ssettag s2;
	_ =	strace s9  }
0x27: {  	s1 =	sld [smem:$0x3FAF]  }
0x28: {  	s2 =	sld [smem:$0x3FB0]  }
0x29: {  	s4 =	sld [smem:$0x3FB2]  }
0x2a: {  	p0 =	seq.s32 s5, $0x0;
	s5 =	sld [smem:$0x3FB3]  }
0x2b: {  	s6 =	sld [smem:$0x3FB4]  }
0x2c: {  	s7 =	sld [smem:$0x3FB5]  }
0x2d: {  	s3 =	simm.s32 $0x108;
	s8 =	sld [smem:$0x3FB6]  }
0x2e: {  	s3 =	simm.s32 @!p0 $0x1082;
	s9 =	sld [smem:$0x3FB7]  }
0x2f: {  	lr =	sadd.s32 s0, s3;
	s0 =	sld [smem:$0x3FAE]  }
0x30: {  	s3 =	sld [smem:$0x3FB1]  }
0x31: {  	[smem:$0x3FBA] =	sst s10  }
0x32: {  	s10 =	sld [smem:$0x3FB8];
	_ =	sdelay $0x3  }
0x33: {  	p0 =	seq.s32 s10, $0x1;
	s10 =	sld [smem:$0x3FBA];
	_ =	sdelay $0x3  }
0x34: {  	[smem:$0x3FBA] =	sst s10  }
0x35: {  	s10 =	sld [smem:$0x3FB9];
	_ =	sdelay $0x3  }
0x36: {  	p1 =	seq.s32 s10, $0x1;
	s10 =	sld [smem:$0x3FBA];
	_ =	sdelay $0x3  }
0x37: {  	[smem:$0x3FBA] =	sst s10  }
0x38: {  	s10 =	sld [smem:$0x3FBB]  }
0x39: {  	_ = 	snop;
	(pc) =	sbr.ind lr, $3  }
0x3a: {  	_ = 	snop  }
0x3b: {  	_ = 	snop  }
0x3c: {  	p2 =	seq.s32 s10, $0x1;
	s10 =	sld [smem:$0x3FBA]  }
0x3d: {  	_ =	shalt  }
0x3e: {  	_ =	shalt  }
0x3f: {  	_ =	shalt  }
0x40: {  	_ =	shalt  }
0x41: {  	_ =	shalt  }
0x42: {  	_ =	shalt  }
0x43: {  	_ =	shalt  }
0x44: {  	_ =	shalt  }
0x45: {  	_ =	shalt  }
0x46: {  	_ =	shalt  }
0x47: {  	_ =	shalt  }
0x48: {  	_ =	shalt  }
0x49: {  	_ =	shalt  }
0x4a: {  	_ =	shalt  }
0x4b: {  	_ =	shalt  }
0x4c: {  	_ =	shalt  }
0x4d: {  	_ =	shalt  }
0x4e: {  	_ =	shalt  }
0x4f: {  	_ =	shalt  }
0x50: {  	_ =	shalt  }
0x51: {  	_ =	shalt  }
0x52: {  	_ =	shalt  }
0x53: {  	_ =	shalt  }
0x54: {  	_ =	shalt  }
0x55: {  	_ =	shalt  }
0x56: {  	_ =	shalt  }
0x57: {  	_ =	shalt  }
0x58: {  	_ =	shalt  }
0x59: {  	_ =	shalt  }
0x5a: {  	_ =	shalt  }
0x5b: {  	_ =	shalt  }
0x5c: {  	_ =	shalt  }
0x5d: {  	_ =	shalt  }
0x5e: {  	_ =	shalt  }
0x5f: {  	_ =	shalt  }
0x60: {  	_ =	shalt  }
0x61: {  	_ =	shalt  }
0x62: {  	_ =	shalt  }
0x63: {  	_ =	shalt  }
0x64: {  	_ =	shalt  }
0x65: {  	_ =	shalt  }
0x66: {  	_ =	shalt  }
0x67: {  	_ =	shalt  }
0x68: {  	_ =	shalt  }
0x69: {  	_ =	shalt  }
0x6a: {  	_ =	shalt  }
0x6b: {  	_ =	shalt  }
0x6c: {  	_ =	shalt  }
0x6d: {  	_ =	shalt  }
0x6e: {  	_ =	shalt  }
0x6f: {  	_ =	shalt  }
0x70: {  	_ =	shalt  }
0x71: {  	_ =	shalt  }
0x72: {  	_ =	shalt  }
0x73: {  	_ =	shalt  }
0x74: {  	_ =	shalt  }
0x75: {  	_ =	shalt  }
0x76: {  	_ =	shalt  }
0x77: {  	_ =	shalt  }
0x78: {  	_ =	shalt  }
0x79: {  	_ =	shalt  }
0x7a: {  	_ =	shalt  }
0x7b: {  	_ =	shalt  }
0x7c: {  	_ =	shalt  }
0x7d: {  	_ =	shalt  }
0x7e: {  	_ =	shalt  }
0x7f: {  	_ =	shalt  }
0x80: {  	_ =	shalt  }
0x81: {  	_ =	shalt  }
0x82: {  	_ =	shalt  }
0x83: {  	_ =	shalt  }
0x84: {  	_ =	shalt  }
0x85: {  	_ =	shalt  }
0x86: {  	_ =	shalt  }
0x87: {  	_ =	shalt  }
.Lfunc_end0:
.L_simem_size_0:
called_computation_lowered:
.L_overlay_start_0:
0x88: {  	s2 =	sld [smem:$0x3FD9]  }
0x89: {  	s3 =	sld [smem:$0x3FFE];
	_ =	sdelay $0x1  }
0x8a: {  	s1 =	srdreg.scid  }
0x8b: {  	s0 =	sand.u32 $0x1, s1  }
0x8c: {  	s17 =	sshll.u32 s0, $0xA;
	s2 =	sadd.s32 s3, s2  }
0x8d: {  	s2 =	sadd.s32 s2, s17  }
0x8e: {  	[smem:$0x3FC6] =	sst s2  }
0x8f: {  	_ = 	snop  }
0x90: {  	s2 =	sld [smem:$0x3FC8]  }
0x91: {  	s18 =	sld [smem:$0x3FD0];
	(tm) =	ssettm $0x1  }
0x92: {  	s4 =	sld [smem:$0x3FFB];
	_ =	sdelay $0x3  }
0x93: {  	_ =	strace s4  }
0x94: {  	s4 =	sld [smem:$0x3FFC];
	_ =	sdelay $0x3  }
0x95: {  	_ =	strace s4  }
0x96: {  	s4 =	sld [smem:$0x3FFD];
	_ =	sdelay $0x3  }
0x97: {  	_ =	strace s4  }
0x98: {  	_ =	strace $0x8FFFFFFF  }
0x99: {  	s19 =	sld [smem:$0x3FDB];
	_ =	sdelay $0x1  }
0x9a: {  	s5 =	simm.s32 $_scs_section_size  }
0x9b: {  	s6 =	simm.s32 $_size__tile_overlayer_lowered;
	s7 =	simm.s32 $_tile_overlayer_lowered  }
0x9c: {  	s22 =	simm.s32 $0x1BFF;
	s21 =	sshll.u32 s7, $0x1;
	s4 =	sadd.s32 s5, s19  }
0x9d: {  	s8 =	simm.s32 $0x0;
	s20 =	sshll.u32 s6, $0x1;
	s6 =	sadd.s32 s21, s4  }
0x9e: {  	[timem:s8], [sflag:s22] =	dma.local [hbm:s6], s20  }
0x9f: {  	_ =	swait.ge [sflag:s22], s20  }
0xa0: {  	s5 =	ssub.s32 $0x0, s20;
	[sflag:s22] =	ssyncset.done $0x0  }
0xa1: {  	[sflag:s22] =	ssyncadd.s32 s5;
	_ =	sdelay $0x1  }
0xa2: {  	s23 =	simm.s32 $0x1B8B  }
0xa3: {  	_ =	swait.ge [sflag:s23], $0x1  }
0xa4: {  	[sflag:s23] =	ssyncset.done $0x0  }
0xa5: {  	s25 =	simm.s32 $0x1B8E;
	s24 =	sld [smem:$0x3FFE];
	[sflag:s23] =	ssyncadd.s32 $0xFFFFFFFF  }
0xa6: {  	s26 =	simm.s32 $execute0_lowered;
	[smem:$0x3FD2] =	sst s25  }
0xa7: {  	s6 =	sshll.u32 s26, $0x1;
	_ =	strace $0x80000046;
	[dreg:$0x1] =	wrdreg $0xFFFFFFFF  }
0xa8: {  	s28 =	simm.s32 $_size_execute0_lowered;
	s4 =	sadd.s32 s4, s6;
	[dreg:$0x0] =	wrdreg $0x0  }
0xa9: {  	s6 =	sshll.u32 s28, $0x1;
	[dreg:$0x2] =	wrdreg s4  }
0xaa: {  	[dreg:$0x3] =	wrdreg s6  }
0xab: {  	[dreg:$0x4] =	wrdreg $0xC0  }
0xac: {  	_ =	task [dreg:s8], $0x5FFFF  }
0xad: {  	[dreg:$0x1] =	wrdreg $0xFFFFFFFF  }
0xae: {  	[dreg:$0x0] =	wrdreg $0x60  }
0xaf: {  	[dreg:$0x2] =	wrdreg s18  }
0xb0: {  	[dreg:$0x3] =	wrdreg s2  }
0xb1: {  	[dreg:$0x4] =	wrdreg s24  }
0xb2: {  	[dreg:$0x5] =	wrdreg $0x9  }
0xb3: {  	_ =	task.clear_ibuf [dreg:s8], $0x6FFFF;
	_ =	strace $0x90000046  }
0xb4: {  	s29 =	simm.s32 $0x9;
	_ =	strace $0x80000048  }
0xb5: {  	_ =	swait.ge [sflag:s29], $0x1  }
0xb6: {  	[sflag:s29] =	ssyncadd.s32 $0xFFFFFFFF  }
0xb7: {  	_ =	strace $0x90000048  }
0xb8: {  	_ =	sfence  }
0xb9: {  	s30 =	sld [smem:$0x0];
	_ =	sdelay $0x2  }
0xba: {  	s31 =	sshll.u32 s1, $0xD;
	s1 =	sshrl.u32 s1, $0x2  }
0xbb: {  	s3 =	sand.u32 $0x4000, s31;
	s1 =	sadd.s32 s1, s30  }
0xbc: {  	s0 =	sor.u32 s3, s0;
	s1 =	sshll.u32 s1, $0x11  }
0xbd: {  	s0 =	sor.u32 s1, s0  }
0xbe: {  	s0 =	sadd.s32 $0x8F2B, s0  }
0xbf: {  	[sflag:s0] =	ssyncadd.remote.s32 $0x1  }
0xc0: {  	_ =	sfence.sel $0xFFFF  }
0xc1: {  	[dreg:$0x0] =	wrdreg $0xFFFFFFFF;
	(pc) =	sbr.abs _section_cstart, $3  }
0xc2: {  	[dreg:$0x1] =	wrdreg $0xFFFFFFFF  }
0xc3: {  	_ =	task.clear_ibuf [dreg:s8], $0x2FFFF;
	_ =	strace $0x9FFFFFFF  }
0xc4: {  	(tm) =	ssettm $0x7FFFFFFF  }
0xc5: {  	_ =	shalt  }
tec
execute0_lowered:
.L_overlay_start_1:
0x0: {  	(tag) =	ssettag $0x1  }
0x1: {  	s0 =	rddreg [dreg:$0x0]  }
0x2: {  	s1 =	rddreg [dreg:$0x1]  }
0x3: {  	s2 =	rddreg [dreg:$0x2]  }
0x4: {  	s3 =	simm.s32 $0x0;
	s4 =	srdreg.scid;
	s5 =	stileid.u32  }
0x5: {  	s9 =	simm.s32 $0x32;
	s10 =	simm.s32 $0x4000;
	s12 =	simm.s32 $0x5C00  }
0x6: {  	s14 =	simm.s32 $0x7800;
	s16 =	simm.s32 $0x9400;
	s18 =	simm.s32 $0xB000  }
0x7: {  	s19 =	simm.s32 $0xCC00;
	s20 =	simm.s32 $0x1;
	s21 =	simm.s32 $0xE800  }
0x8: {  	s22 =	simm.s32 $0x2;
	s23 =	simm.s32 $0x10400;
	s24 =	simm.s32 $0x3  }
0x9: {  	s28 =	simm.s32 $0x6;
	s29 =	simm.s32 $0x7;
	s4 =	sand.u32 $0x1, s4  }
0xa: {  	s5 =	sshll.u32 s5, $0x8;
	s6 =	ssub.s32 $0x2, s4;
	s4 =	sshll.u32 s4, $0x7  }
0xb: {  	s30 =	simm.s32 $0x8;
	[smem:$0x7FF] =	sst s3;
	s4 =	sor.u32 s4, s5  }
0xc: {  	_ =	strace $0x80000047;
	s7 =	sshrl.u32 s6, $0x1;
	s26 =	sshll.u32 s4, $0x4  }
0xd: {  	s5 =	sadd.s32 $0x400, s2;
	s25 =	ssub.s32 s6, s7;
	s0 =	sadd.s32 s0, s26  }
0xe: {  	s6 =	simm.s32 $0x0;
	s31 =	smax.u32 s25, $0x1;
	[dreg:$0x4] =	wrdreg s0  }
0xf: {  	s25 =	simm.s32 $0x4;
	s26 =	simm.s32 $0x5;
	[dreg:$0x5] =	wrdreg s31  }
.LBB2_1:
0x10: {  	[dreg:$0x6] =	wrdreg s6  }
0x11: {  	s0 =	rddreg [dreg:$0x4];
	s11 =	simm.s32 $0x11  }
0x12: {  	[tilespmem:s3], [sflag:$0x11] =	stream.linear.gather [hbm4b:s0+s3], $0x4000, $0x38;
	[tilespmem:$0x12000] =	vst v63  }
0x13: {  	_ =	swait.ge [sflag:s11], $0x4000  }
0x14: {  	[sflag:s11] =	ssyncset.done $0x0  }
0x15: {  	[sflag:s11] =	ssyncadd.s32 $0xFFFFC000  }
0x16: {  	[tilespmem:s10], [sflag:$0x1] =	stream.indirect.gather [hbm4b:s1+s9], $0x80, s3, s9, $0xb8;
	[tilespmem:$0x12000] =	vst v63  }
0x17: {  	s13 =	simm.s32 $0x80  }
0x18: {  	[tilespmem:s12], [sflag:$0x2] =	stream.indirect.gather [hbm4b:s1+s9], $0x80, s13, s9, $0xb8;
	[tilespmem:$0x12000] =	vst v63  }
0x19: {  	s15 =	simm.s32 $0x100  }
0x1a: {  	[tilespmem:s14], [sflag:$0x3] =	stream.indirect.gather [hbm4b:s1+s9], $0x80, s15, s9, $0xb8;
	[tilespmem:$0x12000] =	vst v63  }
0x1b: {  	s17 =	simm.s32 $0x180  }
0x1c: {  	[tilespmem:s16], [sflag:$0x4] =	stream.indirect.gather [hbm4b:s1+s9], $0x80, s17, s9, $0xb8;
	[tilespmem:$0x12000] =	vst v63  }
0x1d: {  	s31 =	simm.s32 $0x200;
	s8 =	simm.s32 $0x0  }
0x1e: {  	[tilespmem:s18], [sflag:$0x5] =	stream.indirect.gather [hbm4b:s1+s9], $0x80, s31, s9, $0xb8;
	[tilespmem:$0x12000] =	vst v63  }
.LBB2_2:
0x1f: {  	p0 =	seq.s32 s8, $0x0  }
0x20: {  	s11 =	sshll.u32 s8, $0x3;
	s0 =	simm.s32 @!p0 $0xE  }
0x21: {  	s31 =	sor.u32 $0x5, s11;
	_ =	swait.ge @!p0 [sflag:s0], $0x1900  }
0x22: {  	s2 =	sshll.u32 s31, $0x7;
	[sflag:s0] =	ssyncset.done @!p0 $0x0  }
0x23: {  	s17 =	sand.u32 $0x3FFFFF80, s2;
	[sflag:s0] =	ssyncadd.s32 @!p0 $0xFFFFE700  }
0x24: {  	[tilespmem:s19], [sflag:$0x6] =	stream.indirect.gather [hbm4b:s1+s9], $0x80, s17, s9, $0xb8;
	[tilespmem:$0x12000] =	vst v63  }
0x25: {  	_ =	swait.ge [sflag:s20], $0x1900  }
0x26: {  	[sflag:s20] =	ssyncset.done $0x0  }
0x27: {  	s0 =	simm.s32 $0x4080;
	[sflag:s20] =	ssyncadd.s32 $0xFFFFE700  }
0x28: {  	v0 =	vld [tilespmem:s0+$0xFFFFFF80]  }
0x29: {  	v1 =	vld [tilespmem:s0+$0xFFFFFF90]  }
0x2a: {  	v2 =	vld [tilespmem:s0+$0xFFFFFFA0]  }
0x2b: {  	v3 =	vld [tilespmem:s0+$0xFFFFFFB0]  }
0x2c: {  	v4 =	vld [tilespmem:s0+$0xFFFFFFC0]  }
0x2d: {  	v5 =	vld [tilespmem:s0+$0xFFFFFFD0];
	v0 =	vmul.f32 $1.131370830e+01, v0  }
0x2e: {  	v6 =	vld [tilespmem:s0+$0xFFFFFFE0];
	v1 =	vmul.f32 $1.131370830e+01, v1  }
0x2f: {  	[tilespmem:s0+$0xFFFFFF80] =	vst v0;
	v0 =	vmul.f32 $1.131370830e+01, v2;
	v2 =	vld [tilespmem:s0+$0x0]  }
0x30: {  	[tilespmem:s0+$0xFFFFFF90] =	vst v1;
	v1 =	vmul.f32 $1.131370830e+01, v3;
	v3 =	vld [tilespmem:s0+$0x10]  }
0x31: {  	[tilespmem:s0+$0xFFFFFFA0] =	vst v0;
	v0 =	vmul.f32 $1.131370830e+01, v4;
	v4 =	vld [tilespmem:s0+$0x20]  }
0x32: {  	v7 =	vld [tilespmem:s0+$0x30];
	[tilespmem:s0+$0xFFFFFFB0] =	vst v1;
	v1 =	vmul.f32 $1.131370830e+01, v5  }
0x33: {  	v5 =	vmul.f32 $1.131370830e+01, v6;
	[tilespmem:s0+$0xFFFFFFC0] =	vst v0;
	v0 =	vld [tilespmem:s0+$0x40]  }
0x34: {  	[tilespmem:s0+$0xFFFFFFD0] =	vst v1;
	v1 =	vmul.f32 $1.131370830e+01, v2;
	v2 =	vld [tilespmem:s0+$0x50]  }
0x35: {  	[tilespmem:s0+$0xFFFFFFE0] =	vst v5;
	v6 =	vmul.f32 $1.131370830e+01, v3;
	v3 =	vld [tilespmem:s0+$0x60]  }
0x36: {  	[tilespmem:s0+$0x0] =	vst v1;
	v5 =	vmul.f32 $1.131370830e+01, v4;
	v4 =	vld [tilespmem:s0+$0x70]  }
0x37: {  	s6 =	simm.s32 $0x4180;
	s2 =	simm.s32 $0x0;
	v1 =	vld [tilespmem:s0+$0xFFFFFFF0];
	[tilespmem:s0+$0x10] =	vst v6;
	v6 =	vmul.f32 $1.131370830e+01, v7  }
.LBB2_3:
0x38: {  	v7 =	vld [tilespmem:s6+$0xFFFFFF80];
	[tilespmem:s0+$0x20] =	vst v5;
	v0 =	vmul.f32 $1.131370830e+01, v0  }
0x39: {  	v5 =	vld [tilespmem:s6+$0xFFFFFF90];
	[tilespmem:s0+$0x30] =	vst v6;
	v2 =	vmul.f32 $1.131370830e+01, v2  }
0x3a: {  	v6 =	vld [tilespmem:s6+$0xFFFFFFA0];
	[tilespmem:s0+$0x40] =	vst v0;
	v0 =	vmul.f32 $1.131370830e+01, v3  }
0x3b: {  	v3 =	vld [tilespmem:s6+$0xFFFFFFB0];
	[tilespmem:s0+$0x50] =	vst v2;
	v2 =	vmul.f32 $1.131370830e+01, v4  }
0x3c: {  	v4 =	vld [tilespmem:s6+$0xFFFFFFC0];
	v1 =	vmul.f32 $1.131370830e+01, v1;
	[tilespmem:s0+$0x60] =	vst v0  }
0x3d: {  	v0 =	vmul.f32 $1.131370830e+01, v7;
	v7 =	vld [tilespmem:s6+$0xFFFFFFD0];
	[tilespmem:s0+$0x70] =	vst v2  }
0x3e: {  	v2 =	vmul.f32 $1.131370830e+01, v5;
	v5 =	vld [tilespmem:s6+$0xFFFFFFE0];
	[tilespmem:s0+$0xFFFFFFF0] =	vst v1;
	s0 =	smov.u32 s6  }
0x3f: {  	[tilespmem:s6+$0xFFFFFF80] =	vst v0;
	v0 =	vmul.f32 $1.131370830e+01, v6;
	v1 =	vld [tilespmem:s6+$0x0]  }
0x40: {  	[tilespmem:s6+$0xFFFFFF90] =	vst v2;
	v2 =	vmul.f32 $1.131370830e+01, v3;
	v3 =	vld [tilespmem:s6+$0x10]  }
0x41: {  	s2 =	sadd.s32 $0x2, s2;
	[tilespmem:s6+$0xFFFFFFA0] =	vst v0;
	v0 =	vmul.f32 $1.131370830e+01, v4;
	v4 =	vld [tilespmem:s6+$0x20]  }
0x42: {  	p1 =	slt.u32 s2, $0x30;
	[tilespmem:s6+$0xFFFFFFB0] =	vst v2;
	v2 =	vmul.f32 $1.131370830e+01, v7;
	v6 =	vld [tilespmem:s6+$0x30]  }
.Ltmp0:
0x43: {  	[tilespmem:s6+$0xFFFFFFC0] =	vst v0;
	v5 =	vmul.f32 $1.131370830e+01, v5;
	v0 =	vld [tilespmem:s6+$0x40];
	(pc) =	sbr.rel @p1 .LBB2_3-.Ltmp0, $4  }
0x44: {  	[tilespmem:s6+$0xFFFFFFD0] =	vst v2;
	v1 =	vmul.f32 $1.131370830e+01, v1;
	v2 =	vld [tilespmem:s6+$0x50]  }
0x45: {  	[tilespmem:s6+$0xFFFFFFE0] =	vst v5;
	v7 =	vmul.f32 $1.131370830e+01, v3;
	v3 =	vld [tilespmem:s6+$0x60]  }
0x46: {  	[tilespmem:s6+$0x0] =	vst v1;
	v5 =	vmul.f32 $1.131370830e+01, v4;
	v4 =	vld [tilespmem:s6+$0x70]  }
0x47: {  	s6 =	sadd.s32 $0x100, s6;
	v1 =	vld [tilespmem:s0+$0xFFFFFFF0];
	[tilespmem:s0+$0x10] =	vst v7;
	v6 =	vmul.f32 $1.131370830e+01, v6  }
0x48: {  	[tilespmem:s0+$0x20] =	vst v5;
	v0 =	vmul.f32 $1.131370830e+01, v0  }
0x49: {  	[tilespmem:s0+$0x30] =	vst v6;
	v2 =	vmul.f32 $1.131370830e+01, v2  }
0x4a: {  	[tilespmem:s0+$0x40] =	vst v0;
	v0 =	vmul.f32 $1.131370830e+01, v3  }
0x4b: {  	s2 =	sadd.s32 s4, s11;
	[tilespmem:s0+$0x50] =	vst v2;
	v2 =	vmul.f32 $1.131370830e+01, v4  }
0x4c: {  	s2 =	smul.u32 $0x380, s2;
	v1 =	vmul.f32 $1.131370830e+01, v1;
	[tilespmem:s0+$0x60] =	vst v0  }
0x4d: {  	[tilespmem:s0+$0x70] =	vst v2  }
0x4e: {  	s15 =	sadd.s32 s5, s2;
	s2 =	simm.s32 @!p0 $0xF;
	[tilespmem:s0+$0xFFFFFFF0] =	vst v1  }
0x4f: {  	[hbm4b:s15+s3] =	stream.linear.scatter [tilespmem:s10], [sflag:$0x9], $0x1900, $0x38;
	[tilespmem:$0x12000] =	vst v63  }
0x50: {  	s0 =	sor.u32 $0x6, s11;
	_ =	swait.ge @!p0 [sflag:s2], $0x1900  }
0x51: {  	s6 =	sshll.u32 s0, $0x7;
	[sflag:s2] =	ssyncset.done @!p0 $0x0  }
0x52: {  	s17 =	sand.u32 $0x3FFFFF80, s6;
	[sflag:s2] =	ssyncadd.s32 @!p0 $0xFFFFE700  }
0x53: {  	[tilespmem:s21], [sflag:$0x7] =	stream.indirect.gather [hbm4b:s1+s9], $0x80, s17, s9, $0xb8;
	[tilespmem:$0x12000] =	vst v63  }
0x54: {  	_ =	swait.ge [sflag:s22], $0x1900  }
0x55: {  	[sflag:s22] =	ssyncset.done $0x0  }
0x56: {  	s2 =	simm.s32 $0x5C80;
	[sflag:s22] =	ssyncadd.s32 $0xFFFFE700  }
0x57: {  	v0 =	vld [tilespmem:s2+$0xFFFFFF80]  }
0x58: {  	v1 =	vld [tilespmem:s2+$0xFFFFFF90]  }
0x59: {  	v2 =	vld [tilespmem:s2+$0xFFFFFFA0]  }
0x5a: {  	v3 =	vld [tilespmem:s2+$0xFFFFFFB0]  }
0x5b: {  	v4 =	vld [tilespmem:s2+$0xFFFFFFC0]  }
0x5c: {  	v5 =	vld [tilespmem:s2+$0xFFFFFFD0];
	v0 =	vmul.f32 $1.131370830e+01, v0  }
0x5d: {  	v6 =	vld [tilespmem:s2+$0xFFFFFFE0];
	v1 =	vmul.f32 $1.131370830e+01, v1  }
0x5e: {  	[tilespmem:s2+$0xFFFFFF80] =	vst v0;
	v0 =	vmul.f32 $1.131370830e+01, v2;
	v2 =	vld [tilespmem:s2+$0x0]  }
0x5f: {  	[tilespmem:s2+$0xFFFFFF90] =	vst v1;
	v1 =	vmul.f32 $1.131370830e+01, v3;
	v3 =	vld [tilespmem:s2+$0x10]  }
0x60: {  	[tilespmem:s2+$0xFFFFFFA0] =	vst v0;
	v0 =	vmul.f32 $1.131370830e+01, v4;
	v4 =	vld [tilespmem:s2+$0x20]  }
0x61: {  	v7 =	vld [tilespmem:s2+$0x30];
	[tilespmem:s2+$0xFFFFFFB0] =	vst v1;
	v1 =	vmul.f32 $1.131370830e+01, v5  }
0x62: {  	v5 =	vmul.f32 $1.131370830e+01, v6;
	[tilespmem:s2+$0xFFFFFFC0] =	vst v0;
	v0 =	vld [tilespmem:s2+$0x40]  }
0x63: {  	[tilespmem:s2+$0xFFFFFFD0] =	vst v1;
	v1 =	vmul.f32 $1.131370830e+01, v2;
	v2 =	vld [tilespmem:s2+$0x50]  }
0x64: {  	[tilespmem:s2+$0xFFFFFFE0] =	vst v5;
	v6 =	vmul.f32 $1.131370830e+01, v3;
	v3 =	vld [tilespmem:s2+$0x60]  }
0x65: {  	[tilespmem:s2+$0x0] =	vst v1;
	v5 =	vmul.f32 $1.131370830e+01, v4;
	v4 =	vld [tilespmem:s2+$0x70]  }
0x66: {  	s13 =	sor.u32 $0x1, s11;
	s15 =	simm.s32 $0x0;
	s6 =	simm.s32 $0x5D80;
	v1 =	vld [tilespmem:s2+$0xFFFFFFF0];
	[tilespmem:s2+$0x10] =	vst v6;
	v6 =	vmul.f32 $1.131370830e+01, v7  }
.LBB2_5:
0x67: {  	v7 =	vld [tilespmem:s6+$0xFFFFFF80];
	[tilespmem:s2+$0x20] =	vst v5;
	v0 =	vmul.f32 $1.131370830e+01, v0  }
0x68: {  	v5 =	vld [tilespmem:s6+$0xFFFFFF90];
	[tilespmem:s2+$0x30] =	vst v6;
	v2 =	vmul.f32 $1.131370830e+01, v2  }
0x69: {  	v6 =	vld [tilespmem:s6+$0xFFFFFFA0];
	[tilespmem:s2+$0x40] =	vst v0;
	v0 =	vmul.f32 $1.131370830e+01, v3  }
0x6a: {  	v3 =	vld [tilespmem:s6+$0xFFFFFFB0];
	[tilespmem:s2+$0x50] =	vst v2;
	v2 =	vmul.f32 $1.131370830e+01, v4  }
0x6b: {  	v4 =	vld [tilespmem:s6+$0xFFFFFFC0];
	v1 =	vmul.f32 $1.131370830e+01, v1;
	[tilespmem:s2+$0x60] =	vst v0  }
0x6c: {  	v0 =	vmul.f32 $1.131370830e+01, v7;
	v7 =	vld [tilespmem:s6+$0xFFFFFFD0];
	[tilespmem:s2+$0x70] =	vst v2  }
0x6d: {  	v2 =	vmul.f32 $1.131370830e+01, v5;
	v5 =	vld [tilespmem:s6+$0xFFFFFFE0];
	[tilespmem:s2+$0xFFFFFFF0] =	vst v1;
	s2 =	smov.u32 s6  }
0x6e: {  	[tilespmem:s6+$0xFFFFFF80] =	vst v0;
	v0 =	vmul.f32 $1.131370830e+01, v6;
	v1 =	vld [tilespmem:s6+$0x0]  }
0x6f: {  	[tilespmem:s6+$0xFFFFFF90] =	vst v2;
	v2 =	vmul.f32 $1.131370830e+01, v3;
	v3 =	vld [tilespmem:s6+$0x10]  }
0x70: {  	s15 =	sadd.s32 $0x2, s15;
	[tilespmem:s6+$0xFFFFFFA0] =	vst v0;
	v0 =	vmul.f32 $1.131370830e+01, v4;
	v4 =	vld [tilespmem:s6+$0x20]  }
0x71: {  	p1 =	slt.u32 s15, $0x30;
	[tilespmem:s6+$0xFFFFFFB0] =	vst v2;
	v2 =	vmul.f32 $1.131370830e+01, v7;
	v6 =	vld [tilespmem:s6+$0x30]  }
.Ltmp1:
0x72: {  	[tilespmem:s6+$0xFFFFFFC0] =	vst v0;
	v5 =	vmul.f32 $1.131370830e+01, v5;
	v0 =	vld [tilespmem:s6+$0x40];
	(pc) =	sbr.rel @p1 .LBB2_5-.Ltmp1, $4  }
0x73: {  	[tilespmem:s6+$0xFFFFFFD0] =	vst v2;
	v1 =	vmul.f32 $1.131370830e+01, v1;
	v2 =	vld [tilespmem:s6+$0x50]  }
0x74: {  	[tilespmem:s6+$0xFFFFFFE0] =	vst v5;
	v7 =	vmul.f32 $1.131370830e+01, v3;
	v3 =	vld [tilespmem:s6+$0x60]  }
0x75: {  	[tilespmem:s6+$0x0] =	vst v1;
	v5 =	vmul.f32 $1.131370830e+01, v4;
	v4 =	vld [tilespmem:s6+$0x70]  }
0x76: {  	s6 =	sadd.s32 $0x100, s6;
	v1 =	vld [tilespmem:s2+$0xFFFFFFF0];
	[tilespmem:s2+$0x10] =	vst v7;
	v6 =	vmul.f32 $1.131370830e+01, v6  }
0x77: {  	[tilespmem:s2+$0x20] =	vst v5;
	v0 =	vmul.f32 $1.131370830e+01, v0  }
0x78: {  	[tilespmem:s2+$0x30] =	vst v6;
	v2 =	vmul.f32 $1.131370830e+01, v2  }
0x79: {  	[tilespmem:s2+$0x40] =	vst v0;
	v0 =	vmul.f32 $1.131370830e+01, v3  }
0x7a: {  	s6 =	sadd.s32 s4, s13;
	[tilespmem:s2+$0x50] =	vst v2;
	v2 =	vmul.f32 $1.131370830e+01, v4  }
0x7b: {  	s6 =	smul.u32 $0x380, s6;
	v1 =	vmul.f32 $1.131370830e+01, v1;
	[tilespmem:s2+$0x60] =	vst v0  }
0x7c: {  	[tilespmem:s2+$0x70] =	vst v2  }
0x7d: {  	s15 =	sadd.s32 s5, s6;
	s6 =	simm.s32 @!p0 $0x10;
	[tilespmem:s2+$0xFFFFFFF0] =	vst v1  }
0x7e: {  	[hbm4b:s15+s3] =	stream.linear.scatter [tilespmem:s12], [sflag:$0xA], $0x1900, $0x38;
	[tilespmem:$0x12000] =	vst v63  }
0x7f: {  	s2 =	sor.u32 $0x7, s11;
	_ =	swait.ge @!p0 [sflag:s6], $0x1900  }
0x80: {  	s7 =	sshll.u32 s2, $0x7;
	[sflag:s6] =	ssyncset.done @!p0 $0x0  }
0x81: {  	s17 =	sand.u32 $0x3FFFFF80, s7;
	[sflag:s6] =	ssyncadd.s32 @!p0 $0xFFFFE700  }
0x82: {  	[tilespmem:s23], [sflag:$0x8] =	stream.indirect.gather [hbm4b:s1+s9], $0x80, s17, s9, $0xb8;
	[tilespmem:$0x12000] =	vst v63  }
0x83: {  	_ =	swait.ge [sflag:s24], $0x1900  }
0x84: {  	[sflag:s24] =	ssyncset.done $0x0  }
0x85: {  	s13 =	simm.s32 $0x7880;
	[sflag:s24] =	ssyncadd.s32 $0xFFFFE700  }
0x86: {  	v0 =	vld [tilespmem:s13+$0xFFFFFF80]  }
0x87: {  	v1 =	vld [tilespmem:s13+$0xFFFFFF90]  }
0x88: {  	v2 =	vld [tilespmem:s13+$0xFFFFFFA0]  }
0x89: {  	v3 =	vld [tilespmem:s13+$0xFFFFFFB0]  }
0x8a: {  	v4 =	vld [tilespmem:s13+$0xFFFFFFC0]  }
0x8b: {  	v5 =	vld [tilespmem:s13+$0xFFFFFFD0];
	v0 =	vmul.f32 $1.131370830e+01, v0  }
0x8c: {  	v6 =	vld [tilespmem:s13+$0xFFFFFFE0];
	v1 =	vmul.f32 $1.131370830e+01, v1  }
0x8d: {  	[tilespmem:s13+$0xFFFFFF80] =	vst v0;
	v0 =	vmul.f32 $1.131370830e+01, v2;
	v2 =	vld [tilespmem:s13+$0x0]  }
0x8e: {  	[tilespmem:s13+$0xFFFFFF90] =	vst v1;
	v1 =	vmul.f32 $1.131370830e+01, v3;
	v3 =	vld [tilespmem:s13+$0x10]  }
0x8f: {  	[tilespmem:s13+$0xFFFFFFA0] =	vst v0;
	v0 =	vmul.f32 $1.131370830e+01, v4;
	v4 =	vld [tilespmem:s13+$0x20]  }
0x90: {  	v7 =	vld [tilespmem:s13+$0x30];
	[tilespmem:s13+$0xFFFFFFB0] =	vst v1;
	v1 =	vmul.f32 $1.131370830e+01, v5  }
0x91: {  	v5 =	vmul.f32 $1.131370830e+01, v6;
	[tilespmem:s13+$0xFFFFFFC0] =	vst v0;
	v0 =	vld [tilespmem:s13+$0x40]  }
0x92: {  	[tilespmem:s13+$0xFFFFFFD0] =	vst v1;
	v1 =	vmul.f32 $1.131370830e+01, v2;
	v2 =	vld [tilespmem:s13+$0x50]  }
0x93: {  	[tilespmem:s13+$0xFFFFFFE0] =	vst v5;
	v6 =	vmul.f32 $1.131370830e+01, v3;
	v3 =	vld [tilespmem:s13+$0x60]  }
0x94: {  	[tilespmem:s13+$0x0] =	vst v1;
	v5 =	vmul.f32 $1.131370830e+01, v4;
	v4 =	vld [tilespmem:s13+$0x70]  }
0x95: {  	s15 =	sor.u32 $0x2, s11;
	s6 =	simm.s32 $0x7980;
	s17 =	simm.s32 $0x0;
	v1 =	vld [tilespmem:s13+$0xFFFFFFF0];
	[tilespmem:s13+$0x10] =	vst v6;
	v6 =	vmul.f32 $1.131370830e+01, v7  }
.LBB2_7:
0x96: {  	v7 =	vld [tilespmem:s6+$0xFFFFFF80];
	[tilespmem:s13+$0x20] =	vst v5;
	v0 =	vmul.f32 $1.131370830e+01, v0  }
0x97: {  	v5 =	vld [tilespmem:s6+$0xFFFFFF90];
	[tilespmem:s13+$0x30] =	vst v6;
	v2 =	vmul.f32 $1.131370830e+01, v2  }
0x98: {  	v6 =	vld [tilespmem:s6+$0xFFFFFFA0];
	[tilespmem:s13+$0x40] =	vst v0;
	v0 =	vmul.f32 $1.131370830e+01, v3  }
0x99: {  	v3 =	vld [tilespmem:s6+$0xFFFFFFB0];
	[tilespmem:s13+$0x50] =	vst v2;
	v2 =	vmul.f32 $1.131370830e+01, v4  }
0x9a: {  	v4 =	vld [tilespmem:s6+$0xFFFFFFC0];
	v1 =	vmul.f32 $1.131370830e+01, v1;
	[tilespmem:s13+$0x60] =	vst v0  }
0x9b: {  	v0 =	vmul.f32 $1.131370830e+01, v7;
	v7 =	vld [tilespmem:s6+$0xFFFFFFD0];
	[tilespmem:s13+$0x70] =	vst v2  }
0x9c: {  	v2 =	vmul.f32 $1.131370830e+01, v5;
	v5 =	vld [tilespmem:s6+$0xFFFFFFE0];
	[tilespmem:s13+$0xFFFFFFF0] =	vst v1;
	s13 =	smov.u32 s6  }
0x9d: {  	[tilespmem:s6+$0xFFFFFF80] =	vst v0;
	v0 =	vmul.f32 $1.131370830e+01, v6;
	v1 =	vld [tilespmem:s6+$0x0]  }
0x9e: {  	[tilespmem:s6+$0xFFFFFF90] =	vst v2;
	v2 =	vmul.f32 $1.131370830e+01, v3;
	v3 =	vld [tilespmem:s6+$0x10]  }
0x9f: {  	s17 =	sadd.s32 $0x2, s17;
	[tilespmem:s6+$0xFFFFFFA0] =	vst v0;
	v0 =	vmul.f32 $1.131370830e+01, v4;
	v4 =	vld [tilespmem:s6+$0x20]  }
0xa0: {  	p0 =	slt.u32 s17, $0x30;
	[tilespmem:s6+$0xFFFFFFB0] =	vst v2;
	v2 =	vmul.f32 $1.131370830e+01, v7;
	v6 =	vld [tilespmem:s6+$0x30]  }
.Ltmp2:
0xa1: {  	[tilespmem:s6+$0xFFFFFFC0] =	vst v0;
	v5 =	vmul.f32 $1.131370830e+01, v5;
	v0 =	vld [tilespmem:s6+$0x40];
	(pc) =	sbr.rel @p0 .LBB2_7-.Ltmp2, $4  }
0xa2: {  	[tilespmem:s6+$0xFFFFFFD0] =	vst v2;
	v1 =	vmul.f32 $1.131370830e+01, v1;
	v2 =	vld [tilespmem:s6+$0x50]  }
0xa3: {  	[tilespmem:s6+$0xFFFFFFE0] =	vst v5;
	v7 =	vmul.f32 $1.131370830e+01, v3;
	v3 =	vld [tilespmem:s6+$0x60]  }
0xa4: {  	[tilespmem:s6+$0x0] =	vst v1;
	v5 =	vmul.f32 $1.131370830e+01, v4;
	v4 =	vld [tilespmem:s6+$0x70]  }
0xa5: {  	s6 =	sadd.s32 $0x100, s6;
	v1 =	vld [tilespmem:s13+$0xFFFFFFF0];
	[tilespmem:s13+$0x10] =	vst v7;
	v6 =	vmul.f32 $1.131370830e+01, v6  }
0xa6: {  	[tilespmem:s13+$0x20] =	vst v5;
	v0 =	vmul.f32 $1.131370830e+01, v0  }
0xa7: {  	[tilespmem:s13+$0x30] =	vst v6;
	v2 =	vmul.f32 $1.131370830e+01, v2  }
0xa8: {  	[tilespmem:s13+$0x40] =	vst v0;
	v0 =	vmul.f32 $1.131370830e+01, v3  }
0xa9: {  	s6 =	sadd.s32 s4, s15;
	[tilespmem:s13+$0x50] =	vst v2;
	v2 =	vmul.f32 $1.131370830e+01, v4  }
0xaa: {  	s6 =	smul.u32 $0x380, s6;
	v1 =	vmul.f32 $1.131370830e+01, v1;
	[tilespmem:s13+$0x60] =	vst v0  }
0xab: {  	[tilespmem:s13+$0x70] =	vst v2  }
0xac: {  	p0 =	seq.s32 s8, $0xF;
	s6 =	sadd.s32 s5, s6;
	[tilespmem:s13+$0xFFFFFFF0] =	vst v1  }
0xad: {  	[hbm4b:s6+s3] =	stream.linear.scatter [tilespmem:s14], [sflag:$0xB], $0x1900, $0x38;
	[tilespmem:$0x12000] =	vst v63  }
0xae: {  	s6 =	simm.s32 @!p0 $0x9  }
0xaf: {  	s7 =	sshll.u32 @!p0 s8, $0xA;
	_ =	swait.ge @!p0 [sflag:s6], $0x1900  }
0xb0: {  	s15 =	simm.s32 @!p0 $0x4000;
	s13 =	sand.u32 @!p0 $0x3FFFFC00, s7;
	[sflag:s6] =	ssyncset.done @!p0 $0x0  }
0xb1: {  	s7 =	simm.s32 @!p0 $0x32;
	[sflag:s6] =	ssyncadd.s32 @!p0 $0xFFFFE700;
	s6 =	sadd.s32 @!p0 $0x400, s13  }
0xb2: {  	[tilespmem:s15], [sflag:$0x1] =	stream.indirect.gather @!p0 [hbm4b:s1+s7], $0x80, s6, s7, $0xb8;
	[tilespmem:$0x12000] =	vst v63  }
0xb3: {  	_ =	swait.ge [sflag:s25], $0x1900  }
0xb4: {  	[sflag:s25] =	ssyncset.done $0x0  }
0xb5: {  	s15 =	simm.s32 $0x9480;
	[sflag:s25] =	ssyncadd.s32 $0xFFFFE700  }
0xb6: {  	v0 =	vld [tilespmem:s15+$0xFFFFFF80]  }
0xb7: {  	v1 =	vld [tilespmem:s15+$0xFFFFFF90]  }
0xb8: {  	v2 =	vld [tilespmem:s15+$0xFFFFFFA0]  }
0xb9: {  	v3 =	vld [tilespmem:s15+$0xFFFFFFB0]  }
0xba: {  	v4 =	vld [tilespmem:s15+$0xFFFFFFC0]  }
0xbb: {  	v5 =	vld [tilespmem:s15+$0xFFFFFFD0];
	v0 =	vmul.f32 $1.131370830e+01, v0  }
0xbc: {  	v6 =	vld [tilespmem:s15+$0xFFFFFFE0];
	v1 =	vmul.f32 $1.131370830e+01, v1  }
0xbd: {  	[tilespmem:s15+$0xFFFFFF80] =	vst v0;
	v0 =	vmul.f32 $1.131370830e+01, v2;
	v2 =	vld [tilespmem:s15+$0x0]  }
0xbe: {  	[tilespmem:s15+$0xFFFFFF90] =	vst v1;
	v1 =	vmul.f32 $1.131370830e+01, v3;
	v3 =	vld [tilespmem:s15+$0x10]  }
0xbf: {  	[tilespmem:s15+$0xFFFFFFA0] =	vst v0;
	v0 =	vmul.f32 $1.131370830e+01, v4;
	v4 =	vld [tilespmem:s15+$0x20]  }
0xc0: {  	v7 =	vld [tilespmem:s15+$0x30];
	[tilespmem:s15+$0xFFFFFFB0] =	vst v1;
	v1 =	vmul.f32 $1.131370830e+01, v5  }
0xc1: {  	v5 =	vmul.f32 $1.131370830e+01, v6;
	[tilespmem:s15+$0xFFFFFFC0] =	vst v0;
	v0 =	vld [tilespmem:s15+$0x40]  }
0xc2: {  	[tilespmem:s15+$0xFFFFFFD0] =	vst v1;
	v1 =	vmul.f32 $1.131370830e+01, v2;
	v2 =	vld [tilespmem:s15+$0x50]  }
0xc3: {  	[tilespmem:s15+$0xFFFFFFE0] =	vst v5;
	v6 =	vmul.f32 $1.131370830e+01, v3;
	v3 =	vld [tilespmem:s15+$0x60]  }
0xc4: {  	[tilespmem:s15+$0x0] =	vst v1;
	v5 =	vmul.f32 $1.131370830e+01, v4;
	v4 =	vld [tilespmem:s15+$0x70]  }
0xc5: {  	s17 =	sor.u32 $0x3, s11;
	s6 =	simm.s32 $0x0;
	s7 =	simm.s32 $0x9580;
	v1 =	vld [tilespmem:s15+$0xFFFFFFF0];
	[tilespmem:s15+$0x10] =	vst v6;
	v6 =	vmul.f32 $1.131370830e+01, v7  }
.LBB2_9:
0xc6: {  	v7 =	vld [tilespmem:s7+$0xFFFFFF80];
	[tilespmem:s15+$0x20] =	vst v5;
	v0 =	vmul.f32 $1.131370830e+01, v0  }
0xc7: {  	v5 =	vld [tilespmem:s7+$0xFFFFFF90];
	[tilespmem:s15+$0x30] =	vst v6;
	v2 =	vmul.f32 $1.131370830e+01, v2  }
0xc8: {  	v6 =	vld [tilespmem:s7+$0xFFFFFFA0];
	[tilespmem:s15+$0x40] =	vst v0;
	v0 =	vmul.f32 $1.131370830e+01, v3  }
0xc9: {  	v3 =	vld [tilespmem:s7+$0xFFFFFFB0];
	[tilespmem:s15+$0x50] =	vst v2;
	v2 =	vmul.f32 $1.131370830e+01, v4  }
0xca: {  	v4 =	vld [tilespmem:s7+$0xFFFFFFC0];
	v1 =	vmul.f32 $1.131370830e+01, v1;
	[tilespmem:s15+$0x60] =	vst v0  }
0xcb: {  	v0 =	vmul.f32 $1.131370830e+01, v7;
	v7 =	vld [tilespmem:s7+$0xFFFFFFD0];
	[tilespmem:s15+$0x70] =	vst v2  }
0xcc: {  	v2 =	vmul.f32 $1.131370830e+01, v5;
	v5 =	vld [tilespmem:s7+$0xFFFFFFE0];
	[tilespmem:s15+$0xFFFFFFF0] =	vst v1;
	s15 =	smov.u32 s7  }
0xcd: {  	[tilespmem:s7+$0xFFFFFF80] =	vst v0;
	v0 =	vmul.f32 $1.131370830e+01, v6;
	v1 =	vld [tilespmem:s7+$0x0]  }
0xce: {  	[tilespmem:s7+$0xFFFFFF90] =	vst v2;
	v2 =	vmul.f32 $1.131370830e+01, v3;
	v3 =	vld [tilespmem:s7+$0x10]  }
0xcf: {  	s6 =	sadd.s32 $0x2, s6;
	[tilespmem:s7+$0xFFFFFFA0] =	vst v0;
	v0 =	vmul.f32 $1.131370830e+01, v4;
	v4 =	vld [tilespmem:s7+$0x20]  }
0xd0: {  	p1 =	slt.u32 s6, $0x30;
	[tilespmem:s7+$0xFFFFFFB0] =	vst v2;
	v2 =	vmul.f32 $1.131370830e+01, v7;
	v6 =	vld [tilespmem:s7+$0x30]  }
.Ltmp3:
0xd1: {  	[tilespmem:s7+$0xFFFFFFC0] =	vst v0;
	v5 =	vmul.f32 $1.131370830e+01, v5;
	v0 =	vld [tilespmem:s7+$0x40];
	(pc) =	sbr.rel @p1 .LBB2_9-.Ltmp3, $4  }
0xd2: {  	[tilespmem:s7+$0xFFFFFFD0] =	vst v2;
	v1 =	vmul.f32 $1.131370830e+01, v1;
	v2 =	vld [tilespmem:s7+$0x50]  }
0xd3: {  	[tilespmem:s7+$0xFFFFFFE0] =	vst v5;
	v7 =	vmul.f32 $1.131370830e+01, v3;
	v3 =	vld [tilespmem:s7+$0x60]  }
0xd4: {  	[tilespmem:s7+$0x0] =	vst v1;
	v5 =	vmul.f32 $1.131370830e+01, v4;
	v4 =	vld [tilespmem:s7+$0x70]  }
0xd5: {  	s7 =	sadd.s32 $0x100, s7;
	v1 =	vld [tilespmem:s15+$0xFFFFFFF0];
	[tilespmem:s15+$0x10] =	vst v7;
	v6 =	vmul.f32 $1.131370830e+01, v6  }
0xd6: {  	[tilespmem:s15+$0x20] =	vst v5;
	v0 =	vmul.f32 $1.131370830e+01, v0  }
0xd7: {  	[tilespmem:s15+$0x30] =	vst v6;
	v2 =	vmul.f32 $1.131370830e+01, v2  }
0xd8: {  	[tilespmem:s15+$0x40] =	vst v0;
	v0 =	vmul.f32 $1.131370830e+01, v3  }
0xd9: {  	s6 =	sadd.s32 s4, s17;
	[tilespmem:s15+$0x50] =	vst v2;
	v2 =	vmul.f32 $1.131370830e+01, v4  }
0xda: {  	s6 =	smul.u32 $0x380, s6;
	v1 =	vmul.f32 $1.131370830e+01, v1;
	[tilespmem:s15+$0x60] =	vst v0  }
0xdb: {  	[tilespmem:s15+$0x70] =	vst v2  }
0xdc: {  	s6 =	sadd.s32 s5, s6;
	[tilespmem:s15+$0xFFFFFFF0] =	vst v1  }
0xdd: {  	[hbm4b:s6+s3] =	stream.linear.scatter [tilespmem:s16], [sflag:$0xC], $0x1900, $0x38;
	[tilespmem:$0x12000] =	vst v63  }
0xde: {  	s6 =	simm.s32 @!p0 $0xA  }
0xdf: {  	_ =	swait.ge @!p0 [sflag:s6], $0x1900  }
0xe0: {  	s7 =	simm.s32 @!p0 $0x32;
	[sflag:s6] =	ssyncset.done @!p0 $0x0  }
0xe1: {  	s15 =	simm.s32 @!p0 $0x5C00;
	[sflag:s6] =	ssyncadd.s32 @!p0 $0xFFFFE700;
	s6 =	sadd.s32 @!p0 $0x480, s13  }
0xe2: {  	[tilespmem:s15], [sflag:$0x2] =	stream.indirect.gather @!p0 [hbm4b:s1+s7], $0x80, s6, s7, $0xb8;
	[tilespmem:$0x12000] =	vst v63  }
0xe3: {  	_ =	swait.ge [sflag:s26], $0x1900  }
0xe4: {  	[sflag:s26] =	ssyncset.done $0x0  }
0xe5: {  	s15 =	simm.s32 $0xB080;
	[sflag:s26] =	ssyncadd.s32 $0xFFFFE700  }
0xe6: {  	v0 =	vld [tilespmem:s15+$0xFFFFFF80]  }
0xe7: {  	v1 =	vld [tilespmem:s15+$0xFFFFFF90]  }
0xe8: {  	v2 =	vld [tilespmem:s15+$0xFFFFFFA0]  }
0xe9: {  	v3 =	vld [tilespmem:s15+$0xFFFFFFB0]  }
0xea: {  	v4 =	vld [tilespmem:s15+$0xFFFFFFC0]  }
0xeb: {  	v5 =	vld [tilespmem:s15+$0xFFFFFFD0];
	v0 =	vmul.f32 $1.131370830e+01, v0  }
0xec: {  	v6 =	vld [tilespmem:s15+$0xFFFFFFE0];
	v1 =	vmul.f32 $1.131370830e+01, v1  }
0xed: {  	[tilespmem:s15+$0xFFFFFF80] =	vst v0;
	v0 =	vmul.f32 $1.131370830e+01, v2;
	v2 =	vld [tilespmem:s15+$0x0]  }
0xee: {  	[tilespmem:s15+$0xFFFFFF90] =	vst v1;
	v1 =	vmul.f32 $1.131370830e+01, v3;
	v3 =	vld [tilespmem:s15+$0x10]  }
0xef: {  	[tilespmem:s15+$0xFFFFFFA0] =	vst v0;
	v0 =	vmul.f32 $1.131370830e+01, v4;
	v4 =	vld [tilespmem:s15+$0x20]  }
0xf0: {  	v7 =	vld [tilespmem:s15+$0x30];
	[tilespmem:s15+$0xFFFFFFB0] =	vst v1;
	v1 =	vmul.f32 $1.131370830e+01, v5  }
0xf1: {  	v5 =	vmul.f32 $1.131370830e+01, v6;
	[tilespmem:s15+$0xFFFFFFC0] =	vst v0;
	v0 =	vld [tilespmem:s15+$0x40]  }
0xf2: {  	[tilespmem:s15+$0xFFFFFFD0] =	vst v1;
	v1 =	vmul.f32 $1.131370830e+01, v2;
	v2 =	vld [tilespmem:s15+$0x50]  }
0xf3: {  	[tilespmem:s15+$0xFFFFFFE0] =	vst v5;
	v6 =	vmul.f32 $1.131370830e+01, v3;
	v3 =	vld [tilespmem:s15+$0x60]  }
0xf4: {  	[tilespmem:s15+$0x0] =	vst v1;
	v5 =	vmul.f32 $1.131370830e+01, v4;
	v4 =	vld [tilespmem:s15+$0x70]  }
0xf5: {  	s11 =	sor.u32 $0x4, s11;
	s6 =	simm.s32 $0x0;
	s7 =	simm.s32 $0xB180;
	v1 =	vld [tilespmem:s15+$0xFFFFFFF0];
	[tilespmem:s15+$0x10] =	vst v6;
	v6 =	vmul.f32 $1.131370830e+01, v7  }
.LBB2_11:
0xf6: {  	v7 =	vld [tilespmem:s7+$0xFFFFFF80];
	[tilespmem:s15+$0x20] =	vst v5;
	v0 =	vmul.f32 $1.131370830e+01, v0  }
0xf7: {  	v5 =	vld [tilespmem:s7+$0xFFFFFF90];
	[tilespmem:s15+$0x30] =	vst v6;
	v2 =	vmul.f32 $1.131370830e+01, v2  }
0xf8: {  	v6 =	vld [tilespmem:s7+$0xFFFFFFA0];
	[tilespmem:s15+$0x40] =	vst v0;
	v0 =	vmul.f32 $1.131370830e+01, v3  }
0xf9: {  	v3 =	vld [tilespmem:s7+$0xFFFFFFB0];
	[tilespmem:s15+$0x50] =	vst v2;
	v2 =	vmul.f32 $1.131370830e+01, v4  }
0xfa: {  	v4 =	vld [tilespmem:s7+$0xFFFFFFC0];
	v1 =	vmul.f32 $1.131370830e+01, v1;
	[tilespmem:s15+$0x60] =	vst v0  }
0xfb: {  	v0 =	vmul.f32 $1.131370830e+01, v7;
	v7 =	vld [tilespmem:s7+$0xFFFFFFD0];
	[tilespmem:s15+$0x70] =	vst v2  }
0xfc: {  	v2 =	vmul.f32 $1.131370830e+01, v5;
	v5 =	vld [tilespmem:s7+$0xFFFFFFE0];
	[tilespmem:s15+$0xFFFFFFF0] =	vst v1;
	s15 =	smov.u32 s7  }
0xfd: {  	[tilespmem:s7+$0xFFFFFF80] =	vst v0;
	v0 =	vmul.f32 $1.131370830e+01, v6;
	v1 =	vld [tilespmem:s7+$0x0]  }
0xfe: {  	[tilespmem:s7+$0xFFFFFF90] =	vst v2;
	v2 =	vmul.f32 $1.131370830e+01, v3;
	v3 =	vld [tilespmem:s7+$0x10]  }
0xff: {  	s6 =	sadd.s32 $0x2, s6;
	[tilespmem:s7+$0xFFFFFFA0] =	vst v0;
	v0 =	vmul.f32 $1.131370830e+01, v4;
	v4 =	vld [tilespmem:s7+$0x20]  }
0x100: {  	p1 =	slt.u32 s6, $0x30;
	[tilespmem:s7+$0xFFFFFFB0] =	vst v2;
	v2 =	vmul.f32 $1.131370830e+01, v7;
	v6 =	vld [tilespmem:s7+$0x30]  }
.Ltmp4:
0x101: {  	[tilespmem:s7+$0xFFFFFFC0] =	vst v0;
	v5 =	vmul.f32 $1.131370830e+01, v5;
	v0 =	vld [tilespmem:s7+$0x40];
	(pc) =	sbr.rel @p1 .LBB2_11-.Ltmp4, $4  }
0x102: {  	[tilespmem:s7+$0xFFFFFFD0] =	vst v2;
	v1 =	vmul.f32 $1.131370830e+01, v1;
	v2 =	vld [tilespmem:s7+$0x50]  }
0x103: {  	[tilespmem:s7+$0xFFFFFFE0] =	vst v5;
	v7 =	vmul.f32 $1.131370830e+01, v3;
	v3 =	vld [tilespmem:s7+$0x60]  }
0x104: {  	[tilespmem:s7+$0x0] =	vst v1;
	v5 =	vmul.f32 $1.131370830e+01, v4;
	v4 =	vld [tilespmem:s7+$0x70]  }
0x105: {  	s7 =	sadd.s32 $0x100, s7;
	v1 =	vld [tilespmem:s15+$0xFFFFFFF0];
	[tilespmem:s15+$0x10] =	vst v7;
	v6 =	vmul.f32 $1.131370830e+01, v6  }
0x106: {  	[tilespmem:s15+$0x20] =	vst v5;
	v0 =	vmul.f32 $1.131370830e+01, v0  }
0x107: {  	[tilespmem:s15+$0x30] =	vst v6;
	v2 =	vmul.f32 $1.131370830e+01, v2  }
0x108: {  	[tilespmem:s15+$0x40] =	vst v0;
	v0 =	vmul.f32 $1.131370830e+01, v3  }
0x109: {  	s6 =	sadd.s32 s4, s11;
	[tilespmem:s15+$0x50] =	vst v2;
	v2 =	vmul.f32 $1.131370830e+01, v4  }
0x10a: {  	s6 =	smul.u32 $0x380, s6;
	v1 =	vmul.f32 $1.131370830e+01, v1;
	[tilespmem:s15+$0x60] =	vst v0  }
0x10b: {  	[tilespmem:s15+$0x70] =	vst v2  }
0x10c: {  	s6 =	sadd.s32 s5, s6;
	[tilespmem:s15+$0xFFFFFFF0] =	vst v1  }
0x10d: {  	[hbm4b:s6+s3] =	stream.linear.scatter [tilespmem:s18], [sflag:$0xD], $0x1900, $0x38;
	[tilespmem:$0x12000] =	vst v63  }
0x10e: {  	s6 =	simm.s32 @!p0 $0xB  }
0x10f: {  	_ =	swait.ge @!p0 [sflag:s6], $0x1900  }
0x110: {  	s7 =	simm.s32 @!p0 $0x32;
	[sflag:s6] =	ssyncset.done @!p0 $0x0  }
0x111: {  	s11 =	simm.s32 @!p0 $0x7800;
	[sflag:s6] =	ssyncadd.s32 @!p0 $0xFFFFE700;
	s6 =	sadd.s32 @!p0 $0x500, s13  }
0x112: {  	[tilespmem:s11], [sflag:$0x3] =	stream.indirect.gather @!p0 [hbm4b:s1+s7], $0x80, s6, s7, $0xb8;
	[tilespmem:$0x12000] =	vst v63  }
0x113: {  	_ =	swait.ge [sflag:s28], $0x1900  }
0x114: {  	[sflag:s28] =	ssyncset.done $0x0  }
0x115: {  	s11 =	simm.s32 $0xCC80;
	[sflag:s28] =	ssyncadd.s32 $0xFFFFE700  }
0x116: {  	v0 =	vld [tilespmem:s11+$0xFFFFFF80]  }
0x117: {  	v1 =	vld [tilespmem:s11+$0xFFFFFF90]  }
0x118: {  	v2 =	vld [tilespmem:s11+$0xFFFFFFA0]  }
0x119: {  	v3 =	vld [tilespmem:s11+$0xFFFFFFB0]  }
0x11a: {  	v4 =	vld [tilespmem:s11+$0xFFFFFFC0]  }
0x11b: {  	v5 =	vld [tilespmem:s11+$0xFFFFFFD0];
	v0 =	vmul.f32 $1.131370830e+01, v0  }
0x11c: {  	v6 =	vld [tilespmem:s11+$0xFFFFFFE0];
	v1 =	vmul.f32 $1.131370830e+01, v1  }
0x11d: {  	[tilespmem:s11+$0xFFFFFF80] =	vst v0;
	v0 =	vmul.f32 $1.131370830e+01, v2;
	v2 =	vld [tilespmem:s11+$0x0]  }
0x11e: {  	[tilespmem:s11+$0xFFFFFF90] =	vst v1;
	v1 =	vmul.f32 $1.131370830e+01, v3;
	v3 =	vld [tilespmem:s11+$0x10]  }
0x11f: {  	[tilespmem:s11+$0xFFFFFFA0] =	vst v0;
	v0 =	vmul.f32 $1.131370830e+01, v4;
	v4 =	vld [tilespmem:s11+$0x20]  }
0x120: {  	v7 =	vld [tilespmem:s11+$0x30];
	[tilespmem:s11+$0xFFFFFFB0] =	vst v1;
	v1 =	vmul.f32 $1.131370830e+01, v5  }
0x121: {  	v5 =	vmul.f32 $1.131370830e+01, v6;
	[tilespmem:s11+$0xFFFFFFC0] =	vst v0;
	v0 =	vld [tilespmem:s11+$0x40]  }
0x122: {  	[tilespmem:s11+$0xFFFFFFD0] =	vst v1;
	v1 =	vmul.f32 $1.131370830e+01, v2;
	v2 =	vld [tilespmem:s11+$0x50]  }
0x123: {  	[tilespmem:s11+$0xFFFFFFE0] =	vst v5;
	v6 =	vmul.f32 $1.131370830e+01, v3;
	v3 =	vld [tilespmem:s11+$0x60]  }
0x124: {  	[tilespmem:s11+$0x0] =	vst v1;
	v5 =	vmul.f32 $1.131370830e+01, v4;
	v4 =	vld [tilespmem:s11+$0x70]  }
0x125: {  	s6 =	simm.s32 $0x0;
	s7 =	simm.s32 $0xCD80;
	v1 =	vld [tilespmem:s11+$0xFFFFFFF0];
	[tilespmem:s11+$0x10] =	vst v6;
	v6 =	vmul.f32 $1.131370830e+01, v7  }
.LBB2_13:
0x126: {  	v7 =	vld [tilespmem:s7+$0xFFFFFF80];
	[tilespmem:s11+$0x20] =	vst v5;
	v0 =	vmul.f32 $1.131370830e+01, v0  }
0x127: {  	v5 =	vld [tilespmem:s7+$0xFFFFFF90];
	[tilespmem:s11+$0x30] =	vst v6;
	v2 =	vmul.f32 $1.131370830e+01, v2  }
0x128: {  	v6 =	vld [tilespmem:s7+$0xFFFFFFA0];
	[tilespmem:s11+$0x40] =	vst v0;
	v0 =	vmul.f32 $1.131370830e+01, v3  }
0x129: {  	v3 =	vld [tilespmem:s7+$0xFFFFFFB0];
	[tilespmem:s11+$0x50] =	vst v2;
	v2 =	vmul.f32 $1.131370830e+01, v4  }
0x12a: {  	v4 =	vld [tilespmem:s7+$0xFFFFFFC0];
	v1 =	vmul.f32 $1.131370830e+01, v1;
	[tilespmem:s11+$0x60] =	vst v0  }
0x12b: {  	v0 =	vmul.f32 $1.131370830e+01, v7;
	v7 =	vld [tilespmem:s7+$0xFFFFFFD0];
	[tilespmem:s11+$0x70] =	vst v2  }
0x12c: {  	v2 =	vmul.f32 $1.131370830e+01, v5;
	v5 =	vld [tilespmem:s7+$0xFFFFFFE0];
	[tilespmem:s11+$0xFFFFFFF0] =	vst v1;
	s11 =	smov.u32 s7  }
0x12d: {  	[tilespmem:s7+$0xFFFFFF80] =	vst v0;
	v0 =	vmul.f32 $1.131370830e+01, v6;
	v1 =	vld [tilespmem:s7+$0x0]  }
0x12e: {  	[tilespmem:s7+$0xFFFFFF90] =	vst v2;
	v2 =	vmul.f32 $1.131370830e+01, v3;
	v3 =	vld [tilespmem:s7+$0x10]  }
0x12f: {  	s6 =	sadd.s32 $0x2, s6;
	[tilespmem:s7+$0xFFFFFFA0] =	vst v0;
	v0 =	vmul.f32 $1.131370830e+01, v4;
	v4 =	vld [tilespmem:s7+$0x20]  }
0x130: {  	p1 =	slt.u32 s6, $0x30;
	[tilespmem:s7+$0xFFFFFFB0] =	vst v2;
	v2 =	vmul.f32 $1.131370830e+01, v7;
	v6 =	vld [tilespmem:s7+$0x30]  }
.Ltmp5:
0x131: {  	[tilespmem:s7+$0xFFFFFFC0] =	vst v0;
	v5 =	vmul.f32 $1.131370830e+01, v5;
	v0 =	vld [tilespmem:s7+$0x40];
	(pc) =	sbr.rel @p1 .LBB2_13-.Ltmp5, $4  }
0x132: {  	[tilespmem:s7+$0xFFFFFFD0] =	vst v2;
	v1 =	vmul.f32 $1.131370830e+01, v1;
	v2 =	vld [tilespmem:s7+$0x50]  }
0x133: {  	[tilespmem:s7+$0xFFFFFFE0] =	vst v5;
	v7 =	vmul.f32 $1.131370830e+01, v3;
	v3 =	vld [tilespmem:s7+$0x60]  }
0x134: {  	[tilespmem:s7+$0x0] =	vst v1;
	v5 =	vmul.f32 $1.131370830e+01, v4;
	v4 =	vld [tilespmem:s7+$0x70]  }
0x135: {  	s7 =	sadd.s32 $0x100, s7;
	v1 =	vld [tilespmem:s11+$0xFFFFFFF0];
	[tilespmem:s11+$0x10] =	vst v7;
	v6 =	vmul.f32 $1.131370830e+01, v6  }
0x136: {  	[tilespmem:s11+$0x20] =	vst v5;
	v0 =	vmul.f32 $1.131370830e+01, v0  }
0x137: {  	[tilespmem:s11+$0x30] =	vst v6;
	v2 =	vmul.f32 $1.131370830e+01, v2  }
0x138: {  	[tilespmem:s11+$0x40] =	vst v0;
	v0 =	vmul.f32 $1.131370830e+01, v3  }
0x139: {  	s6 =	sadd.s32 s4, s31;
	[tilespmem:s11+$0x50] =	vst v2;
	v2 =	vmul.f32 $1.131370830e+01, v4  }
0x13a: {  	s6 =	smul.u32 $0x380, s6;
	v1 =	vmul.f32 $1.131370830e+01, v1;
	[tilespmem:s11+$0x60] =	vst v0  }
0x13b: {  	[tilespmem:s11+$0x70] =	vst v2  }
0x13c: {  	s6 =	sadd.s32 s5, s6;
	[tilespmem:s11+$0xFFFFFFF0] =	vst v1  }
0x13d: {  	[hbm4b:s6+s3] =	stream.linear.scatter [tilespmem:s19], [sflag:$0xE], $0x1900, $0x38;
	[tilespmem:$0x12000] =	vst v63  }
0x13e: {  	s6 =	simm.s32 @!p0 $0xC  }
0x13f: {  	_ =	swait.ge @!p0 [sflag:s6], $0x1900  }
0x140: {  	s7 =	simm.s32 @!p0 $0x32;
	[sflag:s6] =	ssyncset.done @!p0 $0x0  }
0x141: {  	s11 =	simm.s32 @!p0 $0x9400;
	[sflag:s6] =	ssyncadd.s32 @!p0 $0xFFFFE700;
	s6 =	sadd.s32 @!p0 $0x580, s13  }
0x142: {  	[tilespmem:s11], [sflag:$0x4] =	stream.indirect.gather @!p0 [hbm4b:s1+s7], $0x80, s6, s7, $0xb8;
	[tilespmem:$0x12000] =	vst v63  }
0x143: {  	_ =	swait.ge [sflag:s29], $0x1900  }
0x144: {  	[sflag:s29] =	ssyncset.done $0x0  }
0x145: {  	s11 =	simm.s32 $0xE880;
	[sflag:s29] =	ssyncadd.s32 $0xFFFFE700  }
0x146: {  	v0 =	vld [tilespmem:s11+$0xFFFFFF80]  }
0x147: {  	v1 =	vld [tilespmem:s11+$0xFFFFFF90]  }
0x148: {  	v2 =	vld [tilespmem:s11+$0xFFFFFFA0]  }
0x149: {  	v3 =	vld [tilespmem:s11+$0xFFFFFFB0]  }
0x14a: {  	v4 =	vld [tilespmem:s11+$0xFFFFFFC0]  }
0x14b: {  	v5 =	vld [tilespmem:s11+$0xFFFFFFD0];
	v0 =	vmul.f32 $1.131370830e+01, v0  }
0x14c: {  	v6 =	vld [tilespmem:s11+$0xFFFFFFE0];
	v1 =	vmul.f32 $1.131370830e+01, v1  }
0x14d: {  	[tilespmem:s11+$0xFFFFFF80] =	vst v0;
	v0 =	vmul.f32 $1.131370830e+01, v2;
	v2 =	vld [tilespmem:s11+$0x0]  }
0x14e: {  	[tilespmem:s11+$0xFFFFFF90] =	vst v1;
	v1 =	vmul.f32 $1.131370830e+01, v3;
	v3 =	vld [tilespmem:s11+$0x10]  }
0x14f: {  	[tilespmem:s11+$0xFFFFFFA0] =	vst v0;
	v0 =	vmul.f32 $1.131370830e+01, v4;
	v4 =	vld [tilespmem:s11+$0x20]  }
0x150: {  	v7 =	vld [tilespmem:s11+$0x30];
	[tilespmem:s11+$0xFFFFFFB0] =	vst v1;
	v1 =	vmul.f32 $1.131370830e+01, v5  }
0x151: {  	v5 =	vmul.f32 $1.131370830e+01, v6;
	[tilespmem:s11+$0xFFFFFFC0] =	vst v0;
	v0 =	vld [tilespmem:s11+$0x40]  }
0x152: {  	[tilespmem:s11+$0xFFFFFFD0] =	vst v1;
	v1 =	vmul.f32 $1.131370830e+01, v2;
	v2 =	vld [tilespmem:s11+$0x50]  }
0x153: {  	[tilespmem:s11+$0xFFFFFFE0] =	vst v5;
	v6 =	vmul.f32 $1.131370830e+01, v3;
	v3 =	vld [tilespmem:s11+$0x60]  }
0x154: {  	[tilespmem:s11+$0x0] =	vst v1;
	v5 =	vmul.f32 $1.131370830e+01, v4;
	v4 =	vld [tilespmem:s11+$0x70]  }
0x155: {  	s6 =	simm.s32 $0x0;
	s7 =	simm.s32 $0xE980;
	v1 =	vld [tilespmem:s11+$0xFFFFFFF0];
	[tilespmem:s11+$0x10] =	vst v6;
	v6 =	vmul.f32 $1.131370830e+01, v7  }
.LBB2_15:
0x156: {  	v7 =	vld [tilespmem:s7+$0xFFFFFF80];
	[tilespmem:s11+$0x20] =	vst v5;
	v0 =	vmul.f32 $1.131370830e+01, v0  }
0x157: {  	v5 =	vld [tilespmem:s7+$0xFFFFFF90];
	[tilespmem:s11+$0x30] =	vst v6;
	v2 =	vmul.f32 $1.131370830e+01, v2  }
0x158: {  	v6 =	vld [tilespmem:s7+$0xFFFFFFA0];
	[tilespmem:s11+$0x40] =	vst v0;
	v0 =	vmul.f32 $1.131370830e+01, v3  }
0x159: {  	v3 =	vld [tilespmem:s7+$0xFFFFFFB0];
	[tilespmem:s11+$0x50] =	vst v2;
	v2 =	vmul.f32 $1.131370830e+01, v4  }
0x15a: {  	v4 =	vld [tilespmem:s7+$0xFFFFFFC0];
	v1 =	vmul.f32 $1.131370830e+01, v1;
	[tilespmem:s11+$0x60] =	vst v0  }
0x15b: {  	v0 =	vmul.f32 $1.131370830e+01, v7;
	v7 =	vld [tilespmem:s7+$0xFFFFFFD0];
	[tilespmem:s11+$0x70] =	vst v2  }
0x15c: {  	v2 =	vmul.f32 $1.131370830e+01, v5;
	v5 =	vld [tilespmem:s7+$0xFFFFFFE0];
	[tilespmem:s11+$0xFFFFFFF0] =	vst v1;
	s11 =	smov.u32 s7  }
0x15d: {  	[tilespmem:s7+$0xFFFFFF80] =	vst v0;
	v0 =	vmul.f32 $1.131370830e+01, v6;
	v1 =	vld [tilespmem:s7+$0x0]  }
0x15e: {  	[tilespmem:s7+$0xFFFFFF90] =	vst v2;
	v2 =	vmul.f32 $1.131370830e+01, v3;
	v3 =	vld [tilespmem:s7+$0x10]  }
0x15f: {  	s6 =	sadd.s32 $0x2, s6;
	[tilespmem:s7+$0xFFFFFFA0] =	vst v0;
	v0 =	vmul.f32 $1.131370830e+01, v4;
	v4 =	vld [tilespmem:s7+$0x20]  }
0x160: {  	p1 =	slt.u32 s6, $0x30;
	[tilespmem:s7+$0xFFFFFFB0] =	vst v2;
	v2 =	vmul.f32 $1.131370830e+01, v7;
	v6 =	vld [tilespmem:s7+$0x30]  }
.Ltmp6:
0x161: {  	[tilespmem:s7+$0xFFFFFFC0] =	vst v0;
	v5 =	vmul.f32 $1.131370830e+01, v5;
	v0 =	vld [tilespmem:s7+$0x40];
	(pc) =	sbr.rel @p1 .LBB2_15-.Ltmp6, $4  }
0x162: {  	[tilespmem:s7+$0xFFFFFFD0] =	vst v2;
	v1 =	vmul.f32 $1.131370830e+01, v1;
	v2 =	vld [tilespmem:s7+$0x50]  }
0x163: {  	[tilespmem:s7+$0xFFFFFFE0] =	vst v5;
	v7 =	vmul.f32 $1.131370830e+01, v3;
	v3 =	vld [tilespmem:s7+$0x60]  }
0x164: {  	[tilespmem:s7+$0x0] =	vst v1;
	v5 =	vmul.f32 $1.131370830e+01, v4;
	v4 =	vld [tilespmem:s7+$0x70]  }
0x165: {  	s7 =	sadd.s32 $0x100, s7;
	v1 =	vld [tilespmem:s11+$0xFFFFFFF0];
	[tilespmem:s11+$0x10] =	vst v7;
	v6 =	vmul.f32 $1.131370830e+01, v6  }
0x166: {  	[tilespmem:s11+$0x20] =	vst v5;
	v0 =	vmul.f32 $1.131370830e+01, v0  }
0x167: {  	[tilespmem:s11+$0x30] =	vst v6;
	v2 =	vmul.f32 $1.131370830e+01, v2  }
0x168: {  	[tilespmem:s11+$0x40] =	vst v0;
	v0 =	vmul.f32 $1.131370830e+01, v3  }
0x169: {  	s0 =	sadd.s32 s4, s0;
	[tilespmem:s11+$0x50] =	vst v2;
	v2 =	vmul.f32 $1.131370830e+01, v4  }
0x16a: {  	s0 =	smul.u32 $0x380, s0;
	v1 =	vmul.f32 $1.131370830e+01, v1;
	[tilespmem:s11+$0x60] =	vst v0  }
0x16b: {  	[tilespmem:s11+$0x70] =	vst v2  }
0x16c: {  	s0 =	sadd.s32 s5, s0;
	[tilespmem:s11+$0xFFFFFFF0] =	vst v1  }
0x16d: {  	[hbm4b:s0+s3] =	stream.linear.scatter [tilespmem:s21], [sflag:$0xF], $0x1900, $0x38;
	[tilespmem:$0x12000] =	vst v63  }
0x16e: {  	s0 =	simm.s32 @!p0 $0xD  }
0x16f: {  	_ =	swait.ge @!p0 [sflag:s0], $0x1900  }
0x170: {  	s6 =	simm.s32 @!p0 $0x32;
	[sflag:s0] =	ssyncset.done @!p0 $0x0  }
0x171: {  	s7 =	simm.s32 @!p0 $0xB000;
	[sflag:s0] =	ssyncadd.s32 @!p0 $0xFFFFE700;
	s0 =	sadd.s32 @!p0 $0x600, s13  }
0x172: {  	[tilespmem:s7], [sflag:$0x5] =	stream.indirect.gather @!p0 [hbm4b:s1+s6], $0x80, s0, s6, $0xb8;
	[tilespmem:$0x12000] =	vst v63  }
0x173: {  	_ =	swait.ge [sflag:s30], $0x1900  }
0x174: {  	[sflag:s30] =	ssyncset.done $0x0  }
0x175: {  	s0 =	simm.s32 $0x10480;
	[sflag:s30] =	ssyncadd.s32 $0xFFFFE700  }
0x176: {  	v0 =	vld [tilespmem:s0+$0xFFFFFF80]  }
0x177: {  	v1 =	vld [tilespmem:s0+$0xFFFFFF90]  }
0x178: {  	v2 =	vld [tilespmem:s0+$0xFFFFFFA0]  }
0x179: {  	v3 =	vld [tilespmem:s0+$0xFFFFFFB0]  }
0x17a: {  	v4 =	vld [tilespmem:s0+$0xFFFFFFC0]  }
0x17b: {  	v5 =	vld [tilespmem:s0+$0xFFFFFFD0];
	v0 =	vmul.f32 $1.131370830e+01, v0  }
0x17c: {  	v6 =	vld [tilespmem:s0+$0xFFFFFFE0];
	v1 =	vmul.f32 $1.131370830e+01, v1  }
0x17d: {  	[tilespmem:s0+$0xFFFFFF80] =	vst v0;
	v0 =	vmul.f32 $1.131370830e+01, v2;
	v2 =	vld [tilespmem:s0+$0x0]  }
0x17e: {  	[tilespmem:s0+$0xFFFFFF90] =	vst v1;
	v1 =	vmul.f32 $1.131370830e+01, v3;
	v3 =	vld [tilespmem:s0+$0x10]  }
0x17f: {  	[tilespmem:s0+$0xFFFFFFA0] =	vst v0;
	v0 =	vmul.f32 $1.131370830e+01, v4;
	v4 =	vld [tilespmem:s0+$0x20]  }
0x180: {  	v7 =	vld [tilespmem:s0+$0x30];
	[tilespmem:s0+$0xFFFFFFB0] =	vst v1;
	v1 =	vmul.f32 $1.131370830e+01, v5  }
0x181: {  	v5 =	vmul.f32 $1.131370830e+01, v6;
	[tilespmem:s0+$0xFFFFFFC0] =	vst v0;
	v0 =	vld [tilespmem:s0+$0x40]  }
0x182: {  	[tilespmem:s0+$0xFFFFFFD0] =	vst v1;
	v1 =	vmul.f32 $1.131370830e+01, v2;
	v2 =	vld [tilespmem:s0+$0x50]  }
0x183: {  	[tilespmem:s0+$0xFFFFFFE0] =	vst v5;
	v6 =	vmul.f32 $1.131370830e+01, v3;
	v3 =	vld [tilespmem:s0+$0x60]  }
0x184: {  	[tilespmem:s0+$0x0] =	vst v1;
	v5 =	vmul.f32 $1.131370830e+01, v4;
	v4 =	vld [tilespmem:s0+$0x70]  }
0x185: {  	s6 =	simm.s32 $0x0;
	s7 =	simm.s32 $0x10580;
	v1 =	vld [tilespmem:s0+$0xFFFFFFF0];
	[tilespmem:s0+$0x10] =	vst v6;
	v6 =	vmul.f32 $1.131370830e+01, v7  }
.LBB2_17:
0x186: {  	v7 =	vld [tilespmem:s7+$0xFFFFFF80];
	[tilespmem:s0+$0x20] =	vst v5;
	v0 =	vmul.f32 $1.131370830e+01, v0  }
0x187: {  	v5 =	vld [tilespmem:s7+$0xFFFFFF90];
	[tilespmem:s0+$0x30] =	vst v6;
	v2 =	vmul.f32 $1.131370830e+01, v2  }
0x188: {  	v6 =	vld [tilespmem:s7+$0xFFFFFFA0];
	[tilespmem:s0+$0x40] =	vst v0;
	v0 =	vmul.f32 $1.131370830e+01, v3  }
0x189: {  	v3 =	vld [tilespmem:s7+$0xFFFFFFB0];
	[tilespmem:s0+$0x50] =	vst v2;
	v2 =	vmul.f32 $1.131370830e+01, v4  }
0x18a: {  	v4 =	vld [tilespmem:s7+$0xFFFFFFC0];
	v1 =	vmul.f32 $1.131370830e+01, v1;
	[tilespmem:s0+$0x60] =	vst v0  }
0x18b: {  	v0 =	vmul.f32 $1.131370830e+01, v7;
	v7 =	vld [tilespmem:s7+$0xFFFFFFD0];
	[tilespmem:s0+$0x70] =	vst v2  }
0x18c: {  	v2 =	vmul.f32 $1.131370830e+01, v5;
	v5 =	vld [tilespmem:s7+$0xFFFFFFE0];
	[tilespmem:s0+$0xFFFFFFF0] =	vst v1;
	s0 =	smov.u32 s7  }
0x18d: {  	[tilespmem:s7+$0xFFFFFF80] =	vst v0;
	v0 =	vmul.f32 $1.131370830e+01, v6;
	v1 =	vld [tilespmem:s7+$0x0]  }
0x18e: {  	[tilespmem:s7+$0xFFFFFF90] =	vst v2;
	v2 =	vmul.f32 $1.131370830e+01, v3;
	v3 =	vld [tilespmem:s7+$0x10]  }
0x18f: {  	s6 =	sadd.s32 $0x2, s6;
	[tilespmem:s7+$0xFFFFFFA0] =	vst v0;
	v0 =	vmul.f32 $1.131370830e+01, v4;
	v4 =	vld [tilespmem:s7+$0x20]  }
0x190: {  	p0 =	slt.u32 s6, $0x30;
	[tilespmem:s7+$0xFFFFFFB0] =	vst v2;
	v2 =	vmul.f32 $1.131370830e+01, v7;
	v6 =	vld [tilespmem:s7+$0x30]  }
.Ltmp7:
0x191: {  	[tilespmem:s7+$0xFFFFFFC0] =	vst v0;
	v5 =	vmul.f32 $1.131370830e+01, v5;
	v0 =	vld [tilespmem:s7+$0x40];
	(pc) =	sbr.rel @p0 .LBB2_17-.Ltmp7, $4  }
0x192: {  	[tilespmem:s7+$0xFFFFFFD0] =	vst v2;
	v1 =	vmul.f32 $1.131370830e+01, v1;
	v2 =	vld [tilespmem:s7+$0x50]  }
0x193: {  	[tilespmem:s7+$0xFFFFFFE0] =	vst v5;
	v7 =	vmul.f32 $1.131370830e+01, v3;
	v3 =	vld [tilespmem:s7+$0x60]  }
0x194: {  	[tilespmem:s7+$0x0] =	vst v1;
	v5 =	vmul.f32 $1.131370830e+01, v4;
	v4 =	vld [tilespmem:s7+$0x70]  }
0x195: {  	s7 =	sadd.s32 $0x100, s7;
	v1 =	vld [tilespmem:s0+$0xFFFFFFF0];
	[tilespmem:s0+$0x10] =	vst v7;
	v6 =	vmul.f32 $1.131370830e+01, v6  }
0x196: {  	[tilespmem:s0+$0x20] =	vst v5;
	v0 =	vmul.f32 $1.131370830e+01, v0  }
0x197: {  	s8 =	sadd.s32 $0x1, s8;
	[tilespmem:s0+$0x30] =	vst v6;
	v2 =	vmul.f32 $1.131370830e+01, v2  }
0x198: {  	p0 =	sne.s32 s8, $0x10;
	[tilespmem:s0+$0x40] =	vst v0;
	v62 =	vmul.f32 $1.131370830e+01, v3  }
.Ltmp8:
0x199: {  	s2 =	sadd.s32 s4, s2;
	[tilespmem:s0+$0x50] =	vst v2;
	v63 =	vmul.f32 $1.131370830e+01, v4;
	(pc) =	sbr.rel @p0 .LBB2_2-.Ltmp8, $4  }
0x19a: {  	s2 =	smul.u32 $0x380, s2;
	v1 =	vmul.f32 $1.131370830e+01, v1;
	[tilespmem:s0+$0x60] =	vst v62  }
0x19b: {  	[tilespmem:s0+$0x70] =	vst v63  }
0x19c: {  	s31 =	sadd.s32 s5, s2;
	[tilespmem:s0+$0xFFFFFFF0] =	vst v1  }
0x19d: {  	[hbm4b:s31+s3] =	stream.linear.scatter [tilespmem:s23], [sflag:$0x10], $0x1900, $0x38;
	[tilespmem:$0x12000] =	vst v63  }
0x19e: {  	s0 =	simm.s32 $0x9  }
0x19f: {  	_ =	swait.ge [sflag:s0], $0x1900  }
0x1a0: {  	[sflag:s0] =	ssyncset.done $0x0  }
0x1a1: {  	s7 =	simm.s32 $0xA;
	[sflag:s0] =	ssyncadd.s32 $0xFFFFE700  }
0x1a2: {  	_ =	swait.ge [sflag:s7], $0x1900  }
0x1a3: {  	[sflag:s7] =	ssyncset.done $0x0  }
0x1a4: {  	s8 =	simm.s32 $0xB;
	[sflag:s7] =	ssyncadd.s32 $0xFFFFE700  }
0x1a5: {  	_ =	swait.ge [sflag:s8], $0x1900  }
0x1a6: {  	[sflag:s8] =	ssyncset.done $0x0  }
0x1a7: {  	s11 =	simm.s32 $0xC;
	[sflag:s8] =	ssyncadd.s32 $0xFFFFE700  }
0x1a8: {  	_ =	swait.ge [sflag:s11], $0x1900  }
0x1a9: {  	[sflag:s11] =	ssyncset.done $0x0  }
0x1aa: {  	s13 =	simm.s32 $0xD;
	[sflag:s11] =	ssyncadd.s32 $0xFFFFE700  }
0x1ab: {  	_ =	swait.ge [sflag:s13], $0x1900  }
0x1ac: {  	[sflag:s13] =	ssyncset.done $0x0  }
0x1ad: {  	s15 =	simm.s32 $0xE;
	[sflag:s13] =	ssyncadd.s32 $0xFFFFE700  }
0x1ae: {  	_ =	swait.ge [sflag:s15], $0x1900  }
0x1af: {  	[sflag:s15] =	ssyncset.done $0x0  }
0x1b0: {  	s17 =	simm.s32 $0xF;
	[sflag:s15] =	ssyncadd.s32 $0xFFFFE700  }
0x1b1: {  	_ =	swait.ge [sflag:s17], $0x1900  }
0x1b2: {  	[sflag:s17] =	ssyncset.done $0x0  }
0x1b3: {  	s2 =	simm.s32 $0x10;
	[sflag:s17] =	ssyncadd.s32 $0xFFFFE700  }
0x1b4: {  	_ =	swait.ge [sflag:s2], $0x1900  }
0x1b5: {  	s6 =	rddreg [dreg:$0x6]  }
0x1b6: {  	s31 =	rddreg [dreg:$0x5];
	s6 =	sadd.s32 $0x1, s6  }
0x1b7: {  	p0 =	sne.s32 s6, s31  }
.Ltmp9:
0x1b8: {  	_ = 	snop;
	(pc) =	sbr.rel @p0 .LBB2_1-.Ltmp9, $3  }
0x1b9: {  	_ =	sdelay $0x1  }
0x1ba: {  	[sflag:s2] =	ssyncset.done $0x0  }
0x1bb: {  	[sflag:s2] =	ssyncadd.s32 $0xFFFFE700  }
0x1bc: {  	_ =	sfence.sel $0x180000  }
0x1bd: {  	[bflag:$0x0] =	sbarrier.arrive $0xFFFF  }
0x1be: {  	_ =	strace $0x90000047  }
0x1bf: {  	s0 =	stileid.u32;
	[bflag:$0x2] =	sbarrier.arrive $0xFFFF  }
0x1c0: {  	p0 =	sne.s32 s0, $0x0;
	s0 =	rddreg [dreg:$0x3]  }
0x1c1: {  	s0 =	sadd.s32 @!p0 $0x100000, s0  }
0x1c2: {  	[sflag:s0] =	ssyncadd.tile.s32 @!p0 $0x1;
	_ =	shalt  }
.Lfunc_end2:
_tile_overlayer_lowered:
.L_overlay_start_2:
0x1c3: {  	(tag) =	ssettag $0x2  }
0x1c4: {  	s0 =	rddreg [dreg:$0x0];
	s2 =	stileid.u32  }
0x1c5: {  	s1 =	rddreg [dreg:$0x1];
	p0 =	sne.s32 s2, $0x0  }
0x1c6: {  	s3 =	rddreg [dreg:$0x2];
	[bflag:$0x3] =	sbarrier.arrive $0xFFFF;
	s2 =	simm.s32 @!p0 $0x1C11  }
0x1c7: {  	[timem:s3], [sflag:s2] =	dma.local @!p0 [hbm:s0], s1  }
0x1c8: {  	s0 =	simm.s32 @!p0 $0x11  }
0x1c9: {  	_ =	swait.ge @!p0 [sflag:s0], s1  }
0x1ca: {  	s1 =	ssub.s32 @!p0 $0x0, s1;
	[sflag:s0] =	ssyncset.done @!p0 $0x0  }
0x1cb: {  	[sflag:s0] =	ssyncadd.s32 @!p0 s1  }
0x1cc: {  	[bflag:$0x3] =	sbarrier.arrive $0xFFFF  }
0x1cd: {  	_ =	shalt  }

</sc_bundles>
